<compile_context>
chip_gen: v7x
topology: tpu7x:2x2x1
jax: 0.10.2.dev20260603
libtpu: 0.0.44.dev20260713+nightly
codegen_flags: <defaults>
</compile_context>

<pallas_src>
import functools

import jax
import jax.numpy as jnp
from jax import lax
from jax.experimental import pallas as pl
from jax.experimental.pallas import tpu as pltpu
from jax.experimental.pallas import tpu_sc as plsc

_B = 16384
_D = 32
_ROWS = 1000000

_info = plsc.get_sparse_core_info()
_NC = _info.num_cores
_NS = _info.num_subcores
_NW = _NC * _NS

_CH = 1664
_NCHUNK = 601
_CPW = 19
_SPAN = _CPW * _CH
_MCAP = 1040
_CCAP = 128

_mesh = plsc.VectorSubcoreMesh(core_axis_name="c", subcore_axis_name="s")


@functools.partial(
    pl.kernel,
    mesh=_mesh,
    out_type=jax.ShapeDtypeStruct((_B * _D,), jnp.float32),
    scratch_types=[
        pltpu.VMEM((_B,), jnp.int32),
        pltpu.VMEM((_MCAP,), jnp.int32),
        pltpu.VMEM((_MCAP,), jnp.int32),
        pltpu.VMEM((_CCAP,), jnp.int32),
        pltpu.VMEM((_CCAP,), jnp.int32),
        pltpu.VMEM((32,), jnp.int32),
        pltpu.VMEM((2, _D, _CH), jnp.float32),
        pltpu.VMEM((_CCAP * _D,), jnp.float32),
        pltpu.SemaphoreType.DMA,
        pltpu.SemaphoreType.DMA,
    ],
    compiler_params=pltpu.CompilerParams(needs_layout_passes=False),
)
def _gather(idx_hbm, tableT_hbm, out_hbm, idx_v, mi_v, mg_v, ci_v, cg_v,
            bnc_v, slab_v, rows_v, sem_i, sem):
    wid = lax.axis_index("s") * _NC + lax.axis_index("c")
    lo = wid * _SPAN
    lo16 = jnp.full((16,), lo, jnp.int32)
    hi16 = lo16 + _SPAN
    icopy = pltpu.async_copy(idx_hbm, idx_v, sem_i)

    def _issue(cid, buf, ok=True):
        @pl.when(jnp.logical_and(cid < _NCHUNK, ok))
        def _go():
            pltpu.async_copy(
                tableT_hbm.at[:, :, pl.ds(pl.multiple_of(cid * _CH, 128), _CH)],
                slab_v.at[pl.ds(buf, 1)], sem,
            )

    _issue(wid * _CPW, jnp.int32(0))
    icopy.wait()

    lanes = lax.iota(jnp.int32, 16)

    def _pack_step(iv, gv, m, dst_i, dst_g, cap, carry):
        n, pend_i, pend_g = carry
        cnt = plsc.all_reduce_population_count(m)[0]
        key = jnp.where(m, lanes, 100 + lanes)
        _, perm = plsc.sort_key_val(key, lanes)
        bnc_v[pl.ds(0, 16)] = iv
        bnc_v[pl.ds(16, 16)] = gv
        comp_i = plsc.load_gather(bnc_v, [perm])
        comp_g = plsc.load_gather(bnc_v, [perm + 16])
        nf = lax.rem(n, 16)
        nf16 = jnp.full((16,), nf, jnp.int32)
        bnc_v[pl.ds(0, 16)] = pend_i
        bnc_v[pl.ds(16, 16)] = comp_i
        sel = jnp.where(lanes < nf16, lanes, 16 + lanes - nf16)
        over = jnp.minimum(16 + lanes + (16 - nf16), 31)
        merged_i = plsc.load_gather(bnc_v, [sel])
        over_i = plsc.load_gather(bnc_v, [over])
        bnc_v[pl.ds(0, 16)] = pend_g
        bnc_v[pl.ds(16, 16)] = comp_g
        merged_g = plsc.load_gather(bnc_v, [sel])
        over_g = plsc.load_gather(bnc_v, [over])
        base = jnp.minimum(n - nf, cap - 16)
        full = nf + cnt >= 16

        @pl.when(full)
        def _flush():
            dst_i[pl.ds(base, 16)] = merged_i
            dst_g[pl.ds(base, 16)] = merged_g

        full16 = jnp.full((16,), full, jnp.bool_)
        new_pend_i = jnp.where(full16, over_i, merged_i)
        new_pend_g = jnp.where(full16, over_g, merged_g)
        return (n + cnt, new_pend_i, new_pend_g)

    def _flush_tail(dst_i, dst_g, cap, carry):
        n, pend_i, pend_g = carry
        base = jnp.minimum(n - lax.rem(n, 16), cap - 16)

        @pl.when(lax.rem(n, 16) > 0)
        def _tail():
            dst_i[pl.ds(base, 16)] = pend_i
            dst_g[pl.ds(base, 16)] = pend_g

    def _scan_all(g, carry):
        iv = idx_v[pl.ds(g * 16, 16)]
        m = jnp.logical_and(iv >= lo16, iv < hi16)
        return _pack_step(iv, g * 16 + lanes, m, mi_v, mg_v, _MCAP, carry)

    zero16 = jnp.zeros((16,), jnp.int32)
    carry1 = lax.fori_loop(0, _B // 16, _scan_all,
                           (jnp.int32(0), zero16, zero16))
    _flush_tail(mi_v, mg_v, _MCAP, carry1)
    nmine = jnp.minimum(carry1[0], _MCAP - 16)
    nmine16 = jnp.full((16,), nmine, jnp.int32)

    def _chunk(c, carry):
        cid = wid * _CPW + c
        clo = cid * _CH
        par = lax.rem(c, 2)

        @pl.when(cid < _NCHUNK)
        def _wait_mine():
            pltpu.make_async_copy(
                tableT_hbm.at[:, :, pl.ds(0, _CH)],
                slab_v.at[pl.ds(par, 1)], sem,
            ).wait()

        _issue(cid + 1, 1 - par, c + 1 < _CPW)

        clo16 = jnp.full((16,), clo, jnp.int32)
        chi16 = clo16 + _CH

        def _scan_mine(k, carry2):
            iv = mi_v[pl.ds(k * 16, 16)]
            gv = mg_v[pl.ds(k * 16, 16)]
            valid = (k * 16 + lanes) < nmine16
            m = jnp.logical_and(valid,
                                jnp.logical_and(iv >= clo16, iv < chi16))
            return _pack_step(iv, gv, m, ci_v, cg_v, _CCAP, carry2)

        carry2 = lax.fori_loop(0, (nmine + 15) // 16, _scan_mine,
                               (jnp.int32(0), zero16, zero16))
        _flush_tail(ci_v, cg_v, _CCAP, carry2)
        nch = jnp.minimum(carry2[0], _CCAP - 16)

        def _emit(k, _2):
            iv = ci_v[pl.ds(k * 16, 16)]
            gv = cg_v[pl.ds(k * 16, 16)]
            col16 = iv - clo16
            for l in range(16):
                @pl.when(k * 16 + l < nch)
                def _one(l=l):
                    s2 = k * 16 + l
                    col = jnp.full((16,), col16[l], jnp.int32)
                    par16 = jnp.full((16,), par, jnp.int32)
                    v0 = plsc.load_gather(slab_v, [par16, lanes, col])
                    v1 = plsc.load_gather(slab_v, [par16, lanes + 16, col])
                    rows_v[pl.ds(s2 * _D, 16)] = v0
                    rows_v[pl.ds(s2 * _D + 16, 16)] = v1
                    g = gv[l]
                    pltpu.async_copy(
                        rows_v.at[pl.ds(s2 * _D, _D)],
                        out_hbm.at[pl.ds(g * _D, _D)],
                        sem_i,
                    )
            return _2

        lax.fori_loop(0, (nch + 15) // 16, _emit, jnp.int32(0))

        def _drain(k, _3):
            pltpu.make_async_copy(
                out_hbm.at[pl.ds(0, _D)], rows_v.at[pl.ds(0, _D)], sem_i
            ).wait()
            return _3

        lax.fori_loop(0, nch, _drain, jnp.int32(0))
        return carry

    lax.fori_loop(0, _CPW, _chunk, jnp.int32(0))


def kernel(x, ker):
    out1 = _gather(x.astype(jnp.int32), ker.T.reshape(1, _D, _ROWS))
    return out1.reshape(_B, _D)[:, :, None]

# --- scband reference (transcript-rebuilt; emitter-appended) ---
"""Pipeline reference for scband-hid-feat-layer-11510512353900 (READ-ONLY COPY).

The authoritative reference and input builder live on the scoring server;
editing this copy changes nothing except your own understanding.
"""

import jax, jax.numpy as jnp
import numpy as np

SPACE_SIZE = 1000000
OUT_DIM = 32
BATCH = 16384

def setup_inputs(seed: int = 0) -> dict:
    key = jax.random.key(seed)
    k_idx, k_ker = jax.random.split(key)
    x = jax.random.randint(k_idx, (BATCH,), 0, SPACE_SIZE, dtype=jnp.int64) if jax.config.jax_enable_x64 else jax.random.randint(k_idx, (BATCH,), 0, SPACE_SIZE, dtype=jnp.int32)
    # glorot_normal init for the embedding table (fan_in=SPACE_SIZE, fan_out=OUT_DIM)
    stddev = jnp.sqrt(2.0 / (SPACE_SIZE + OUT_DIM))
    ker = jax.random.normal(k_ker, (SPACE_SIZE, OUT_DIM), dtype=jnp.float32) * stddev
    return {"x": x, "ker": ker}

def reference(x, ker):
    # tf.nn.embedding_lookup(ker, x) -> gather rows; then expand_dims(-1)
    choosed = jnp.take(ker, x, axis=0)
    return jnp.expand_dims(choosed, -1)

if __name__ == "__main__":
    import jax
    _d = setup_inputs()
    print(jax.jit(kernel)(*tuple(_d.values())))

</pallas_src>

<mosaic_0001>
#map = affine_map<(d0, d1) -> (0)>
#map1 = affine_map<(d0, d1) -> (0, 0, 0)>
module attributes {stable_mosaic.version = 14 : i64} {
  func.func @_gather(%arg0: i32, %arg1: i32, %arg2: memref<16384xi32, #tpu.memory_space<hbm>>, %arg3: memref<1x32x1000000xf32, #tpu.memory_space<hbm>>, %arg4: memref<524288xf32, #tpu.memory_space<hbm>>, %arg5: memref<16384xi32, #tpu.memory_space<vmem>>, %arg6: memref<1040xi32, #tpu.memory_space<vmem>>, %arg7: memref<1040xi32, #tpu.memory_space<vmem>>, %arg8: memref<128xi32, #tpu.memory_space<vmem>>, %arg9: memref<128xi32, #tpu.memory_space<vmem>>, %arg10: memref<32xi32, #tpu.memory_space<vmem>>, %arg11: memref<2x32x1664xf32, #tpu.memory_space<vmem>>, %arg12: memref<4096xf32, #tpu.memory_space<vmem>>, %arg13: memref<!tpu.dma_semaphore, #tpu.memory_space<semaphore_mem>>, %arg14: memref<!tpu.dma_semaphore, #tpu.memory_space<semaphore_mem>>) attributes {dimension_semantics = [#tpu.dimension_semantics<core_parallel>, #tpu.dimension_semantics<subcore_parallel>], iteration_bounds = array<i64: 2, 16>, scalar_prefetch = 0 : i64, scratch_operands = 10 : i64, tpu.core_type = #tpu.core_type<sc_vector_subcore>, window_params = [{transform_indices = #map}, {transform_indices = #map1}, {transform_indices = #map}]} {
    %mul3A = arith.constant 2 : i32
    %mul3A_0 = arith.muli %arg1, %mul3A : i32
    %add3A = arith.addi %mul3A_0, %arg0 : i32
    %mul3A_1 = arith.constant 31616 : i32
    %mul3A_2 = arith.muli %add3A, %mul3A_1 : i32
    %broadcast_in_dim3A = vector.broadcast %mul3A_2 : i32 to vector<16xi32>
    %add3A_3 = arith.constant 31616 : i32
    %add3A_4 = vector.broadcast %add3A_3 : i32 to vector<16xi32>
    %add3A_5 = arith.addi %broadcast_in_dim3A, %add3A_4 : vector<16xi32>
    tpu.enqueue_dma source(%arg2 : memref<16384xi32, #tpu.memory_space<hbm>>) target(%arg5 : memref<16384xi32, #tpu.memory_space<vmem>>) target_semaphore(%arg13 : memref<!tpu.dma_semaphore, #tpu.memory_space<semaphore_mem>>)
    %mul3A_6 = arith.constant 19 : i32
    %mul3A_7 = arith.muli %add3A, %mul3A_6 : i32
    %lt3A = arith.constant 601 : i32
    %lt3A_8 = arith.cmpi slt, %mul3A_7, %lt3A : i32
    %and3A = arith.constant true
    %and3A_9 = arith.andi %lt3A_8, %and3A : i1
    %convert_element_type3A = arith.extui %and3A_9 : i1 to i32
    %cond3A = arith.constant 0 : i32
    %cond3A_10 = arith.constant 0 : i32
    %cond3A_11 = arith.cmpi ne, %convert_element_type3A, %cond3A_10 : i32
    scf.if %cond3A_11 {
      %mul3A_37 = arith.constant 1664 : i32
      %mul3A_38 = arith.muli %mul3A_7, %mul3A_37 : i32
      %multiple_of3A = tpu.assume_multiple %mul3A_38, 128 : i32
      %dma_start3A = arith.constant 0 : i32
      %dma_start3A_39 = arith.constant 0 : i32
      %dma_start3A_40 = tpu.memref_slice %arg11[%cond3A, %dma_start3A, %dma_start3A_39] : memref<2x32x1664xf32, #tpu.memory_space<vmem>> -> memref<1x32x1664xf32, #tpu.memory_space<vmem>>
      %dma_start3A_41 = arith.constant 0 : i32
      %dma_start3A_42 = arith.constant 0 : i32
      %dma_start3A_43 = tpu.memref_slice %arg3[%dma_start3A_41, %dma_start3A_42, %multiple_of3A] : memref<1x32x1000000xf32, #tpu.memory_space<hbm>> -> memref<1x32x1664xf32, #tpu.memory_space<hbm>>
      %dma_start3A_44 = arith.constant 0 : i32
      %dma_start3A_45 = arith.constant 0 : i32
      %dma_start3A_46 = tpu.memref_slice %arg11[%cond3A, %dma_start3A_44, %dma_start3A_45] : memref<2x32x1664xf32, #tpu.memory_space<vmem>> -> memref<1x32x1664xf32, #tpu.memory_space<vmem>>
      %dma_start3A_47 = arith.constant 0 : i32
      %dma_start3A_48 = arith.constant 0 : i32
      %dma_start3A_49 = tpu.memref_slice %arg3[%dma_start3A_47, %dma_start3A_48, %multiple_of3A] : memref<1x32x1000000xf32, #tpu.memory_space<hbm>> -> memref<1x32x1664xf32, #tpu.memory_space<hbm>>
      tpu.enqueue_dma source(%dma_start3A_49 : memref<1x32x1664xf32, #tpu.memory_space<hbm>>) target(%dma_start3A_46 : memref<1x32x1664xf32, #tpu.memory_space<vmem>>) target_semaphore(%arg14 : memref<!tpu.dma_semaphore, #tpu.memory_space<semaphore_mem>>)
    } else {
    }
    tpu.wait_dma2 semaphore(%arg13 : memref<!tpu.dma_semaphore, #tpu.memory_space<semaphore_mem>>) src(%arg2 : memref<16384xi32, #tpu.memory_space<hbm>>) dst(%arg5 : memref<16384xi32, #tpu.memory_space<vmem>>)
    %iota3A = tpu.iota {dimensions = array<i32: 0>} : vector<16xi32>
    %broadcast_in_dim3A_12 = arith.constant 0 : i32
    %broadcast_in_dim3A_13 = vector.broadcast %broadcast_in_dim3A_12 : i32 to vector<16xi32>
    %scan3A = arith.constant 0 : i32
    %scan3A_14 = arith.constant 0 : i32
    %scan3A_15 = arith.constant 1024 : i32
    %scan3A_16 = arith.addi %scan3A_14, %scan3A_15 : i32
    %scan3A_17 = arith.constant 1 : i32
    %scan3A_18:3 = scf.for %scan3A_37 = %scan3A_14 to %scan3A_16 step %scan3A_17 iter_args(%scan3A_38 = %scan3A, %scan3A_39 = %broadcast_in_dim3A_13, %scan3A_40 = %broadcast_in_dim3A_13) -> (i32, vector<16xi32>, vector<16xi32>)  : i32 {
      %mul3A_41 = arith.constant 16 : i32
      %mul3A_42 = arith.muli %scan3A_37, %mul3A_41 : i32
      %get3A = arith.index_cast %mul3A_42 : i32 to index
      %get3A_43 = tpu.vector_load %arg5[%get3A] {strides = array<i32>} : memref<16384xi32, #tpu.memory_space<vmem>>, vector<16xi32>,
      %ge3A = arith.cmpi sge, %get3A_43, %broadcast_in_dim3A : vector<16xi32>
      %lt3A_44 = arith.cmpi slt, %get3A_43, %add3A_5 : vector<16xi32>
      %and3A_45 = arith.andi %ge3A, %lt3A_44 : vector<16xi1>
      %mul3A_46 = arith.constant 16 : i32
      %mul3A_47 = arith.muli %scan3A_37, %mul3A_46 : i32
      %add3A_48 = vector.broadcast %mul3A_47 : i32 to vector<16xi32>
      %add3A_49 = arith.addi %add3A_48, %iota3A : vector<16xi32>
      %all_reduce_population_count3A = tpu.all_reduce %and3A_45 {dim = 0 : i64, kind = #tpu.reduction_kind<sum>} : vector<16xi1> -> vector<16xi32>
      %slice3A = vector.extract_strided_slice %all_reduce_population_count3A {offsets = [0], sizes = [1], strides = [1]} : vector<16xi32> to vector<1xi32>
      %squeeze3A = vector.extract %slice3A[0] : i32 from vector<1xi32>
      %add3A_50 = arith.constant 100 : i32
      %add3A_51 = vector.broadcast %add3A_50 : i32 to vector<16xi32>
      %add3A_52 = arith.addi %add3A_51, %iota3A : vector<16xi32>
      %select_n3A = arith.select %and3A_45, %iota3A, %add3A_52 : vector<16xi1>, vector<16xi32>
      %masked_sort3A = arith.constant dense<true> : vector<16xi1>
      %masked_sort3A_53 = arith.constant -2147483648 : i32
      %masked_sort3A_54 = vector.broadcast %masked_sort3A_53 : i32 to vector<16xi32>
      %masked_sort3A_55 = arith.xori %select_n3A, %masked_sort3A_54 : vector<16xi32>
      %masked_sort3A_56, %masked_sort3A_57, %masked_sort3A_58 = tpu.sort %masked_sort3A_55, %iota3A masked %masked_sort3A : (vector<16xi32>, vector<16xi32>, vector<16xi1>) -> (vector<16xi1>, vector<16xi32>, vector<16xi32>)
      %masked_sort3A_59 = arith.xori %masked_sort3A_57, %masked_sort3A_54 : vector<16xi32>
      %swap3A = arith.constant 0 : index
      %swap3A_60 = tpu.vector_load %arg10[%swap3A] {strides = array<i32>} : memref<32xi32, #tpu.memory_space<vmem>>, vector<16xi32>,
      tpu.vector_store %arg10[%swap3A], %get3A_43 {strides = array<i32>} : memref<32xi32, #tpu.memory_space<vmem>>, vector<16xi32>,
      %swap3A_61 = arith.constant 16 : index
      %swap3A_62 = tpu.vector_load %arg10[%swap3A_61] {strides = array<i32>} : memref<32xi32, #tpu.memory_space<vmem>>, vector<16xi32>,
      tpu.vector_store %arg10[%swap3A_61], %add3A_49 {strides = array<i32>} : memref<32xi32, #tpu.memory_space<vmem>>, vector<16xi32>,
      %gather3A = tpu.vector_load_idx %arg10[%masked_sort3A_58] : memref<32xi32, #tpu.memory_space<vmem>>[vector<16xi32>], vector<16xi32>,
      %add3A_63 = arith.constant 16 : i32
      %add3A_64 = vector.broadcast %add3A_63 : i32 to vector<16xi32>
      %add3A_65 = arith.addi %masked_sort3A_58, %add3A_64 : vector<16xi32>
      %gather3A_66 = tpu.vector_load_idx %arg10[%add3A_65] : memref<32xi32, #tpu.memory_space<vmem>>[vector<16xi32>], vector<16xi32>,
      %rem3A_67 = arith.constant 16 : i32
      %rem3A_68 = arith.remsi %scan3A_38, %rem3A_67 : i32
      %broadcast_in_dim3A_69 = vector.broadcast %rem3A_68 : i32 to vector<16xi32>
      %swap3A_70 = arith.constant 0 : index
      %swap3A_71 = tpu.vector_load %arg10[%swap3A_70] {strides = array<i32>} : memref<32xi32, #tpu.memory_space<vmem>>, vector<16xi32>,
      tpu.vector_store %arg10[%swap3A_70], %scan3A_39 {strides = array<i32>} : memref<32xi32, #tpu.memory_space<vmem>>, vector<16xi32>,
      %swap3A_72 = arith.constant 16 : index
      %swap3A_73 = tpu.vector_load %arg10[%swap3A_72] {strides = array<i32>} : memref<32xi32, #tpu.memory_space<vmem>>, vector<16xi32>,
      tpu.vector_store %arg10[%swap3A_72], %gather3A {strides = array<i32>} : memref<32xi32, #tpu.memory_space<vmem>>, vector<16xi32>,
      %lt3A_74 = arith.cmpi slt, %iota3A, %broadcast_in_dim3A_69 : vector<16xi32>
      %add3A_75 = arith.constant 16 : i32
      %add3A_76 = vector.broadcast %add3A_75 : i32 to vector<16xi32>
      %add3A_77 = arith.addi %add3A_76, %iota3A : vector<16xi32>
      %sub3A_78 = arith.subi %add3A_77, %broadcast_in_dim3A_69 : vector<16xi32>
      %select_n3A_79 = arith.select %lt3A_74, %iota3A, %sub3A_78 : vector<16xi1>, vector<16xi32>
      %add3A_80 = arith.constant 16 : i32
      %add3A_81 = vector.broadcast %add3A_80 : i32 to vector<16xi32>
      %add3A_82 = arith.addi %add3A_81, %iota3A : vector<16xi32>
      %sub3A_83 = arith.constant 16 : i32
      %sub3A_84 = vector.broadcast %sub3A_83 : i32 to vector<16xi32>
      %sub3A_85 = arith.subi %sub3A_84, %broadcast_in_dim3A_69 : vector<16xi32>
      %add3A_86 = arith.addi %add3A_82, %sub3A_85 : vector<16xi32>
      %min3A_87 = arith.constant 31 : i32
      %min3A_88 = vector.broadcast %min3A_87 : i32 to vector<16xi32>
      %min3A_89 = arith.minsi %add3A_86, %min3A_88 : vector<16xi32>
      %gather3A_90 = tpu.vector_load_idx %arg10[%select_n3A_79] : memref<32xi32, #tpu.memory_space<vmem>>[vector<16xi32>], vector<16xi32>,
      %gather3A_91 = tpu.vector_load_idx %arg10[%min3A_89] : memref<32xi32, #tpu.memory_space<vmem>>[vector<16xi32>], vector<16xi32>,
      %swap3A_92 = arith.constant 0 : index
      %swap3A_93 = tpu.vector_load %arg10[%swap3A_92] {strides = array<i32>} : memref<32xi32, #tpu.memory_space<vmem>>, vector<16xi32>,
      tpu.vector_store %arg10[%swap3A_92], %scan3A_40 {strides = array<i32>} : memref<32xi32, #tpu.memory_space<vmem>>, vector<16xi32>,
      %swap3A_94 = arith.constant 16 : index
      %swap3A_95 = tpu.vector_load %arg10[%swap3A_94] {strides = array<i32>} : memref<32xi32, #tpu.memory_space<vmem>>, vector<16xi32>,
      tpu.vector_store %arg10[%swap3A_94], %gather3A_66 {strides = array<i32>} : memref<32xi32, #tpu.memory_space<vmem>>, vector<16xi32>,
      %gather3A_96 = tpu.vector_load_idx %arg10[%select_n3A_79] : memref<32xi32, #tpu.memory_space<vmem>>[vector<16xi32>], vector<16xi32>,
      %gather3A_97 = tpu.vector_load_idx %arg10[%min3A_89] : memref<32xi32, #tpu.memory_space<vmem>>[vector<16xi32>], vector<16xi32>,
      %sub3A_98 = arith.subi %scan3A_38, %rem3A_68 : i32
      %min3A_99 = arith.constant 1024 : i32
      %min3A_100 = arith.minsi %sub3A_98, %min3A_99 : i32
      %add3A_101 = arith.addi %rem3A_68, %squeeze3A : i32
      %ge3A_102 = arith.constant 16 : i32
      %ge3A_103 = arith.cmpi sge, %add3A_101, %ge3A_102 : i32
      %convert_element_type3A_104 = arith.extui %ge3A_103 : i1 to i32
      %cond3A_105 = arith.constant 0 : i32
      %cond3A_106 = arith.cmpi ne, %convert_element_type3A_104, %cond3A_105 : i32
      scf.if %cond3A_106 {
        %swap3A_111 = arith.index_cast %min3A_100 : i32 to index
        %swap3A_112 = tpu.vector_load %arg6[%swap3A_111] {strides = array<i32>} : memref<1040xi32, #tpu.memory_space<vmem>>, vector<16xi32>,
        tpu.vector_store %arg6[%swap3A_111], %gather3A_90 {strides = array<i32>} : memref<1040xi32, #tpu.memory_space<vmem>>, vector<16xi32>,
        %swap3A_113 = arith.index_cast %min3A_100 : i32 to index
        %swap3A_114 = tpu.vector_load %arg7[%swap3A_113] {strides = array<i32>} : memref<1040xi32, #tpu.memory_space<vmem>>, vector<16xi32>,
        tpu.vector_store %arg7[%swap3A_113], %gather3A_96 {strides = array<i32>} : memref<1040xi32, #tpu.memory_space<vmem>>, vector<16xi32>,
      } else {
      }
      %broadcast_in_dim3A_107 = vector.broadcast %ge3A_103 : i1 to vector<16xi1>
      %select_n3A_108 = arith.select %broadcast_in_dim3A_107, %gather3A_91, %gather3A_90 : vector<16xi1>, vector<16xi32>
      %select_n3A_109 = arith.select %broadcast_in_dim3A_107, %gather3A_97, %gather3A_96 : vector<16xi1>, vector<16xi32>
      %add3A_110 = arith.addi %scan3A_38, %squeeze3A : i32
      scf.yield %add3A_110, %select_n3A_108, %select_n3A_109 : i32, vector<16xi32>, vector<16xi32>
    }
    %scan3A_19 = arith.constant 1024 : i32
    %rem3A = arith.constant 16 : i32
    %rem3A_20 = arith.remsi %scan3A_18#0, %rem3A : i32
    %sub3A = arith.subi %scan3A_18#0, %rem3A_20 : i32
    %min3A = arith.constant 1024 : i32
    %min3A_21 = arith.minsi %sub3A, %min3A : i32
    %rem3A_22 = arith.constant 16 : i32
    %rem3A_23 = arith.remsi %scan3A_18#0, %rem3A_22 : i32
    %gt3A = arith.constant 0 : i32
    %gt3A_24 = arith.cmpi sgt, %rem3A_23, %gt3A : i32
    %convert_element_type3A_25 = arith.extui %gt3A_24 : i1 to i32
    %cond3A_26 = arith.constant 0 : i32
    %cond3A_27 = arith.cmpi ne, %convert_element_type3A_25, %cond3A_26 : i32
    scf.if %cond3A_27 {
      %swap3A = arith.index_cast %min3A_21 : i32 to index
      %swap3A_37 = tpu.vector_load %arg6[%swap3A] {strides = array<i32>} : memref<1040xi32, #tpu.memory_space<vmem>>, vector<16xi32>,
      tpu.vector_store %arg6[%swap3A], %scan3A_18#1 {strides = array<i32>} : memref<1040xi32, #tpu.memory_space<vmem>>, vector<16xi32>,
      %swap3A_38 = arith.index_cast %min3A_21 : i32 to index
      %swap3A_39 = tpu.vector_load %arg7[%swap3A_38] {strides = array<i32>} : memref<1040xi32, #tpu.memory_space<vmem>>, vector<16xi32>,
      tpu.vector_store %arg7[%swap3A_38], %scan3A_18#2 {strides = array<i32>} : memref<1040xi32, #tpu.memory_space<vmem>>, vector<16xi32>,
    } else {
    }
    %min3A_28 = arith.constant 1024 : i32
    %min3A_29 = arith.minsi %scan3A_18#0, %min3A_28 : i32
    %broadcast_in_dim3A_30 = vector.broadcast %min3A_29 : i32 to vector<16xi32>
    %scan3A_31 = arith.constant 0 : i32
    %scan3A_32 = arith.constant 0 : i32
    %scan3A_33 = arith.constant 19 : i32
    %scan3A_34 = arith.addi %scan3A_32, %scan3A_33 : i32
    %scan3A_35 = arith.constant 1 : i32
    scf.for %scan3A_37 = %scan3A_32 to %scan3A_34 step %scan3A_35  : i32 {
      %mul3A_38 = arith.constant 19 : i32
      %mul3A_39 = arith.muli %add3A, %mul3A_38 : i32
      %add3A_40 = arith.addi %mul3A_39, %scan3A_37 : i32
      %mul3A_41 = arith.constant 1664 : i32
      %mul3A_42 = arith.muli %add3A_40, %mul3A_41 : i32
      %rem3A_43 = arith.constant 2 : i32
      %rem3A_44 = arith.remsi %scan3A_37, %rem3A_43 : i32
      %lt3A_45 = arith.constant 601 : i32
      %lt3A_46 = arith.cmpi slt, %add3A_40, %lt3A_45 : i32
      %convert_element_type3A_47 = arith.extui %lt3A_46 : i1 to i32
      %cond3A_48 = arith.constant 0 : i32
      %cond3A_49 = arith.cmpi ne, %convert_element_type3A_47, %cond3A_48 : i32
      scf.if %cond3A_49 {
        %dma_wait3A = arith.constant 0 : i32
        %dma_wait3A_160 = arith.constant 0 : i32
        %dma_wait3A_161 = tpu.memref_slice %arg11[%rem3A_44, %dma_wait3A, %dma_wait3A_160] : memref<2x32x1664xf32, #tpu.memory_space<vmem>> -> memref<1x32x1664xf32, #tpu.memory_space<vmem>>
        %dma_wait3A_162 = arith.constant 0 : i32
        %dma_wait3A_163 = arith.constant 0 : i32
        %dma_wait3A_164 = arith.constant 0 : i32
        %dma_wait3A_165 = tpu.memref_slice %arg3[%dma_wait3A_162, %dma_wait3A_163, %dma_wait3A_164] : memref<1x32x1000000xf32, #tpu.memory_space<hbm>> -> memref<1x32x1664xf32, #tpu.memory_space<hbm>>
        %dma_wait3A_166 = arith.constant 0 : i32
        %dma_wait3A_167 = arith.constant 0 : i32
        %dma_wait3A_168 = tpu.memref_slice %arg11[%rem3A_44, %dma_wait3A_166, %dma_wait3A_167] : memref<2x32x1664xf32, #tpu.memory_space<vmem>> -> memref<1x32x1664xf32, #tpu.memory_space<vmem>>
        %dma_wait3A_169 = arith.constant 0 : i32
        %dma_wait3A_170 = arith.constant 0 : i32
        %dma_wait3A_171 = arith.constant 0 : i32
        %dma_wait3A_172 = tpu.memref_slice %arg3[%dma_wait3A_169, %dma_wait3A_170, %dma_wait3A_171] : memref<1x32x1000000xf32, #tpu.memory_space<hbm>> -> memref<1x32x1664xf32, #tpu.memory_space<hbm>>
        tpu.wait_dma2 semaphore(%arg14 : memref<!tpu.dma_semaphore, #tpu.memory_space<semaphore_mem>>) src(%dma_wait3A_172 : memref<1x32x1664xf32, #tpu.memory_space<hbm>>) dst(%dma_wait3A_168 : memref<1x32x1664xf32, #tpu.memory_space<vmem>>)
      } else {
      }
      %add3A_50 = arith.constant 1 : i32
      %add3A_51 = arith.addi %add3A_40, %add3A_50 : i32
      %sub3A_52 = arith.constant 1 : i32
      %sub3A_53 = arith.subi %sub3A_52, %rem3A_44 : i32
      %add3A_54 = arith.constant 1 : i32
      %add3A_55 = arith.addi %scan3A_37, %add3A_54 : i32
      %lt3A_56 = arith.constant 19 : i32
      %lt3A_57 = arith.cmpi slt, %add3A_55, %lt3A_56 : i32
      %lt3A_58 = arith.constant 601 : i32
      %lt3A_59 = arith.cmpi slt, %add3A_51, %lt3A_58 : i32
      %and3A_60 = arith.andi %lt3A_59, %lt3A_57 : i1
      %convert_element_type3A_61 = arith.extui %and3A_60 : i1 to i32
      %cond3A_62 = arith.constant 0 : i32
      %cond3A_63 = arith.cmpi ne, %convert_element_type3A_61, %cond3A_62 : i32
      scf.if %cond3A_63 {
        %mul3A_160 = arith.constant 1664 : i32
        %mul3A_161 = arith.muli %add3A_51, %mul3A_160 : i32
        %multiple_of3A = tpu.assume_multiple %mul3A_161, 128 : i32
        %dma_start3A = arith.constant 0 : i32
        %dma_start3A_162 = arith.constant 0 : i32
        %dma_start3A_163 = tpu.memref_slice %arg11[%sub3A_53, %dma_start3A, %dma_start3A_162] : memref<2x32x1664xf32, #tpu.memory_space<vmem>> -> memref<1x32x1664xf32, #tpu.memory_space<vmem>>
        %dma_start3A_164 = arith.constant 0 : i32
        %dma_start3A_165 = arith.constant 0 : i32
        %dma_start3A_166 = tpu.memref_slice %arg3[%dma_start3A_164, %dma_start3A_165, %multiple_of3A] : memref<1x32x1000000xf32, #tpu.memory_space<hbm>> -> memref<1x32x1664xf32, #tpu.memory_space<hbm>>
        %dma_start3A_167 = arith.constant 0 : i32
        %dma_start3A_168 = arith.constant 0 : i32
        %dma_start3A_169 = tpu.memref_slice %arg11[%sub3A_53, %dma_start3A_167, %dma_start3A_168] : memref<2x32x1664xf32, #tpu.memory_space<vmem>> -> memref<1x32x1664xf32, #tpu.memory_space<vmem>>
        %dma_start3A_170 = arith.constant 0 : i32
        %dma_start3A_171 = arith.constant 0 : i32
        %dma_start3A_172 = tpu.memref_slice %arg3[%dma_start3A_170, %dma_start3A_171, %multiple_of3A] : memref<1x32x1000000xf32, #tpu.memory_space<hbm>> -> memref<1x32x1664xf32, #tpu.memory_space<hbm>>
        tpu.enqueue_dma source(%dma_start3A_172 : memref<1x32x1664xf32, #tpu.memory_space<hbm>>) target(%dma_start3A_169 : memref<1x32x1664xf32, #tpu.memory_space<vmem>>) target_semaphore(%arg14 : memref<!tpu.dma_semaphore, #tpu.memory_space<semaphore_mem>>)
      } else {
      }
      %broadcast_in_dim3A_64 = vector.broadcast %mul3A_42 : i32 to vector<16xi32>
      %add3A_65 = arith.constant 1664 : i32
      %add3A_66 = vector.broadcast %add3A_65 : i32 to vector<16xi32>
      %add3A_67 = arith.addi %broadcast_in_dim3A_64, %add3A_66 : vector<16xi32>
      %add3A_68 = arith.constant 15 : i32
      %add3A_69 = arith.addi %min3A_29, %add3A_68 : i32
      %jit3A = arith.constant 16 : i32
      %div3A = arith.divsi %add3A_69, %jit3A : i32
      %sign3A = arith.constant 0 : i32
      %sign3A_70 = arith.cmpi sgt, %add3A_69, %sign3A : i32
      %sign3A_71 = arith.extui %sign3A_70 : i1 to i32
      %sign3A_72 = arith.constant 0 : i32
      %sign3A_73 = arith.cmpi slt, %add3A_69, %sign3A_72 : i32
      %sign3A_74 = arith.extui %sign3A_73 : i1 to i32
      %sign3A_75 = arith.subi %sign3A_71, %sign3A_74 : i32
      %sign3A_76 = arith.constant 0 : i32
      %sign3A_77 = arith.cmpi sgt, %jit3A, %sign3A_76 : i32
      %sign3A_78 = arith.extui %sign3A_77 : i1 to i32
      %sign3A_79 = arith.constant 0 : i32
      %sign3A_80 = arith.cmpi slt, %jit3A, %sign3A_79 : i32
      %sign3A_81 = arith.extui %sign3A_80 : i1 to i32
      %sign3A_82 = arith.subi %sign3A_78, %sign3A_81 : i32
      %ne3A = arith.cmpi ne, %sign3A_75, %sign3A_82 : i32
      %rem3A_83 = arith.remsi %add3A_69, %jit3A : i32
      %ne3A_84 = arith.constant 0 : i32
      %ne3A_85 = arith.cmpi ne, %rem3A_83, %ne3A_84 : i32
      %and3A_86 = arith.andi %ne3A, %ne3A_85 : i1
      %sub3A_87 = arith.constant 1 : i32
      %sub3A_88 = arith.subi %div3A, %sub3A_87 : i32
      %select_n3A = arith.select %and3A_86, %sub3A_88, %div3A : i32
      %while3A = arith.constant 0 : i32
      %while3A_89 = arith.constant 0 : i32
      %while3A_90 = arith.subi %select_n3A, %while3A : i32
      %while3A_91 = arith.addi %while3A, %while3A_90 : i32
      %while3A_92 = arith.constant 1 : i32
      %while3A_93 = arith.divsi %while3A_90, %while3A_92 : i32
      %while3A_94 = arith.muli %while3A_93, %while3A_92 : i32
      %while3A_95 = arith.addi %while3A, %while3A_94 : i32
      %while3A_96 = arith.constant 1 : i32
      %while3A_97:3 = scf.for %while3A_160 = %while3A to %while3A_95 step %while3A_96 iter_args(%while3A_161 = %while3A_89, %while3A_162 = %broadcast_in_dim3A_13, %while3A_163 = %broadcast_in_dim3A_13) -> (i32, vector<16xi32>, vector<16xi32>)  : i32 {
        %mul3A_164 = arith.constant 16 : i32
        %mul3A_165 = arith.muli %while3A_160, %mul3A_164 : i32
        %get3A = arith.index_cast %mul3A_165 : i32 to index
        %get3A_166 = tpu.vector_load %arg6[%get3A] {strides = array<i32>} : memref<1040xi32, #tpu.memory_space<vmem>>, vector<16xi32>,
        %mul3A_167 = arith.constant 16 : i32
        %mul3A_168 = arith.muli %while3A_160, %mul3A_167 : i32
        %get3A_169 = arith.index_cast %mul3A_168 : i32 to index
        %get3A_170 = tpu.vector_load %arg7[%get3A_169] {strides = array<i32>} : memref<1040xi32, #tpu.memory_space<vmem>>, vector<16xi32>,
        %mul3A_171 = arith.constant 16 : i32
        %mul3A_172 = arith.muli %while3A_160, %mul3A_171 : i32
        %add3A_173 = vector.broadcast %mul3A_172 : i32 to vector<16xi32>
        %add3A_174 = arith.addi %add3A_173, %iota3A : vector<16xi32>
        %lt3A_175 = arith.cmpi slt, %add3A_174, %broadcast_in_dim3A_30 : vector<16xi32>
        %ge3A = arith.cmpi sge, %get3A_166, %broadcast_in_dim3A_64 : vector<16xi32>
        %lt3A_176 = arith.cmpi slt, %get3A_166, %add3A_67 : vector<16xi32>
        %and3A_177 = arith.andi %ge3A, %lt3A_176 : vector<16xi1>
        %and3A_178 = arith.andi %lt3A_175, %and3A_177 : vector<16xi1>
        %all_reduce_population_count3A = tpu.all_reduce %and3A_178 {dim = 0 : i64, kind = #tpu.reduction_kind<sum>} : vector<16xi1> -> vector<16xi32>
        %slice3A = vector.extract_strided_slice %all_reduce_population_count3A {offsets = [0], sizes = [1], strides = [1]} : vector<16xi32> to vector<1xi32>
        %squeeze3A = vector.extract %slice3A[0] : i32 from vector<1xi32>
        %add3A_179 = arith.constant 100 : i32
        %add3A_180 = vector.broadcast %add3A_179 : i32 to vector<16xi32>
        %add3A_181 = arith.addi %add3A_180, %iota3A : vector<16xi32>
        %select_n3A_182 = arith.select %and3A_178, %iota3A, %add3A_181 : vector<16xi1>, vector<16xi32>
        %masked_sort3A = arith.constant dense<true> : vector<16xi1>
        %masked_sort3A_183 = arith.constant -2147483648 : i32
        %masked_sort3A_184 = vector.broadcast %masked_sort3A_183 : i32 to vector<16xi32>
        %masked_sort3A_185 = arith.xori %select_n3A_182, %masked_sort3A_184 : vector<16xi32>
        %masked_sort3A_186, %masked_sort3A_187, %masked_sort3A_188 = tpu.sort %masked_sort3A_185, %iota3A masked %masked_sort3A : (vector<16xi32>, vector<16xi32>, vector<16xi1>) -> (vector<16xi1>, vector<16xi32>, vector<16xi32>)
        %masked_sort3A_189 = arith.xori %masked_sort3A_187, %masked_sort3A_184 : vector<16xi32>
        %swap3A = arith.constant 0 : index
        %swap3A_190 = tpu.vector_load %arg10[%swap3A] {strides = array<i32>} : memref<32xi32, #tpu.memory_space<vmem>>, vector<16xi32>,
        tpu.vector_store %arg10[%swap3A], %get3A_166 {strides = array<i32>} : memref<32xi32, #tpu.memory_space<vmem>>, vector<16xi32>,
        %swap3A_191 = arith.constant 16 : index
        %swap3A_192 = tpu.vector_load %arg10[%swap3A_191] {strides = array<i32>} : memref<32xi32, #tpu.memory_space<vmem>>, vector<16xi32>,
        tpu.vector_store %arg10[%swap3A_191], %get3A_170 {strides = array<i32>} : memref<32xi32, #tpu.memory_space<vmem>>, vector<16xi32>,
        %gather3A = tpu.vector_load_idx %arg10[%masked_sort3A_188] : memref<32xi32, #tpu.memory_space<vmem>>[vector<16xi32>], vector<16xi32>,
        %add3A_193 = arith.constant 16 : i32
        %add3A_194 = vector.broadcast %add3A_193 : i32 to vector<16xi32>
        %add3A_195 = arith.addi %masked_sort3A_188, %add3A_194 : vector<16xi32>
        %gather3A_196 = tpu.vector_load_idx %arg10[%add3A_195] : memref<32xi32, #tpu.memory_space<vmem>>[vector<16xi32>], vector<16xi32>,
        %rem3A_197 = arith.constant 16 : i32
        %rem3A_198 = arith.remsi %while3A_161, %rem3A_197 : i32
        %broadcast_in_dim3A_199 = vector.broadcast %rem3A_198 : i32 to vector<16xi32>
        %swap3A_200 = arith.constant 0 : index
        %swap3A_201 = tpu.vector_load %arg10[%swap3A_200] {strides = array<i32>} : memref<32xi32, #tpu.memory_space<vmem>>, vector<16xi32>,
        tpu.vector_store %arg10[%swap3A_200], %while3A_162 {strides = array<i32>} : memref<32xi32, #tpu.memory_space<vmem>>, vector<16xi32>,
        %swap3A_202 = arith.constant 16 : index
        %swap3A_203 = tpu.vector_load %arg10[%swap3A_202] {strides = array<i32>} : memref<32xi32, #tpu.memory_space<vmem>>, vector<16xi32>,
        tpu.vector_store %arg10[%swap3A_202], %gather3A {strides = array<i32>} : memref<32xi32, #tpu.memory_space<vmem>>, vector<16xi32>,
        %lt3A_204 = arith.cmpi slt, %iota3A, %broadcast_in_dim3A_199 : vector<16xi32>
        %add3A_205 = arith.constant 16 : i32
        %add3A_206 = vector.broadcast %add3A_205 : i32 to vector<16xi32>
        %add3A_207 = arith.addi %add3A_206, %iota3A : vector<16xi32>
        %sub3A_208 = arith.subi %add3A_207, %broadcast_in_dim3A_199 : vector<16xi32>
        %select_n3A_209 = arith.select %lt3A_204, %iota3A, %sub3A_208 : vector<16xi1>, vector<16xi32>
        %add3A_210 = arith.constant 16 : i32
        %add3A_211 = vector.broadcast %add3A_210 : i32 to vector<16xi32>
        %add3A_212 = arith.addi %add3A_211, %iota3A : vector<16xi32>
        %sub3A_213 = arith.constant 16 : i32
        %sub3A_214 = vector.broadcast %sub3A_213 : i32 to vector<16xi32>
        %sub3A_215 = arith.subi %sub3A_214, %broadcast_in_dim3A_199 : vector<16xi32>
        %add3A_216 = arith.addi %add3A_212, %sub3A_215 : vector<16xi32>
        %min3A_217 = arith.constant 31 : i32
        %min3A_218 = vector.broadcast %min3A_217 : i32 to vector<16xi32>
        %min3A_219 = arith.minsi %add3A_216, %min3A_218 : vector<16xi32>
        %gather3A_220 = tpu.vector_load_idx %arg10[%select_n3A_209] : memref<32xi32, #tpu.memory_space<vmem>>[vector<16xi32>], vector<16xi32>,
        %gather3A_221 = tpu.vector_load_idx %arg10[%min3A_219] : memref<32xi32, #tpu.memory_space<vmem>>[vector<16xi32>], vector<16xi32>,
        %swap3A_222 = arith.constant 0 : index
        %swap3A_223 = tpu.vector_load %arg10[%swap3A_222] {strides = array<i32>} : memref<32xi32, #tpu.memory_space<vmem>>, vector<16xi32>,
        tpu.vector_store %arg10[%swap3A_222], %while3A_163 {strides = array<i32>} : memref<32xi32, #tpu.memory_space<vmem>>, vector<16xi32>,
        %swap3A_224 = arith.constant 16 : index
        %swap3A_225 = tpu.vector_load %arg10[%swap3A_224] {strides = array<i32>} : memref<32xi32, #tpu.memory_space<vmem>>, vector<16xi32>,
        tpu.vector_store %arg10[%swap3A_224], %gather3A_196 {strides = array<i32>} : memref<32xi32, #tpu.memory_space<vmem>>, vector<16xi32>,
        %gather3A_226 = tpu.vector_load_idx %arg10[%select_n3A_209] : memref<32xi32, #tpu.memory_space<vmem>>[vector<16xi32>], vector<16xi32>,
        %gather3A_227 = tpu.vector_load_idx %arg10[%min3A_219] : memref<32xi32, #tpu.memory_space<vmem>>[vector<16xi32>], vector<16xi32>,
        %sub3A_228 = arith.subi %while3A_161, %rem3A_198 : i32
        %min3A_229 = arith.constant 112 : i32
        %min3A_230 = arith.minsi %sub3A_228, %min3A_229 : i32
        %add3A_231 = arith.addi %rem3A_198, %squeeze3A : i32
        %ge3A_232 = arith.constant 16 : i32
        %ge3A_233 = arith.cmpi sge, %add3A_231, %ge3A_232 : i32
        %convert_element_type3A_234 = arith.extui %ge3A_233 : i1 to i32
        %cond3A_235 = arith.constant 0 : i32
        %cond3A_236 = arith.cmpi ne, %convert_element_type3A_234, %cond3A_235 : i32
        scf.if %cond3A_236 {
          %swap3A_241 = arith.index_cast %min3A_230 : i32 to index
          %swap3A_242 = tpu.vector_load %arg8[%swap3A_241] {strides = array<i32>} : memref<128xi32, #tpu.memory_space<vmem>>, vector<16xi32>,
          tpu.vector_store %arg8[%swap3A_241], %gather3A_220 {strides = array<i32>} : memref<128xi32, #tpu.memory_space<vmem>>, vector<16xi32>,
          %swap3A_243 = arith.index_cast %min3A_230 : i32 to index
          %swap3A_244 = tpu.vector_load %arg9[%swap3A_243] {strides = array<i32>} : memref<128xi32, #tpu.memory_space<vmem>>, vector<16xi32>,
          tpu.vector_store %arg9[%swap3A_243], %gather3A_226 {strides = array<i32>} : memref<128xi32, #tpu.memory_space<vmem>>, vector<16xi32>,
        } else {
        }
        %broadcast_in_dim3A_237 = vector.broadcast %ge3A_233 : i1 to vector<16xi1>
        %select_n3A_238 = arith.select %broadcast_in_dim3A_237, %gather3A_221, %gather3A_220 : vector<16xi1>, vector<16xi32>
        %select_n3A_239 = arith.select %broadcast_in_dim3A_237, %gather3A_227, %gather3A_226 : vector<16xi1>, vector<16xi32>
        %add3A_240 = arith.addi %while3A_161, %squeeze3A : i32
        scf.yield %add3A_240, %select_n3A_238, %select_n3A_239 : i32, vector<16xi32>, vector<16xi32>
      }
      %while3A_98 = arith.constant 1 : i32
      %while3A_99:3 = scf.for %while3A_160 = %while3A_95 to %while3A_91 step %while3A_98 iter_args(%while3A_161 = %while3A_97#0, %while3A_162 = %while3A_97#1, %while3A_163 = %while3A_97#2) -> (i32, vector<16xi32>, vector<16xi32>)  : i32 {
        %mul3A_164 = arith.constant 16 : i32
        %mul3A_165 = arith.muli %while3A_160, %mul3A_164 : i32
        %get3A = arith.index_cast %mul3A_165 : i32 to index
        %get3A_166 = tpu.vector_load %arg6[%get3A] {strides = array<i32>} : memref<1040xi32, #tpu.memory_space<vmem>>, vector<16xi32>,
        %mul3A_167 = arith.constant 16 : i32
        %mul3A_168 = arith.muli %while3A_160, %mul3A_167 : i32
        %get3A_169 = arith.index_cast %mul3A_168 : i32 to index
        %get3A_170 = tpu.vector_load %arg7[%get3A_169] {strides = array<i32>} : memref<1040xi32, #tpu.memory_space<vmem>>, vector<16xi32>,
        %mul3A_171 = arith.constant 16 : i32
        %mul3A_172 = arith.muli %while3A_160, %mul3A_171 : i32
        %add3A_173 = vector.broadcast %mul3A_172 : i32 to vector<16xi32>
        %add3A_174 = arith.addi %add3A_173, %iota3A : vector<16xi32>
        %lt3A_175 = arith.cmpi slt, %add3A_174, %broadcast_in_dim3A_30 : vector<16xi32>
        %ge3A = arith.cmpi sge, %get3A_166, %broadcast_in_dim3A_64 : vector<16xi32>
        %lt3A_176 = arith.cmpi slt, %get3A_166, %add3A_67 : vector<16xi32>
        %and3A_177 = arith.andi %ge3A, %lt3A_176 : vector<16xi1>
        %and3A_178 = arith.andi %lt3A_175, %and3A_177 : vector<16xi1>
        %all_reduce_population_count3A = tpu.all_reduce %and3A_178 {dim = 0 : i64, kind = #tpu.reduction_kind<sum>} : vector<16xi1> -> vector<16xi32>
        %slice3A = vector.extract_strided_slice %all_reduce_population_count3A {offsets = [0], sizes = [1], strides = [1]} : vector<16xi32> to vector<1xi32>
        %squeeze3A = vector.extract %slice3A[0] : i32 from vector<1xi32>
        %add3A_179 = arith.constant 100 : i32
        %add3A_180 = vector.broadcast %add3A_179 : i32 to vector<16xi32>
        %add3A_181 = arith.addi %add3A_180, %iota3A : vector<16xi32>
        %select_n3A_182 = arith.select %and3A_178, %iota3A, %add3A_181 : vector<16xi1>, vector<16xi32>
        %masked_sort3A = arith.constant dense<true> : vector<16xi1>
        %masked_sort3A_183 = arith.constant -2147483648 : i32
        %masked_sort3A_184 = vector.broadcast %masked_sort3A_183 : i32 to vector<16xi32>
        %masked_sort3A_185 = arith.xori %select_n3A_182, %masked_sort3A_184 : vector<16xi32>
        %masked_sort3A_186, %masked_sort3A_187, %masked_sort3A_188 = tpu.sort %masked_sort3A_185, %iota3A masked %masked_sort3A : (vector<16xi32>, vector<16xi32>, vector<16xi1>) -> (vector<16xi1>, vector<16xi32>, vector<16xi32>)
        %masked_sort3A_189 = arith.xori %masked_sort3A_187, %masked_sort3A_184 : vector<16xi32>
        %swap3A = arith.constant 0 : index
        %swap3A_190 = tpu.vector_load %arg10[%swap3A] {strides = array<i32>} : memref<32xi32, #tpu.memory_space<vmem>>, vector<16xi32>,
        tpu.vector_store %arg10[%swap3A], %get3A_166 {strides = array<i32>} : memref<32xi32, #tpu.memory_space<vmem>>, vector<16xi32>,
        %swap3A_191 = arith.constant 16 : index
        %swap3A_192 = tpu.vector_load %arg10[%swap3A_191] {strides = array<i32>} : memref<32xi32, #tpu.memory_space<vmem>>, vector<16xi32>,
        tpu.vector_store %arg10[%swap3A_191], %get3A_170 {strides = array<i32>} : memref<32xi32, #tpu.memory_space<vmem>>, vector<16xi32>,
        %gather3A = tpu.vector_load_idx %arg10[%masked_sort3A_188] : memref<32xi32, #tpu.memory_space<vmem>>[vector<16xi32>], vector<16xi32>,
        %add3A_193 = arith.constant 16 : i32
        %add3A_194 = vector.broadcast %add3A_193 : i32 to vector<16xi32>
        %add3A_195 = arith.addi %masked_sort3A_188, %add3A_194 : vector<16xi32>
        %gather3A_196 = tpu.vector_load_idx %arg10[%add3A_195] : memref<32xi32, #tpu.memory_space<vmem>>[vector<16xi32>], vector<16xi32>,
        %rem3A_197 = arith.constant 16 : i32
        %rem3A_198 = arith.remsi %while3A_161, %rem3A_197 : i32
        %broadcast_in_dim3A_199 = vector.broadcast %rem3A_198 : i32 to vector<16xi32>
        %swap3A_200 = arith.constant 0 : index
        %swap3A_201 = tpu.vector_load %arg10[%swap3A_200] {strides = array<i32>} : memref<32xi32, #tpu.memory_space<vmem>>, vector<16xi32>,
        tpu.vector_store %arg10[%swap3A_200], %while3A_162 {strides = array<i32>} : memref<32xi32, #tpu.memory_space<vmem>>, vector<16xi32>,
        %swap3A_202 = arith.constant 16 : index
        %swap3A_203 = tpu.vector_load %arg10[%swap3A_202] {strides = array<i32>} : memref<32xi32, #tpu.memory_space<vmem>>, vector<16xi32>,
        tpu.vector_store %arg10[%swap3A_202], %gather3A {strides = array<i32>} : memref<32xi32, #tpu.memory_space<vmem>>, vector<16xi32>,
        %lt3A_204 = arith.cmpi slt, %iota3A, %broadcast_in_dim3A_199 : vector<16xi32>
        %add3A_205 = arith.constant 16 : i32
        %add3A_206 = vector.broadcast %add3A_205 : i32 to vector<16xi32>
        %add3A_207 = arith.addi %add3A_206, %iota3A : vector<16xi32>
        %sub3A_208 = arith.subi %add3A_207, %broadcast_in_dim3A_199 : vector<16xi32>
        %select_n3A_209 = arith.select %lt3A_204, %iota3A, %sub3A_208 : vector<16xi1>, vector<16xi32>
        %add3A_210 = arith.constant 16 : i32
        %add3A_211 = vector.broadcast %add3A_210 : i32 to vector<16xi32>
        %add3A_212 = arith.addi %add3A_211, %iota3A : vector<16xi32>
        %sub3A_213 = arith.constant 16 : i32
        %sub3A_214 = vector.broadcast %sub3A_213 : i32 to vector<16xi32>
        %sub3A_215 = arith.subi %sub3A_214, %broadcast_in_dim3A_199 : vector<16xi32>
        %add3A_216 = arith.addi %add3A_212, %sub3A_215 : vector<16xi32>
        %min3A_217 = arith.constant 31 : i32
        %min3A_218 = vector.broadcast %min3A_217 : i32 to vector<16xi32>
        %min3A_219 = arith.minsi %add3A_216, %min3A_218 : vector<16xi32>
        %gather3A_220 = tpu.vector_load_idx %arg10[%select_n3A_209] : memref<32xi32, #tpu.memory_space<vmem>>[vector<16xi32>], vector<16xi32>,
        %gather3A_221 = tpu.vector_load_idx %arg10[%min3A_219] : memref<32xi32, #tpu.memory_space<vmem>>[vector<16xi32>], vector<16xi32>,
        %swap3A_222 = arith.constant 0 : index
        %swap3A_223 = tpu.vector_load %arg10[%swap3A_222] {strides = array<i32>} : memref<32xi32, #tpu.memory_space<vmem>>, vector<16xi32>,
        tpu.vector_store %arg10[%swap3A_222], %while3A_163 {strides = array<i32>} : memref<32xi32, #tpu.memory_space<vmem>>, vector<16xi32>,
        %swap3A_224 = arith.constant 16 : index
        %swap3A_225 = tpu.vector_load %arg10[%swap3A_224] {strides = array<i32>} : memref<32xi32, #tpu.memory_space<vmem>>, vector<16xi32>,
        tpu.vector_store %arg10[%swap3A_224], %gather3A_196 {strides = array<i32>} : memref<32xi32, #tpu.memory_space<vmem>>, vector<16xi32>,
        %gather3A_226 = tpu.vector_load_idx %arg10[%select_n3A_209] : memref<32xi32, #tpu.memory_space<vmem>>[vector<16xi32>], vector<16xi32>,
        %gather3A_227 = tpu.vector_load_idx %arg10[%min3A_219] : memref<32xi32, #tpu.memory_space<vmem>>[vector<16xi32>], vector<16xi32>,
        %sub3A_228 = arith.subi %while3A_161, %rem3A_198 : i32
        %min3A_229 = arith.constant 112 : i32
        %min3A_230 = arith.minsi %sub3A_228, %min3A_229 : i32
        %add3A_231 = arith.addi %rem3A_198, %squeeze3A : i32
        %ge3A_232 = arith.constant 16 : i32
        %ge3A_233 = arith.cmpi sge, %add3A_231, %ge3A_232 : i32
        %convert_element_type3A_234 = arith.extui %ge3A_233 : i1 to i32
        %cond3A_235 = arith.constant 0 : i32
        %cond3A_236 = arith.cmpi ne, %convert_element_type3A_234, %cond3A_235 : i32
        scf.if %cond3A_236 {
          %swap3A_241 = arith.index_cast %min3A_230 : i32 to index
          %swap3A_242 = tpu.vector_load %arg8[%swap3A_241] {strides = array<i32>} : memref<128xi32, #tpu.memory_space<vmem>>, vector<16xi32>,
          tpu.vector_store %arg8[%swap3A_241], %gather3A_220 {strides = array<i32>} : memref<128xi32, #tpu.memory_space<vmem>>, vector<16xi32>,
          %swap3A_243 = arith.index_cast %min3A_230 : i32 to index
          %swap3A_244 = tpu.vector_load %arg9[%swap3A_243] {strides = array<i32>} : memref<128xi32, #tpu.memory_space<vmem>>, vector<16xi32>,
          tpu.vector_store %arg9[%swap3A_243], %gather3A_226 {strides = array<i32>} : memref<128xi32, #tpu.memory_space<vmem>>, vector<16xi32>,
        } else {
        }
        %broadcast_in_dim3A_237 = vector.broadcast %ge3A_233 : i1 to vector<16xi1>
        %select_n3A_238 = arith.select %broadcast_in_dim3A_237, %gather3A_221, %gather3A_220 : vector<16xi1>, vector<16xi32>
        %select_n3A_239 = arith.select %broadcast_in_dim3A_237, %gather3A_227, %gather3A_226 : vector<16xi1>, vector<16xi32>
        %add3A_240 = arith.addi %while3A_161, %squeeze3A : i32
        scf.yield %add3A_240, %select_n3A_238, %select_n3A_239 : i32, vector<16xi32>, vector<16xi32>
      }
      %rem3A_100 = arith.constant 16 : i32
      %rem3A_101 = arith.remsi %while3A_99#0, %rem3A_100 : i32
      %sub3A_102 = arith.subi %while3A_99#0, %rem3A_101 : i32
      %min3A_103 = arith.constant 112 : i32
      %min3A_104 = arith.minsi %sub3A_102, %min3A_103 : i32
      %rem3A_105 = arith.constant 16 : i32
      %rem3A_106 = arith.remsi %while3A_99#0, %rem3A_105 : i32
      %gt3A_107 = arith.constant 0 : i32
      %gt3A_108 = arith.cmpi sgt, %rem3A_106, %gt3A_107 : i32
      %convert_element_type3A_109 = arith.extui %gt3A_108 : i1 to i32
      %cond3A_110 = arith.constant 0 : i32
      %cond3A_111 = arith.cmpi ne, %convert_element_type3A_109, %cond3A_110 : i32
      scf.if %cond3A_111 {
        %swap3A = arith.index_cast %min3A_104 : i32 to index
        %swap3A_160 = tpu.vector_load %arg8[%swap3A] {strides = array<i32>} : memref<128xi32, #tpu.memory_space<vmem>>, vector<16xi32>,
        tpu.vector_store %arg8[%swap3A], %while3A_99#1 {strides = array<i32>} : memref<128xi32, #tpu.memory_space<vmem>>, vector<16xi32>,
        %swap3A_161 = arith.index_cast %min3A_104 : i32 to index
        %swap3A_162 = tpu.vector_load %arg9[%swap3A_161] {strides = array<i32>} : memref<128xi32, #tpu.memory_space<vmem>>, vector<16xi32>,
        tpu.vector_store %arg9[%swap3A_161], %while3A_99#2 {strides = array<i32>} : memref<128xi32, #tpu.memory_space<vmem>>, vector<16xi32>,
      } else {
      }
      %min3A_112 = arith.constant 112 : i32
      %min3A_113 = arith.minsi %while3A_99#0, %min3A_112 : i32
      %add3A_114 = arith.constant 15 : i32
      %add3A_115 = arith.addi %min3A_113, %add3A_114 : i32
      %jit3A_116 = arith.constant 16 : i32
      %div3A_117 = arith.divsi %add3A_115, %jit3A_116 : i32
      %sign3A_118 = arith.constant 0 : i32
      %sign3A_119 = arith.cmpi sgt, %add3A_115, %sign3A_118 : i32
      %sign3A_120 = arith.extui %sign3A_119 : i1 to i32
      %sign3A_121 = arith.constant 0 : i32
      %sign3A_122 = arith.cmpi slt, %add3A_115, %sign3A_121 : i32
      %sign3A_123 = arith.extui %sign3A_122 : i1 to i32
      %sign3A_124 = arith.subi %sign3A_120, %sign3A_123 : i32
      %sign3A_125 = arith.constant 0 : i32
      %sign3A_126 = arith.cmpi sgt, %jit3A_116, %sign3A_125 : i32
      %sign3A_127 = arith.extui %sign3A_126 : i1 to i32
      %sign3A_128 = arith.constant 0 : i32
      %sign3A_129 = arith.cmpi slt, %jit3A_116, %sign3A_128 : i32
      %sign3A_130 = arith.extui %sign3A_129 : i1 to i32
      %sign3A_131 = arith.subi %sign3A_127, %sign3A_130 : i32
      %ne3A_132 = arith.cmpi ne, %sign3A_124, %sign3A_131 : i32
      %rem3A_133 = arith.remsi %add3A_115, %jit3A_116 : i32
      %ne3A_134 = arith.constant 0 : i32
      %ne3A_135 = arith.cmpi ne, %rem3A_133, %ne3A_134 : i32
      %and3A_136 = arith.andi %ne3A_132, %ne3A_135 : i1
      %sub3A_137 = arith.constant 1 : i32
      %sub3A_138 = arith.subi %div3A_117, %sub3A_137 : i32
      %select_n3A_139 = arith.select %and3A_136, %sub3A_138, %div3A_117 : i32
      %while3A_140 = arith.constant 0 : i32
      %while3A_141 = arith.constant 0 : i32
      %while3A_142 = arith.subi %select_n3A_139, %while3A_141 : i32
      %while3A_143 = arith.addi %while3A_141, %while3A_142 : i32
      %while3A_144 = arith.constant 1 : i32
      %while3A_145 = arith.divsi %while3A_142, %while3A_144 : i32
      %while3A_146 = arith.muli %while3A_145, %while3A_144 : i32
      %while3A_147 = arith.addi %while3A_141, %while3A_146 : i32
      %while3A_148 = arith.constant 1 : i32
      scf.for %while3A_160 = %while3A_141 to %while3A_147 step %while3A_148  : i32 {
        %mul3A_161 = arith.constant 16 : i32
        %mul3A_162 = arith.muli %while3A_160, %mul3A_161 : i32
        %get3A = arith.index_cast %mul3A_162 : i32 to index
        %get3A_163 = tpu.vector_load %arg8[%get3A] {strides = array<i32>} : memref<128xi32, #tpu.memory_space<vmem>>, vector<16xi32>,
        %mul3A_164 = arith.constant 16 : i32
        %mul3A_165 = arith.muli %while3A_160, %mul3A_164 : i32
        %get3A_166 = arith.index_cast %mul3A_165 : i32 to index
        %get3A_167 = tpu.vector_load %arg9[%get3A_166] {strides = array<i32>} : memref<128xi32, #tpu.memory_space<vmem>>, vector<16xi32>,
        %sub3A_168 = arith.subi %get3A_163, %broadcast_in_dim3A_64 : vector<16xi32>
        %mul3A_169 = arith.constant 16 : i32
        %mul3A_170 = arith.muli %while3A_160, %mul3A_169 : i32
        %add3A_171 = arith.constant 0 : i32
        %add3A_172 = arith.addi %mul3A_170, %add3A_171 : i32
        %lt3A_173 = arith.cmpi slt, %add3A_172, %min3A_113 : i32
        %convert_element_type3A_174 = arith.extui %lt3A_173 : i1 to i32
        %cond3A_175 = arith.constant 0 : i32
        %cond3A_176 = arith.cmpi ne, %convert_element_type3A_174, %cond3A_175 : i32
        scf.if %cond3A_176 {
          %mul3A_297 = arith.constant 16 : i32
          %mul3A_298 = arith.muli %while3A_160, %mul3A_297 : i32
          %add3A_299 = arith.constant 0 : i32
          %add3A_300 = arith.addi %mul3A_298, %add3A_299 : i32
          %slice3A = vector.extract_strided_slice %sub3A_168 {offsets = [0], sizes = [1], strides = [1]} : vector<16xi32> to vector<1xi32>
          %squeeze3A = vector.extract %slice3A[0] : i32 from vector<1xi32>
          %broadcast_in_dim3A_301 = vector.broadcast %squeeze3A : i32 to vector<16xi32>
          %broadcast_in_dim3A_302 = vector.broadcast %rem3A_44 : i32 to vector<16xi32>
          %gather3A = tpu.vector_load_idx %arg11[%broadcast_in_dim3A_302, %iota3A, %broadcast_in_dim3A_301] : memref<2x32x1664xf32, #tpu.memory_space<vmem>>[vector<16xi32>, vector<16xi32>, vector<16xi32>], vector<16xf32>,
          %add3A_303 = arith.constant 16 : i32
          %add3A_304 = vector.broadcast %add3A_303 : i32 to vector<16xi32>
          %add3A_305 = arith.addi %iota3A, %add3A_304 : vector<16xi32>
          %gather3A_306 = tpu.vector_load_idx %arg11[%broadcast_in_dim3A_302, %add3A_305, %broadcast_in_dim3A_301] : memref<2x32x1664xf32, #tpu.memory_space<vmem>>[vector<16xi32>, vector<16xi32>, vector<16xi32>], vector<16xf32>,
          %mul3A_307 = arith.constant 32 : i32
          %mul3A_308 = arith.muli %add3A_300, %mul3A_307 : i32
          %swap3A = arith.index_cast %mul3A_308 : i32 to index
          %swap3A_309 = tpu.vector_load %arg12[%swap3A] {strides = array<i32>} : memref<4096xf32, #tpu.memory_space<vmem>>, vector<16xf32>,
          tpu.vector_store %arg12[%swap3A], %gather3A {strides = array<i32>} : memref<4096xf32, #tpu.memory_space<vmem>>, vector<16xf32>,
          %mul3A_310 = arith.constant 32 : i32
          %mul3A_311 = arith.muli %add3A_300, %mul3A_310 : i32
          %add3A_312 = arith.constant 16 : i32
          %add3A_313 = arith.addi %mul3A_311, %add3A_312 : i32
          %swap3A_314 = arith.index_cast %add3A_313 : i32 to index
          %swap3A_315 = tpu.vector_load %arg12[%swap3A_314] {strides = array<i32>} : memref<4096xf32, #tpu.memory_space<vmem>>, vector<16xf32>,
          tpu.vector_store %arg12[%swap3A_314], %gather3A_306 {strides = array<i32>} : memref<4096xf32, #tpu.memory_space<vmem>>, vector<16xf32>,
          %slice3A_316 = vector.extract_strided_slice %get3A_167 {offsets = [0], sizes = [1], strides = [1]} : vector<16xi32> to vector<1xi32>
          %squeeze3A_317 = vector.extract %slice3A_316[0] : i32 from vector<1xi32>
          %mul3A_318 = arith.constant 32 : i32
          %mul3A_319 = arith.muli %add3A_300, %mul3A_318 : i32
          %mul3A_320 = arith.constant 32 : i32
          %mul3A_321 = arith.muli %squeeze3A_317, %mul3A_320 : i32
          %dma_start3A = tpu.memref_slice %arg12[%mul3A_319] : memref<4096xf32, #tpu.memory_space<vmem>> -> memref<32xf32, #tpu.memory_space<vmem>>
          %dma_start3A_322 = tpu.memref_slice %arg4[%mul3A_321] : memref<524288xf32, #tpu.memory_space<hbm>> -> memref<32xf32, #tpu.memory_space<hbm>>
          %dma_start3A_323 = tpu.memref_slice %arg4[%mul3A_321] : memref<524288xf32, #tpu.memory_space<hbm>> -> memref<32xf32, #tpu.memory_space<hbm>>
          %dma_start3A_324 = tpu.memref_slice %arg12[%mul3A_319] : memref<4096xf32, #tpu.memory_space<vmem>> -> memref<32xf32, #tpu.memory_space<vmem>>
          tpu.enqueue_dma source(%dma_start3A_324 : memref<32xf32, #tpu.memory_space<vmem>>) target(%dma_start3A_323 : memref<32xf32, #tpu.memory_space<hbm>>) target_semaphore(%arg13 : memref<!tpu.dma_semaphore, #tpu.memory_space<semaphore_mem>>)
        } else {
        }
        %mul3A_177 = arith.constant 16 : i32
        %mul3A_178 = arith.muli %while3A_160, %mul3A_177 : i32
        %add3A_179 = arith.constant 1 : i32
        %add3A_180 = arith.addi %mul3A_178, %add3A_179 : i32
        %lt3A_181 = arith.cmpi slt, %add3A_180, %min3A_113 : i32
        %convert_element_type3A_182 = arith.extui %lt3A_181 : i1 to i32
        %cond3A_183 = arith.constant 0 : i32
        %cond3A_184 = arith.cmpi ne, %convert_element_type3A_182, %cond3A_183 : i32
        scf.if %cond3A_184 {
          %mul3A_297 = arith.constant 16 : i32
          %mul3A_298 = arith.muli %while3A_160, %mul3A_297 : i32
          %add3A_299 = arith.constant 1 : i32
          %add3A_300 = arith.addi %mul3A_298, %add3A_299 : i32
          %slice3A = vector.extract_strided_slice %sub3A_168 {offsets = [1], sizes = [1], strides = [1]} : vector<16xi32> to vector<1xi32>
          %squeeze3A = vector.extract %slice3A[0] : i32 from vector<1xi32>
          %broadcast_in_dim3A_301 = vector.broadcast %squeeze3A : i32 to vector<16xi32>
          %broadcast_in_dim3A_302 = vector.broadcast %rem3A_44 : i32 to vector<16xi32>
          %gather3A = tpu.vector_load_idx %arg11[%broadcast_in_dim3A_302, %iota3A, %broadcast_in_dim3A_301] : memref<2x32x1664xf32, #tpu.memory_space<vmem>>[vector<16xi32>, vector<16xi32>, vector<16xi32>], vector<16xf32>,
          %add3A_303 = arith.constant 16 : i32
          %add3A_304 = vector.broadcast %add3A_303 : i32 to vector<16xi32>
          %add3A_305 = arith.addi %iota3A, %add3A_304 : vector<16xi32>
          %gather3A_306 = tpu.vector_load_idx %arg11[%broadcast_in_dim3A_302, %add3A_305, %broadcast_in_dim3A_301] : memref<2x32x1664xf32, #tpu.memory_space<vmem>>[vector<16xi32>, vector<16xi32>, vector<16xi32>], vector<16xf32>,
          %mul3A_307 = arith.constant 32 : i32
          %mul3A_308 = arith.muli %add3A_300, %mul3A_307 : i32
          %swap3A = arith.index_cast %mul3A_308 : i32 to index
          %swap3A_309 = tpu.vector_load %arg12[%swap3A] {strides = array<i32>} : memref<4096xf32, #tpu.memory_space<vmem>>, vector<16xf32>,
          tpu.vector_store %arg12[%swap3A], %gather3A {strides = array<i32>} : memref<4096xf32, #tpu.memory_space<vmem>>, vector<16xf32>,
          %mul3A_310 = arith.constant 32 : i32
          %mul3A_311 = arith.muli %add3A_300, %mul3A_310 : i32
          %add3A_312 = arith.constant 16 : i32
          %add3A_313 = arith.addi %mul3A_311, %add3A_312 : i32
          %swap3A_314 = arith.index_cast %add3A_313 : i32 to index
          %swap3A_315 = tpu.vector_load %arg12[%swap3A_314] {strides = array<i32>} : memref<4096xf32, #tpu.memory_space<vmem>>, vector<16xf32>,
          tpu.vector_store %arg12[%swap3A_314], %gather3A_306 {strides = array<i32>} : memref<4096xf32, #tpu.memory_space<vmem>>, vector<16xf32>,
          %slice3A_316 = vector.extract_strided_slice %get3A_167 {offsets = [1], sizes = [1], strides = [1]} : vector<16xi32> to vector<1xi32>
          %squeeze3A_317 = vector.extract %slice3A_316[0] : i32 from vector<1xi32>
          %mul3A_318 = arith.constant 32 : i32
          %mul3A_319 = arith.muli %add3A_300, %mul3A_318 : i32
          %mul3A_320 = arith.constant 32 : i32
          %mul3A_321 = arith.muli %squeeze3A_317, %mul3A_320 : i32
          %dma_start3A = tpu.memref_slice %arg12[%mul3A_319] : memref<4096xf32, #tpu.memory_space<vmem>> -> memref<32xf32, #tpu.memory_space<vmem>>
          %dma_start3A_322 = tpu.memref_slice %arg4[%mul3A_321] : memref<524288xf32, #tpu.memory_space<hbm>> -> memref<32xf32, #tpu.memory_space<hbm>>
          %dma_start3A_323 = tpu.memref_slice %arg4[%mul3A_321] : memref<524288xf32, #tpu.memory_space<hbm>> -> memref<32xf32, #tpu.memory_space<hbm>>
          %dma_start3A_324 = tpu.memref_slice %arg12[%mul3A_319] : memref<4096xf32, #tpu.memory_space<vmem>> -> memref<32xf32, #tpu.memory_space<vmem>>
          tpu.enqueue_dma source(%dma_start3A_324 : memref<32xf32, #tpu.memory_space<vmem>>) target(%dma_start3A_323 : memref<32xf32, #tpu.memory_space<hbm>>) target_semaphore(%arg13 : memref<!tpu.dma_semaphore, #tpu.memory_space<semaphore_mem>>)
        } else {
        }
        %mul3A_185 = arith.constant 16 : i32
        %mul3A_186 = arith.muli %while3A_160, %mul3A_185 : i32
        %add3A_187 = arith.constant 2 : i32
        %add3A_188 = arith.addi %mul3A_186, %add3A_187 : i32
        %lt3A_189 = arith.cmpi slt, %add3A_188, %min3A_113 : i32
        %convert_element_type3A_190 = arith.extui %lt3A_189 : i1 to i32
        %cond3A_191 = arith.constant 0 : i32
        %cond3A_192 = arith.cmpi ne, %convert_element_type3A_190, %cond3A_191 : i32
        scf.if %cond3A_192 {
          %mul3A_297 = arith.constant 16 : i32
          %mul3A_298 = arith.muli %while3A_160, %mul3A_297 : i32
          %add3A_299 = arith.constant 2 : i32
          %add3A_300 = arith.addi %mul3A_298, %add3A_299 : i32
          %slice3A = vector.extract_strided_slice %sub3A_168 {offsets = [2], sizes = [1], strides = [1]} : vector<16xi32> to vector<1xi32>
          %squeeze3A = vector.extract %slice3A[0] : i32 from vector<1xi32>
          %broadcast_in_dim3A_301 = vector.broadcast %squeeze3A : i32 to vector<16xi32>
          %broadcast_in_dim3A_302 = vector.broadcast %rem3A_44 : i32 to vector<16xi32>
          %gather3A = tpu.vector_load_idx %arg11[%broadcast_in_dim3A_302, %iota3A, %broadcast_in_dim3A_301] : memref<2x32x1664xf32, #tpu.memory_space<vmem>>[vector<16xi32>, vector<16xi32>, vector<16xi32>], vector<16xf32>,
          %add3A_303 = arith.constant 16 : i32
          %add3A_304 = vector.broadcast %add3A_303 : i32 to vector<16xi32>
          %add3A_305 = arith.addi %iota3A, %add3A_304 : vector<16xi32>
          %gather3A_306 = tpu.vector_load_idx %arg11[%broadcast_in_dim3A_302, %add3A_305, %broadcast_in_dim3A_301] : memref<2x32x1664xf32, #tpu.memory_space<vmem>>[vector<16xi32>, vector<16xi32>, vector<16xi32>], vector<16xf32>,
          %mul3A_307 = arith.constant 32 : i32
          %mul3A_308 = arith.muli %add3A_300, %mul3A_307 : i32
          %swap3A = arith.index_cast %mul3A_308 : i32 to index
          %swap3A_309 = tpu.vector_load %arg12[%swap3A] {strides = array<i32>} : memref<4096xf32, #tpu.memory_space<vmem>>, vector<16xf32>,
          tpu.vector_store %arg12[%swap3A], %gather3A {strides = array<i32>} : memref<4096xf32, #tpu.memory_space<vmem>>, vector<16xf32>,
          %mul3A_310 = arith.constant 32 : i32
          %mul3A_311 = arith.muli %add3A_300, %mul3A_310 : i32
          %add3A_312 = arith.constant 16 : i32
          %add3A_313 = arith.addi %mul3A_311, %add3A_312 : i32
          %swap3A_314 = arith.index_cast %add3A_313 : i32 to index
          %swap3A_315 = tpu.vector_load %arg12[%swap3A_314] {strides = array<i32>} : memref<4096xf32, #tpu.memory_space<vmem>>, vector<16xf32>,
          tpu.vector_store %arg12[%swap3A_314], %gather3A_306 {strides = array<i32>} : memref<4096xf32, #tpu.memory_space<vmem>>, vector<16xf32>,
          %slice3A_316 = vector.extract_strided_slice %get3A_167 {offsets = [2], sizes = [1], strides = [1]} : vector<16xi32> to vector<1xi32>
          %squeeze3A_317 = vector.extract %slice3A_316[0] : i32 from vector<1xi32>
          %mul3A_318 = arith.constant 32 : i32
          %mul3A_319 = arith.muli %add3A_300, %mul3A_318 : i32
          %mul3A_320 = arith.constant 32 : i32
          %mul3A_321 = arith.muli %squeeze3A_317, %mul3A_320 : i32
          %dma_start3A = tpu.memref_slice %arg12[%mul3A_319] : memref<4096xf32, #tpu.memory_space<vmem>> -> memref<32xf32, #tpu.memory_space<vmem>>
          %dma_start3A_322 = tpu.memref_slice %arg4[%mul3A_321] : memref<524288xf32, #tpu.memory_space<hbm>> -> memref<32xf32, #tpu.memory_space<hbm>>
          %dma_start3A_323 = tpu.memref_slice %arg4[%mul3A_321] : memref<524288xf32, #tpu.memory_space<hbm>> -> memref<32xf32, #tpu.memory_space<hbm>>
          %dma_start3A_324 = tpu.memref_slice %arg12[%mul3A_319] : memref<4096xf32, #tpu.memory_space<vmem>> -> memref<32xf32, #tpu.memory_space<vmem>>
          tpu.enqueue_dma source(%dma_start3A_324 : memref<32xf32, #tpu.memory_space<vmem>>) target(%dma_start3A_323 : memref<32xf32, #tpu.memory_space<hbm>>) target_semaphore(%arg13 : memref<!tpu.dma_semaphore, #tpu.memory_space<semaphore_mem>>)
        } else {
        }
        %mul3A_193 = arith.constant 16 : i32
        %mul3A_194 = arith.muli %while3A_160, %mul3A_193 : i32
        %add3A_195 = arith.constant 3 : i32
        %add3A_196 = arith.addi %mul3A_194, %add3A_195 : i32
        %lt3A_197 = arith.cmpi slt, %add3A_196, %min3A_113 : i32
        %convert_element_type3A_198 = arith.extui %lt3A_197 : i1 to i32
        %cond3A_199 = arith.constant 0 : i32
        %cond3A_200 = arith.cmpi ne, %convert_element_type3A_198, %cond3A_199 : i32
        scf.if %cond3A_200 {
          %mul3A_297 = arith.constant 16 : i32
          %mul3A_298 = arith.muli %while3A_160, %mul3A_297 : i32
          %add3A_299 = arith.constant 3 : i32
          %add3A_300 = arith.addi %mul3A_298, %add3A_299 : i32
          %slice3A = vector.extract_strided_slice %sub3A_168 {offsets = [3], sizes = [1], strides = [1]} : vector<16xi32> to vector<1xi32>
          %squeeze3A = vector.extract %slice3A[0] : i32 from vector<1xi32>
          %broadcast_in_dim3A_301 = vector.broadcast %squeeze3A : i32 to vector<16xi32>
          %broadcast_in_dim3A_302 = vector.broadcast %rem3A_44 : i32 to vector<16xi32>
          %gather3A = tpu.vector_load_idx %arg11[%broadcast_in_dim3A_302, %iota3A, %broadcast_in_dim3A_301] : memref<2x32x1664xf32, #tpu.memory_space<vmem>>[vector<16xi32>, vector<16xi32>, vector<16xi32>], vector<16xf32>,
          %add3A_303 = arith.constant 16 : i32
          %add3A_304 = vector.broadcast %add3A_303 : i32 to vector<16xi32>
          %add3A_305 = arith.addi %iota3A, %add3A_304 : vector<16xi32>
          %gather3A_306 = tpu.vector_load_idx %arg11[%broadcast_in_dim3A_302, %add3A_305, %broadcast_in_dim3A_301] : memref<2x32x1664xf32, #tpu.memory_space<vmem>>[vector<16xi32>, vector<16xi32>, vector<16xi32>], vector<16xf32>,
          %mul3A_307 = arith.constant 32 : i32
          %mul3A_308 = arith.muli %add3A_300, %mul3A_307 : i32
          %swap3A = arith.index_cast %mul3A_308 : i32 to index
          %swap3A_309 = tpu.vector_load %arg12[%swap3A] {strides = array<i32>} : memref<4096xf32, #tpu.memory_space<vmem>>, vector<16xf32>,
          tpu.vector_store %arg12[%swap3A], %gather3A {strides = array<i32>} : memref<4096xf32, #tpu.memory_space<vmem>>, vector<16xf32>,
          %mul3A_310 = arith.constant 32 : i32
          %mul3A_311 = arith.muli %add3A_300, %mul3A_310 : i32
          %add3A_312 = arith.constant 16 : i32
          %add3A_313 = arith.addi %mul3A_311, %add3A_312 : i32
          %swap3A_314 = arith.index_cast %add3A_313 : i32 to index
          %swap3A_315 = tpu.vector_load %arg12[%swap3A_314] {strides = array<i32>} : memref<4096xf32, #tpu.memory_space<vmem>>, vector<16xf32>,
          tpu.vector_store %arg12[%swap3A_314], %gather3A_306 {strides = array<i32>} : memref<4096xf32, #tpu.memory_space<vmem>>, vector<16xf32>,
          %slice3A_316 = vector.extract_strided_slice %get3A_167 {offsets = [3], sizes = [1], strides = [1]} : vector<16xi32> to vector<1xi32>
          %squeeze3A_317 = vector.extract %slice3A_316[0] : i32 from vector<1xi32>
          %mul3A_318 = arith.constant 32 : i32
          %mul3A_319 = arith.muli %add3A_300, %mul3A_318 : i32
          %mul3A_320 = arith.constant 32 : i32
          %mul3A_321 = arith.muli %squeeze3A_317, %mul3A_320 : i32
          %dma_start3A = tpu.memref_slice %arg12[%mul3A_319] : memref<4096xf32, #tpu.memory_space<vmem>> -> memref<32xf32, #tpu.memory_space<vmem>>
          %dma_start3A_322 = tpu.memref_slice %arg4[%mul3A_321] : memref<524288xf32, #tpu.memory_space<hbm>> -> memref<32xf32, #tpu.memory_space<hbm>>
          %dma_start3A_323 = tpu.memref_slice %arg4[%mul3A_321] : memref<524288xf32, #tpu.memory_space<hbm>> -> memref<32xf32, #tpu.memory_space<hbm>>
          %dma_start3A_324 = tpu.memref_slice %arg12[%mul3A_319] : memref<4096xf32, #tpu.memory_space<vmem>> -> memref<32xf32, #tpu.memory_space<vmem>>
          tpu.enqueue_dma source(%dma_start3A_324 : memref<32xf32, #tpu.memory_space<vmem>>) target(%dma_start3A_323 : memref<32xf32, #tpu.memory_space<hbm>>) target_semaphore(%arg13 : memref<!tpu.dma_semaphore, #tpu.memory_space<semaphore_mem>>)
        } else {
        }
        %mul3A_201 = arith.constant 16 : i32
        %mul3A_202 = arith.muli %while3A_160, %mul3A_201 : i32
        %add3A_203 = arith.constant 4 : i32
        %add3A_204 = arith.addi %mul3A_202, %add3A_203 : i32
        %lt3A_205 = arith.cmpi slt, %add3A_204, %min3A_113 : i32
        %convert_element_type3A_206 = arith.extui %lt3A_205 : i1 to i32
        %cond3A_207 = arith.constant 0 : i32
        %cond3A_208 = arith.cmpi ne, %convert_element_type3A_206, %cond3A_207 : i32
        scf.if %cond3A_208 {
          %mul3A_297 = arith.constant 16 : i32
          %mul3A_298 = arith.muli %while3A_160, %mul3A_297 : i32
          %add3A_299 = arith.constant 4 : i32
          %add3A_300 = arith.addi %mul3A_298, %add3A_299 : i32
          %slice3A = vector.extract_strided_slice %sub3A_168 {offsets = [4], sizes = [1], strides = [1]} : vector<16xi32> to vector<1xi32>
          %squeeze3A = vector.extract %slice3A[0] : i32 from vector<1xi32>
          %broadcast_in_dim3A_301 = vector.broadcast %squeeze3A : i32 to vector<16xi32>
          %broadcast_in_dim3A_302 = vector.broadcast %rem3A_44 : i32 to vector<16xi32>
          %gather3A = tpu.vector_load_idx %arg11[%broadcast_in_dim3A_302, %iota3A, %broadcast_in_dim3A_301] : memref<2x32x1664xf32, #tpu.memory_space<vmem>>[vector<16xi32>, vector<16xi32>, vector<16xi32>], vector<16xf32>,
          %add3A_303 = arith.constant 16 : i32
          %add3A_304 = vector.broadcast %add3A_303 : i32 to vector<16xi32>
          %add3A_305 = arith.addi %iota3A, %add3A_304 : vector<16xi32>
          %gather3A_306 = tpu.vector_load_idx %arg11[%broadcast_in_dim3A_302, %add3A_305, %broadcast_in_dim3A_301] : memref<2x32x1664xf32, #tpu.memory_space<vmem>>[vector<16xi32>, vector<16xi32>, vector<16xi32>], vector<16xf32>,
          %mul3A_307 = arith.constant 32 : i32
          %mul3A_308 = arith.muli %add3A_300, %mul3A_307 : i32
          %swap3A = arith.index_cast %mul3A_308 : i32 to index
          %swap3A_309 = tpu.vector_load %arg12[%swap3A] {strides = array<i32>} : memref<4096xf32, #tpu.memory_space<vmem>>, vector<16xf32>,
          tpu.vector_store %arg12[%swap3A], %gather3A {strides = array<i32>} : memref<4096xf32, #tpu.memory_space<vmem>>, vector<16xf32>,
          %mul3A_310 = arith.constant 32 : i32
          %mul3A_311 = arith.muli %add3A_300, %mul3A_310 : i32
          %add3A_312 = arith.constant 16 : i32
          %add3A_313 = arith.addi %mul3A_311, %add3A_312 : i32
          %swap3A_314 = arith.index_cast %add3A_313 : i32 to index
          %swap3A_315 = tpu.vector_load %arg12[%swap3A_314] {strides = array<i32>} : memref<4096xf32, #tpu.memory_space<vmem>>, vector<16xf32>,
          tpu.vector_store %arg12[%swap3A_314], %gather3A_306 {strides = array<i32>} : memref<4096xf32, #tpu.memory_space<vmem>>, vector<16xf32>,
          %slice3A_316 = vector.extract_strided_slice %get3A_167 {offsets = [4], sizes = [1], strides = [1]} : vector<16xi32> to vector<1xi32>
          %squeeze3A_317 = vector.extract %slice3A_316[0] : i32 from vector<1xi32>
          %mul3A_318 = arith.constant 32 : i32
          %mul3A_319 = arith.muli %add3A_300, %mul3A_318 : i32
          %mul3A_320 = arith.constant 32 : i32
          %mul3A_321 = arith.muli %squeeze3A_317, %mul3A_320 : i32
          %dma_start3A = tpu.memref_slice %arg12[%mul3A_319] : memref<4096xf32, #tpu.memory_space<vmem>> -> memref<32xf32, #tpu.memory_space<vmem>>
          %dma_start3A_322 = tpu.memref_slice %arg4[%mul3A_321] : memref<524288xf32, #tpu.memory_space<hbm>> -> memref<32xf32, #tpu.memory_space<hbm>>
          %dma_start3A_323 = tpu.memref_slice %arg4[%mul3A_321] : memref<524288xf32, #tpu.memory_space<hbm>> -> memref<32xf32, #tpu.memory_space<hbm>>
          %dma_start3A_324 = tpu.memref_slice %arg12[%mul3A_319] : memref<4096xf32, #tpu.memory_space<vmem>> -> memref<32xf32, #tpu.memory_space<vmem>>
          tpu.enqueue_dma source(%dma_start3A_324 : memref<32xf32, #tpu.memory_space<vmem>>) target(%dma_start3A_323 : memref<32xf32, #tpu.memory_space<hbm>>) target_semaphore(%arg13 : memref<!tpu.dma_semaphore, #tpu.memory_space<semaphore_mem>>)
        } else {
        }
        %mul3A_209 = arith.constant 16 : i32
        %mul3A_210 = arith.muli %while3A_160, %mul3A_209 : i32
        %add3A_211 = arith.constant 5 : i32
        %add3A_212 = arith.addi %mul3A_210, %add3A_211 : i32
        %lt3A_213 = arith.cmpi slt, %add3A_212, %min3A_113 : i32
        %convert_element_type3A_214 = arith.extui %lt3A_213 : i1 to i32
        %cond3A_215 = arith.constant 0 : i32
        %cond3A_216 = arith.cmpi ne, %convert_element_type3A_214, %cond3A_215 : i32
        scf.if %cond3A_216 {
          %mul3A_297 = arith.constant 16 : i32
          %mul3A_298 = arith.muli %while3A_160, %mul3A_297 : i32
          %add3A_299 = arith.constant 5 : i32
          %add3A_300 = arith.addi %mul3A_298, %add3A_299 : i32
          %slice3A = vector.extract_strided_slice %sub3A_168 {offsets = [5], sizes = [1], strides = [1]} : vector<16xi32> to vector<1xi32>
          %squeeze3A = vector.extract %slice3A[0] : i32 from vector<1xi32>
          %broadcast_in_dim3A_301 = vector.broadcast %squeeze3A : i32 to vector<16xi32>
          %broadcast_in_dim3A_302 = vector.broadcast %rem3A_44 : i32 to vector<16xi32>
          %gather3A = tpu.vector_load_idx %arg11[%broadcast_in_dim3A_302, %iota3A, %broadcast_in_dim3A_301] : memref<2x32x1664xf32, #tpu.memory_space<vmem>>[vector<16xi32>, vector<16xi32>, vector<16xi32>], vector<16xf32>,
          %add3A_303 = arith.constant 16 : i32
          %add3A_304 = vector.broadcast %add3A_303 : i32 to vector<16xi32>
          %add3A_305 = arith.addi %iota3A, %add3A_304 : vector<16xi32>
          %gather3A_306 = tpu.vector_load_idx %arg11[%broadcast_in_dim3A_302, %add3A_305, %broadcast_in_dim3A_301] : memref<2x32x1664xf32, #tpu.memory_space<vmem>>[vector<16xi32>, vector<16xi32>, vector<16xi32>], vector<16xf32>,
          %mul3A_307 = arith.constant 32 : i32
          %mul3A_308 = arith.muli %add3A_300, %mul3A_307 : i32
          %swap3A = arith.index_cast %mul3A_308 : i32 to index
          %swap3A_309 = tpu.vector_load %arg12[%swap3A] {strides = array<i32>} : memref<4096xf32, #tpu.memory_space<vmem>>, vector<16xf32>,
          tpu.vector_store %arg12[%swap3A], %gather3A {strides = array<i32>} : memref<4096xf32, #tpu.memory_space<vmem>>, vector<16xf32>,
          %mul3A_310 = arith.constant 32 : i32
          %mul3A_311 = arith.muli %add3A_300, %mul3A_310 : i32
          %add3A_312 = arith.constant 16 : i32
          %add3A_313 = arith.addi %mul3A_311, %add3A_312 : i32
          %swap3A_314 = arith.index_cast %add3A_313 : i32 to index
          %swap3A_315 = tpu.vector_load %arg12[%swap3A_314] {strides = array<i32>} : memref<4096xf32, #tpu.memory_space<vmem>>, vector<16xf32>,
          tpu.vector_store %arg12[%swap3A_314], %gather3A_306 {strides = array<i32>} : memref<4096xf32, #tpu.memory_space<vmem>>, vector<16xf32>,
          %slice3A_316 = vector.extract_strided_slice %get3A_167 {offsets = [5], sizes = [1], strides = [1]} : vector<16xi32> to vector<1xi32>
          %squeeze3A_317 = vector.extract %slice3A_316[0] : i32 from vector<1xi32>
          %mul3A_318 = arith.constant 32 : i32
          %mul3A_319 = arith.muli %add3A_300, %mul3A_318 : i32
          %mul3A_320 = arith.constant 32 : i32
          %mul3A_321 = arith.muli %squeeze3A_317, %mul3A_320 : i32
          %dma_start3A = tpu.memref_slice %arg12[%mul3A_319] : memref<4096xf32, #tpu.memory_space<vmem>> -> memref<32xf32, #tpu.memory_space<vmem>>
          %dma_start3A_322 = tpu.memref_slice %arg4[%mul3A_321] : memref<524288xf32, #tpu.memory_space<hbm>> -> memref<32xf32, #tpu.memory_space<hbm>>
          %dma_start3A_323 = tpu.memref_slice %arg4[%mul3A_321] : memref<524288xf32, #tpu.memory_space<hbm>> -> memref<32xf32, #tpu.memory_space<hbm>>
          %dma_start3A_324 = tpu.memref_slice %arg12[%mul3A_319] : memref<4096xf32, #tpu.memory_space<vmem>> -> memref<32xf32, #tpu.memory_space<vmem>>
          tpu.enqueue_dma source(%dma_start3A_324 : memref<32xf32, #tpu.memory_space<vmem>>) target(%dma_start3A_323 : memref<32xf32, #tpu.memory_space<hbm>>) target_semaphore(%arg13 : memref<!tpu.dma_semaphore, #tpu.memory_space<semaphore_mem>>)
        } else {
        }
        %mul3A_217 = arith.constant 16 : i32
        %mul3A_218 = arith.muli %while3A_160, %mul3A_217 : i32
        %add3A_219 = arith.constant 6 : i32
        %add3A_220 = arith.addi %mul3A_218, %add3A_219 : i32
        %lt3A_221 = arith.cmpi slt, %add3A_220, %min3A_113 : i32
        %convert_element_type3A_222 = arith.extui %lt3A_221 : i1 to i32
        %cond3A_223 = arith.constant 0 : i32
        %cond3A_224 = arith.cmpi ne, %convert_element_type3A_222, %cond3A_223 : i32
        scf.if %cond3A_224 {
          %mul3A_297 = arith.constant 16 : i32
          %mul3A_298 = arith.muli %while3A_160, %mul3A_297 : i32
          %add3A_299 = arith.constant 6 : i32
          %add3A_300 = arith.addi %mul3A_298, %add3A_299 : i32
          %slice3A = vector.extract_strided_slice %sub3A_168 {offsets = [6], sizes = [1], strides = [1]} : vector<16xi32> to vector<1xi32>
          %squeeze3A = vector.extract %slice3A[0] : i32 from vector<1xi32>
          %broadcast_in_dim3A_301 = vector.broadcast %squeeze3A : i32 to vector<16xi32>
          %broadcast_in_dim3A_302 = vector.broadcast %rem3A_44 : i32 to vector<16xi32>
          %gather3A = tpu.vector_load_idx %arg11[%broadcast_in_dim3A_302, %iota3A, %broadcast_in_dim3A_301] : memref<2x32x1664xf32, #tpu.memory_space<vmem>>[vector<16xi32>, vector<16xi32>, vector<16xi32>], vector<16xf32>,
          %add3A_303 = arith.constant 16 : i32
          %add3A_304 = vector.broadcast %add3A_303 : i32 to vector<16xi32>
          %add3A_305 = arith.addi %iota3A, %add3A_304 : vector<16xi32>
          %gather3A_306 = tpu.vector_load_idx %arg11[%broadcast_in_dim3A_302, %add3A_305, %broadcast_in_dim3A_301] : memref<2x32x1664xf32, #tpu.memory_space<vmem>>[vector<16xi32>, vector<16xi32>, vector<16xi32>], vector<16xf32>,
          %mul3A_307 = arith.constant 32 : i32
          %mul3A_308 = arith.muli %add3A_300, %mul3A_307 : i32
          %swap3A = arith.index_cast %mul3A_308 : i32 to index
          %swap3A_309 = tpu.vector_load %arg12[%swap3A] {strides = array<i32>} : memref<4096xf32, #tpu.memory_space<vmem>>, vector<16xf32>,
          tpu.vector_store %arg12[%swap3A], %gather3A {strides = array<i32>} : memref<4096xf32, #tpu.memory_space<vmem>>, vector<16xf32>,
          %mul3A_310 = arith.constant 32 : i32
          %mul3A_311 = arith.muli %add3A_300, %mul3A_310 : i32
          %add3A_312 = arith.constant 16 : i32
          %add3A_313 = arith.addi %mul3A_311, %add3A_312 : i32
          %swap3A_314 = arith.index_cast %add3A_313 : i32 to index
          %swap3A_315 = tpu.vector_load %arg12[%swap3A_314] {strides = array<i32>} : memref<4096xf32, #tpu.memory_space<vmem>>, vector<16xf32>,
          tpu.vector_store %arg12[%swap3A_314], %gather3A_306 {strides = array<i32>} : memref<4096xf32, #tpu.memory_space<vmem>>, vector<16xf32>,
          %slice3A_316 = vector.extract_strided_slice %get3A_167 {offsets = [6], sizes = [1], strides = [1]} : vector<16xi32> to vector<1xi32>
          %squeeze3A_317 = vector.extract %slice3A_316[0] : i32 from vector<1xi32>
          %mul3A_318 = arith.constant 32 : i32
          %mul3A_319 = arith.muli %add3A_300, %mul3A_318 : i32
          %mul3A_320 = arith.constant 32 : i32
          %mul3A_321 = arith.muli %squeeze3A_317, %mul3A_320 : i32
          %dma_start3A = tpu.memref_slice %arg12[%mul3A_319] : memref<4096xf32, #tpu.memory_space<vmem>> -> memref<32xf32, #tpu.memory_space<vmem>>
          %dma_start3A_322 = tpu.memref_slice %arg4[%mul3A_321] : memref<524288xf32, #tpu.memory_space<hbm>> -> memref<32xf32, #tpu.memory_space<hbm>>
          %dma_start3A_323 = tpu.memref_slice %arg4[%mul3A_321] : memref<524288xf32, #tpu.memory_space<hbm>> -> memref<32xf32, #tpu.memory_space<hbm>>
          %dma_start3A_324 = tpu.memref_slice %arg12[%mul3A_319] : memref<4096xf32, #tpu.memory_space<vmem>> -> memref<32xf32, #tpu.memory_space<vmem>>
          tpu.enqueue_dma source(%dma_start3A_324 : memref<32xf32, #tpu.memory_space<vmem>>) target(%dma_start3A_323 : memref<32xf32, #tpu.memory_space<hbm>>) target_semaphore(%arg13 : memref<!tpu.dma_semaphore, #tpu.memory_space<semaphore_mem>>)
        } else {
        }
        %mul3A_225 = arith.constant 16 : i32
        %mul3A_226 = arith.muli %while3A_160, %mul3A_225 : i32
        %add3A_227 = arith.constant 7 : i32
        %add3A_228 = arith.addi %mul3A_226, %add3A_227 : i32
        %lt3A_229 = arith.cmpi slt, %add3A_228, %min3A_113 : i32
        %convert_element_type3A_230 = arith.extui %lt3A_229 : i1 to i32
        %cond3A_231 = arith.constant 0 : i32
        %cond3A_232 = arith.cmpi ne, %convert_element_type3A_230, %cond3A_231 : i32
        scf.if %cond3A_232 {
          %mul3A_297 = arith.constant 16 : i32
          %mul3A_298 = arith.muli %while3A_160, %mul3A_297 : i32
          %add3A_299 = arith.constant 7 : i32
          %add3A_300 = arith.addi %mul3A_298, %add3A_299 : i32
          %slice3A = vector.extract_strided_slice %sub3A_168 {offsets = [7], sizes = [1], strides = [1]} : vector<16xi32> to vector<1xi32>
          %squeeze3A = vector.extract %slice3A[0] : i32 from vector<1xi32>
          %broadcast_in_dim3A_301 = vector.broadcast %squeeze3A : i32 to vector<16xi32>
          %broadcast_in_dim3A_302 = vector.broadcast %rem3A_44 : i32 to vector<16xi32>
          %gather3A = tpu.vector_load_idx %arg11[%broadcast_in_dim3A_302, %iota3A, %broadcast_in_dim3A_301] : memref<2x32x1664xf32, #tpu.memory_space<vmem>>[vector<16xi32>, vector<16xi32>, vector<16xi32>], vector<16xf32>,
          %add3A_303 = arith.constant 16 : i32
          %add3A_304 = vector.broadcast %add3A_303 : i32 to vector<16xi32>
          %add3A_305 = arith.addi %iota3A, %add3A_304 : vector<16xi32>
          %gather3A_306 = tpu.vector_load_idx %arg11[%broadcast_in_dim3A_302, %add3A_305, %broadcast_in_dim3A_301] : memref<2x32x1664xf32, #tpu.memory_space<vmem>>[vector<16xi32>, vector<16xi32>, vector<16xi32>], vector<16xf32>,
          %mul3A_307 = arith.constant 32 : i32
          %mul3A_308 = arith.muli %add3A_300, %mul3A_307 : i32
          %swap3A = arith.index_cast %mul3A_308 : i32 to index
          %swap3A_309 = tpu.vector_load %arg12[%swap3A] {strides = array<i32>} : memref<4096xf32, #tpu.memory_space<vmem>>, vector<16xf32>,
          tpu.vector_store %arg12[%swap3A], %gather3A {strides = array<i32>} : memref<4096xf32, #tpu.memory_space<vmem>>, vector<16xf32>,
          %mul3A_310 = arith.constant 32 : i32
          %mul3A_311 = arith.muli %add3A_300, %mul3A_310 : i32
          %add3A_312 = arith.constant 16 : i32
          %add3A_313 = arith.addi %mul3A_311, %add3A_312 : i32
          %swap3A_314 = arith.index_cast %add3A_313 : i32 to index
          %swap3A_315 = tpu.vector_load %arg12[%swap3A_314] {strides = array<i32>} : memref<4096xf32, #tpu.memory_space<vmem>>, vector<16xf32>,
          tpu.vector_store %arg12[%swap3A_314], %gather3A_306 {strides = array<i32>} : memref<4096xf32, #tpu.memory_space<vmem>>, vector<16xf32>,
          %slice3A_316 = vector.extract_strided_slice %get3A_167 {offsets = [7], sizes = [1], strides = [1]} : vector<16xi32> to vector<1xi32>
          %squeeze3A_317 = vector.extract %slice3A_316[0] : i32 from vector<1xi32>
          %mul3A_318 = arith.constant 32 : i32
          %mul3A_319 = arith.muli %add3A_300, %mul3A_318 : i32
          %mul3A_320 = arith.constant 32 : i32
          %mul3A_321 = arith.muli %squeeze3A_317, %mul3A_320 : i32
          %dma_start3A = tpu.memref_slice %arg12[%mul3A_319] : memref<4096xf32, #tpu.memory_space<vmem>> -> memref<32xf32, #tpu.memory_space<vmem>>
          %dma_start3A_322 = tpu.memref_slice %arg4[%mul3A_321] : memref<524288xf32, #tpu.memory_space<hbm>> -> memref<32xf32, #tpu.memory_space<hbm>>
          %dma_start3A_323 = tpu.memref_slice %arg4[%mul3A_321] : memref<524288xf32, #tpu.memory_space<hbm>> -> memref<32xf32, #tpu.memory_space<hbm>>
          %dma_start3A_324 = tpu.memref_slice %arg12[%mul3A_319] : memref<4096xf32, #tpu.memory_space<vmem>> -> memref<32xf32, #tpu.memory_space<vmem>>
          tpu.enqueue_dma source(%dma_start3A_324 : memref<32xf32, #tpu.memory_space<vmem>>) target(%dma_start3A_323 : memref<32xf32, #tpu.memory_space<hbm>>) target_semaphore(%arg13 : memref<!tpu.dma_semaphore, #tpu.memory_space<semaphore_mem>>)
        } else {
        }
        %mul3A_233 = arith.constant 16 : i32
        %mul3A_234 = arith.muli %while3A_160, %mul3A_233 : i32
        %add3A_235 = arith.constant 8 : i32
        %add3A_236 = arith.addi %mul3A_234, %add3A_235 : i32
        %lt3A_237 = arith.cmpi slt, %add3A_236, %min3A_113 : i32
        %convert_element_type3A_238 = arith.extui %lt3A_237 : i1 to i32
        %cond3A_239 = arith.constant 0 : i32
        %cond3A_240 = arith.cmpi ne, %convert_element_type3A_238, %cond3A_239 : i32
        scf.if %cond3A_240 {
          %mul3A_297 = arith.constant 16 : i32
          %mul3A_298 = arith.muli %while3A_160, %mul3A_297 : i32
          %add3A_299 = arith.constant 8 : i32
          %add3A_300 = arith.addi %mul3A_298, %add3A_299 : i32
          %slice3A = vector.extract_strided_slice %sub3A_168 {offsets = [8], sizes = [1], strides = [1]} : vector<16xi32> to vector<1xi32>
          %squeeze3A = vector.extract %slice3A[0] : i32 from vector<1xi32>
          %broadcast_in_dim3A_301 = vector.broadcast %squeeze3A : i32 to vector<16xi32>
          %broadcast_in_dim3A_302 = vector.broadcast %rem3A_44 : i32 to vector<16xi32>
          %gather3A = tpu.vector_load_idx %arg11[%broadcast_in_dim3A_302, %iota3A, %broadcast_in_dim3A_301] : memref<2x32x1664xf32, #tpu.memory_space<vmem>>[vector<16xi32>, vector<16xi32>, vector<16xi32>], vector<16xf32>,
          %add3A_303 = arith.constant 16 : i32
          %add3A_304 = vector.broadcast %add3A_303 : i32 to vector<16xi32>
          %add3A_305 = arith.addi %iota3A, %add3A_304 : vector<16xi32>
          %gather3A_306 = tpu.vector_load_idx %arg11[%broadcast_in_dim3A_302, %add3A_305, %broadcast_in_dim3A_301] : memref<2x32x1664xf32, #tpu.memory_space<vmem>>[vector<16xi32>, vector<16xi32>, vector<16xi32>], vector<16xf32>,
          %mul3A_307 = arith.constant 32 : i32
          %mul3A_308 = arith.muli %add3A_300, %mul3A_307 : i32
          %swap3A = arith.index_cast %mul3A_308 : i32 to index
          %swap3A_309 = tpu.vector_load %arg12[%swap3A] {strides = array<i32>} : memref<4096xf32, #tpu.memory_space<vmem>>, vector<16xf32>,
          tpu.vector_store %arg12[%swap3A], %gather3A {strides = array<i32>} : memref<4096xf32, #tpu.memory_space<vmem>>, vector<16xf32>,
          %mul3A_310 = arith.constant 32 : i32
          %mul3A_311 = arith.muli %add3A_300, %mul3A_310 : i32
          %add3A_312 = arith.constant 16 : i32
          %add3A_313 = arith.addi %mul3A_311, %add3A_312 : i32
          %swap3A_314 = arith.index_cast %add3A_313 : i32 to index
          %swap3A_315 = tpu.vector_load %arg12[%swap3A_314] {strides = array<i32>} : memref<4096xf32, #tpu.memory_space<vmem>>, vector<16xf32>,
          tpu.vector_store %arg12[%swap3A_314], %gather3A_306 {strides = array<i32>} : memref<4096xf32, #tpu.memory_space<vmem>>, vector<16xf32>,
          %slice3A_316 = vector.extract_strided_slice %get3A_167 {offsets = [8], sizes = [1], strides = [1]} : vector<16xi32> to vector<1xi32>
          %squeeze3A_317 = vector.extract %slice3A_316[0] : i32 from vector<1xi32>
          %mul3A_318 = arith.constant 32 : i32
          %mul3A_319 = arith.muli %add3A_300, %mul3A_318 : i32
          %mul3A_320 = arith.constant 32 : i32
          %mul3A_321 = arith.muli %squeeze3A_317, %mul3A_320 : i32
          %dma_start3A = tpu.memref_slice %arg12[%mul3A_319] : memref<4096xf32, #tpu.memory_space<vmem>> -> memref<32xf32, #tpu.memory_space<vmem>>
          %dma_start3A_322 = tpu.memref_slice %arg4[%mul3A_321] : memref<524288xf32, #tpu.memory_space<hbm>> -> memref<32xf32, #tpu.memory_space<hbm>>
          %dma_start3A_323 = tpu.memref_slice %arg4[%mul3A_321] : memref<524288xf32, #tpu.memory_space<hbm>> -> memref<32xf32, #tpu.memory_space<hbm>>
          %dma_start3A_324 = tpu.memref_slice %arg12[%mul3A_319] : memref<4096xf32, #tpu.memory_space<vmem>> -> memref<32xf32, #tpu.memory_space<vmem>>
          tpu.enqueue_dma source(%dma_start3A_324 : memref<32xf32, #tpu.memory_space<vmem>>) target(%dma_start3A_323 : memref<32xf32, #tpu.memory_space<hbm>>) target_semaphore(%arg13 : memref<!tpu.dma_semaphore, #tpu.memory_space<semaphore_mem>>)
        } else {
        }
        %mul3A_241 = arith.constant 16 : i32
        %mul3A_242 = arith.muli %while3A_160, %mul3A_241 : i32
        %add3A_243 = arith.constant 9 : i32
        %add3A_244 = arith.addi %mul3A_242, %add3A_243 : i32
        %lt3A_245 = arith.cmpi slt, %add3A_244, %min3A_113 : i32
        %convert_element_type3A_246 = arith.extui %lt3A_245 : i1 to i32
        %cond3A_247 = arith.constant 0 : i32
        %cond3A_248 = arith.cmpi ne, %convert_element_type3A_246, %cond3A_247 : i32
        scf.if %cond3A_248 {
          %mul3A_297 = arith.constant 16 : i32
          %mul3A_298 = arith.muli %while3A_160, %mul3A_297 : i32
          %add3A_299 = arith.constant 9 : i32
          %add3A_300 = arith.addi %mul3A_298, %add3A_299 : i32
          %slice3A = vector.extract_strided_slice %sub3A_168 {offsets = [9], sizes = [1], strides = [1]} : vector<16xi32> to vector<1xi32>
          %squeeze3A = vector.extract %slice3A[0] : i32 from vector<1xi32>
          %broadcast_in_dim3A_301 = vector.broadcast %squeeze3A : i32 to vector<16xi32>
          %broadcast_in_dim3A_302 = vector.broadcast %rem3A_44 : i32 to vector<16xi32>
          %gather3A = tpu.vector_load_idx %arg11[%broadcast_in_dim3A_302, %iota3A, %broadcast_in_dim3A_301] : memref<2x32x1664xf32, #tpu.memory_space<vmem>>[vector<16xi32>, vector<16xi32>, vector<16xi32>], vector<16xf32>,
          %add3A_303 = arith.constant 16 : i32
          %add3A_304 = vector.broadcast %add3A_303 : i32 to vector<16xi32>
          %add3A_305 = arith.addi %iota3A, %add3A_304 : vector<16xi32>
          %gather3A_306 = tpu.vector_load_idx %arg11[%broadcast_in_dim3A_302, %add3A_305, %broadcast_in_dim3A_301] : memref<2x32x1664xf32, #tpu.memory_space<vmem>>[vector<16xi32>, vector<16xi32>, vector<16xi32>], vector<16xf32>,
          %mul3A_307 = arith.constant 32 : i32
          %mul3A_308 = arith.muli %add3A_300, %mul3A_307 : i32
          %swap3A = arith.index_cast %mul3A_308 : i32 to index
          %swap3A_309 = tpu.vector_load %arg12[%swap3A] {strides = array<i32>} : memref<4096xf32, #tpu.memory_space<vmem>>, vector<16xf32>,
          tpu.vector_store %arg12[%swap3A], %gather3A {strides = array<i32>} : memref<4096xf32, #tpu.memory_space<vmem>>, vector<16xf32>,
          %mul3A_310 = arith.constant 32 : i32
          %mul3A_311 = arith.muli %add3A_300, %mul3A_310 : i32
          %add3A_312 = arith.constant 16 : i32
          %add3A_313 = arith.addi %mul3A_311, %add3A_312 : i32
          %swap3A_314 = arith.index_cast %add3A_313 : i32 to index
          %swap3A_315 = tpu.vector_load %arg12[%swap3A_314] {strides = array<i32>} : memref<4096xf32, #tpu.memory_space<vmem>>, vector<16xf32>,
          tpu.vector_store %arg12[%swap3A_314], %gather3A_306 {strides = array<i32>} : memref<4096xf32, #tpu.memory_space<vmem>>, vector<16xf32>,
          %slice3A_316 = vector.extract_strided_slice %get3A_167 {offsets = [9], sizes = [1], strides = [1]} : vector<16xi32> to vector<1xi32>
          %squeeze3A_317 = vector.extract %slice3A_316[0] : i32 from vector<1xi32>
          %mul3A_318 = arith.constant 32 : i32
          %mul3A_319 = arith.muli %add3A_300, %mul3A_318 : i32
          %mul3A_320 = arith.constant 32 : i32
          %mul3A_321 = arith.muli %squeeze3A_317, %mul3A_320 : i32
          %dma_start3A = tpu.memref_slice %arg12[%mul3A_319] : memref<4096xf32, #tpu.memory_space<vmem>> -> memref<32xf32, #tpu.memory_space<vmem>>
          %dma_start3A_322 = tpu.memref_slice %arg4[%mul3A_321] : memref<524288xf32, #tpu.memory_space<hbm>> -> memref<32xf32, #tpu.memory_space<hbm>>
          %dma_start3A_323 = tpu.memref_slice %arg4[%mul3A_321] : memref<524288xf32, #tpu.memory_space<hbm>> -> memref<32xf32, #tpu.memory_space<hbm>>
          %dma_start3A_324 = tpu.memref_slice %arg12[%mul3A_319] : memref<4096xf32, #tpu.memory_space<vmem>> -> memref<32xf32, #tpu.memory_space<vmem>>
          tpu.enqueue_dma source(%dma_start3A_324 : memref<32xf32, #tpu.memory_space<vmem>>) target(%dma_start3A_323 : memref<32xf32, #tpu.memory_space<hbm>>) target_semaphore(%arg13 : memref<!tpu.dma_semaphore, #tpu.memory_space<semaphore_mem>>)
        } else {
        }
        %mul3A_249 = arith.constant 16 : i32
        %mul3A_250 = arith.muli %while3A_160, %mul3A_249 : i32
        %add3A_251 = arith.constant 10 : i32
        %add3A_252 = arith.addi %mul3A_250, %add3A_251 : i32
        %lt3A_253 = arith.cmpi slt, %add3A_252, %min3A_113 : i32
        %convert_element_type3A_254 = arith.extui %lt3A_253 : i1 to i32
        %cond3A_255 = arith.constant 0 : i32
        %cond3A_256 = arith.cmpi ne, %convert_element_type3A_254, %cond3A_255 : i32
        scf.if %cond3A_256 {
          %mul3A_297 = arith.constant 16 : i32
          %mul3A_298 = arith.muli %while3A_160, %mul3A_297 : i32
          %add3A_299 = arith.constant 10 : i32
          %add3A_300 = arith.addi %mul3A_298, %add3A_299 : i32
          %slice3A = vector.extract_strided_slice %sub3A_168 {offsets = [10], sizes = [1], strides = [1]} : vector<16xi32> to vector<1xi32>
          %squeeze3A = vector.extract %slice3A[0] : i32 from vector<1xi32>
          %broadcast_in_dim3A_301 = vector.broadcast %squeeze3A : i32 to vector<16xi32>
          %broadcast_in_dim3A_302 = vector.broadcast %rem3A_44 : i32 to vector<16xi32>
          %gather3A = tpu.vector_load_idx %arg11[%broadcast_in_dim3A_302, %iota3A, %broadcast_in_dim3A_301] : memref<2x32x1664xf32, #tpu.memory_space<vmem>>[vector<16xi32>, vector<16xi32>, vector<16xi32>], vector<16xf32>,
          %add3A_303 = arith.constant 16 : i32
          %add3A_304 = vector.broadcast %add3A_303 : i32 to vector<16xi32>
          %add3A_305 = arith.addi %iota3A, %add3A_304 : vector<16xi32>
          %gather3A_306 = tpu.vector_load_idx %arg11[%broadcast_in_dim3A_302, %add3A_305, %broadcast_in_dim3A_301] : memref<2x32x1664xf32, #tpu.memory_space<vmem>>[vector<16xi32>, vector<16xi32>, vector<16xi32>], vector<16xf32>,
          %mul3A_307 = arith.constant 32 : i32
          %mul3A_308 = arith.muli %add3A_300, %mul3A_307 : i32
          %swap3A = arith.index_cast %mul3A_308 : i32 to index
          %swap3A_309 = tpu.vector_load %arg12[%swap3A] {strides = array<i32>} : memref<4096xf32, #tpu.memory_space<vmem>>, vector<16xf32>,
          tpu.vector_store %arg12[%swap3A], %gather3A {strides = array<i32>} : memref<4096xf32, #tpu.memory_space<vmem>>, vector<16xf32>,
          %mul3A_310 = arith.constant 32 : i32
          %mul3A_311 = arith.muli %add3A_300, %mul3A_310 : i32
          %add3A_312 = arith.constant 16 : i32
          %add3A_313 = arith.addi %mul3A_311, %add3A_312 : i32
          %swap3A_314 = arith.index_cast %add3A_313 : i32 to index
          %swap3A_315 = tpu.vector_load %arg12[%swap3A_314] {strides = array<i32>} : memref<4096xf32, #tpu.memory_space<vmem>>, vector<16xf32>,
          tpu.vector_store %arg12[%swap3A_314], %gather3A_306 {strides = array<i32>} : memref<4096xf32, #tpu.memory_space<vmem>>, vector<16xf32>,
          %slice3A_316 = vector.extract_strided_slice %get3A_167 {offsets = [10], sizes = [1], strides = [1]} : vector<16xi32> to vector<1xi32>
          %squeeze3A_317 = vector.extract %slice3A_316[0] : i32 from vector<1xi32>
          %mul3A_318 = arith.constant 32 : i32
          %mul3A_319 = arith.muli %add3A_300, %mul3A_318 : i32
          %mul3A_320 = arith.constant 32 : i32
          %mul3A_321 = arith.muli %squeeze3A_317, %mul3A_320 : i32
          %dma_start3A = tpu.memref_slice %arg12[%mul3A_319] : memref<4096xf32, #tpu.memory_space<vmem>> -> memref<32xf32, #tpu.memory_space<vmem>>
          %dma_start3A_322 = tpu.memref_slice %arg4[%mul3A_321] : memref<524288xf32, #tpu.memory_space<hbm>> -> memref<32xf32, #tpu.memory_space<hbm>>
          %dma_start3A_323 = tpu.memref_slice %arg4[%mul3A_321] : memref<524288xf32, #tpu.memory_space<hbm>> -> memref<32xf32, #tpu.memory_space<hbm>>
          %dma_start3A_324 = tpu.memref_slice %arg12[%mul3A_319] : memref<4096xf32, #tpu.memory_space<vmem>> -> memref<32xf32, #tpu.memory_space<vmem>>
          tpu.enqueue_dma source(%dma_start3A_324 : memref<32xf32, #tpu.memory_space<vmem>>) target(%dma_start3A_323 : memref<32xf32, #tpu.memory_space<hbm>>) target_semaphore(%arg13 : memref<!tpu.dma_semaphore, #tpu.memory_space<semaphore_mem>>)
        } else {
        }
        %mul3A_257 = arith.constant 16 : i32
        %mul3A_258 = arith.muli %while3A_160, %mul3A_257 : i32
        %add3A_259 = arith.constant 11 : i32
        %add3A_260 = arith.addi %mul3A_258, %add3A_259 : i32
        %lt3A_261 = arith.cmpi slt, %add3A_260, %min3A_113 : i32
        %convert_element_type3A_262 = arith.extui %lt3A_261 : i1 to i32
        %cond3A_263 = arith.constant 0 : i32
        %cond3A_264 = arith.cmpi ne, %convert_element_type3A_262, %cond3A_263 : i32
        scf.if %cond3A_264 {
          %mul3A_297 = arith.constant 16 : i32
          %mul3A_298 = arith.muli %while3A_160, %mul3A_297 : i32
          %add3A_299 = arith.constant 11 : i32
          %add3A_300 = arith.addi %mul3A_298, %add3A_299 : i32
          %slice3A = vector.extract_strided_slice %sub3A_168 {offsets = [11], sizes = [1], strides = [1]} : vector<16xi32> to vector<1xi32>
          %squeeze3A = vector.extract %slice3A[0] : i32 from vector<1xi32>
          %broadcast_in_dim3A_301 = vector.broadcast %squeeze3A : i32 to vector<16xi32>
          %broadcast_in_dim3A_302 = vector.broadcast %rem3A_44 : i32 to vector<16xi32>
          %gather3A = tpu.vector_load_idx %arg11[%broadcast_in_dim3A_302, %iota3A, %broadcast_in_dim3A_301] : memref<2x32x1664xf32, #tpu.memory_space<vmem>>[vector<16xi32>, vector<16xi32>, vector<16xi32>], vector<16xf32>,
          %add3A_303 = arith.constant 16 : i32
          %add3A_304 = vector.broadcast %add3A_303 : i32 to vector<16xi32>
          %add3A_305 = arith.addi %iota3A, %add3A_304 : vector<16xi32>
          %gather3A_306 = tpu.vector_load_idx %arg11[%broadcast_in_dim3A_302, %add3A_305, %broadcast_in_dim3A_301] : memref<2x32x1664xf32, #tpu.memory_space<vmem>>[vector<16xi32>, vector<16xi32>, vector<16xi32>], vector<16xf32>,
          %mul3A_307 = arith.constant 32 : i32
          %mul3A_308 = arith.muli %add3A_300, %mul3A_307 : i32
          %swap3A = arith.index_cast %mul3A_308 : i32 to index
          %swap3A_309 = tpu.vector_load %arg12[%swap3A] {strides = array<i32>} : memref<4096xf32, #tpu.memory_space<vmem>>, vector<16xf32>,
          tpu.vector_store %arg12[%swap3A], %gather3A {strides = array<i32>} : memref<4096xf32, #tpu.memory_space<vmem>>, vector<16xf32>,
          %mul3A_310 = arith.constant 32 : i32
          %mul3A_311 = arith.muli %add3A_300, %mul3A_310 : i32
          %add3A_312 = arith.constant 16 : i32
          %add3A_313 = arith.addi %mul3A_311, %add3A_312 : i32
          %swap3A_314 = arith.index_cast %add3A_313 : i32 to index
          %swap3A_315 = tpu.vector_load %arg12[%swap3A_314] {strides = array<i32>} : memref<4096xf32, #tpu.memory_space<vmem>>, vector<16xf32>,
          tpu.vector_store %arg12[%swap3A_314], %gather3A_306 {strides = array<i32>} : memref<4096xf32, #tpu.memory_space<vmem>>, vector<16xf32>,
          %slice3A_316 = vector.extract_strided_slice %get3A_167 {offsets = [11], sizes = [1], strides = [1]} : vector<16xi32> to vector<1xi32>
          %squeeze3A_317 = vector.extract %slice3A_316[0] : i32 from vector<1xi32>
          %mul3A_318 = arith.constant 32 : i32
          %mul3A_319 = arith.muli %add3A_300, %mul3A_318 : i32
          %mul3A_320 = arith.constant 32 : i32
          %mul3A_321 = arith.muli %squeeze3A_317, %mul3A_320 : i32
          %dma_start3A = tpu.memref_slice %arg12[%mul3A_319] : memref<4096xf32, #tpu.memory_space<vmem>> -> memref<32xf32, #tpu.memory_space<vmem>>
          %dma_start3A_322 = tpu.memref_slice %arg4[%mul3A_321] : memref<524288xf32, #tpu.memory_space<hbm>> -> memref<32xf32, #tpu.memory_space<hbm>>
          %dma_start3A_323 = tpu.memref_slice %arg4[%mul3A_321] : memref<524288xf32, #tpu.memory_space<hbm>> -> memref<32xf32, #tpu.memory_space<hbm>>
          %dma_start3A_324 = tpu.memref_slice %arg12[%mul3A_319] : memref<4096xf32, #tpu.memory_space<vmem>> -> memref<32xf32, #tpu.memory_space<vmem>>
          tpu.enqueue_dma source(%dma_start3A_324 : memref<32xf32, #tpu.memory_space<vmem>>) target(%dma_start3A_323 : memref<32xf32, #tpu.memory_space<hbm>>) target_semaphore(%arg13 : memref<!tpu.dma_semaphore, #tpu.memory_space<semaphore_mem>>)
        } else {
        }
        %mul3A_265 = arith.constant 16 : i32
        %mul3A_266 = arith.muli %while3A_160, %mul3A_265 : i32
        %add3A_267 = arith.constant 12 : i32
        %add3A_268 = arith.addi %mul3A_266, %add3A_267 : i32
        %lt3A_269 = arith.cmpi slt, %add3A_268, %min3A_113 : i32
        %convert_element_type3A_270 = arith.extui %lt3A_269 : i1 to i32
        %cond3A_271 = arith.constant 0 : i32
        %cond3A_272 = arith.cmpi ne, %convert_element_type3A_270, %cond3A_271 : i32
        scf.if %cond3A_272 {
          %mul3A_297 = arith.constant 16 : i32
          %mul3A_298 = arith.muli %while3A_160, %mul3A_297 : i32
          %add3A_299 = arith.constant 12 : i32
          %add3A_300 = arith.addi %mul3A_298, %add3A_299 : i32
          %slice3A = vector.extract_strided_slice %sub3A_168 {offsets = [12], sizes = [1], strides = [1]} : vector<16xi32> to vector<1xi32>
          %squeeze3A = vector.extract %slice3A[0] : i32 from vector<1xi32>
          %broadcast_in_dim3A_301 = vector.broadcast %squeeze3A : i32 to vector<16xi32>
          %broadcast_in_dim3A_302 = vector.broadcast %rem3A_44 : i32 to vector<16xi32>
          %gather3A = tpu.vector_load_idx %arg11[%broadcast_in_dim3A_302, %iota3A, %broadcast_in_dim3A_301] : memref<2x32x1664xf32, #tpu.memory_space<vmem>>[vector<16xi32>, vector<16xi32>, vector<16xi32>], vector<16xf32>,
          %add3A_303 = arith.constant 16 : i32
          %add3A_304 = vector.broadcast %add3A_303 : i32 to vector<16xi32>
          %add3A_305 = arith.addi %iota3A, %add3A_304 : vector<16xi32>
          %gather3A_306 = tpu.vector_load_idx %arg11[%broadcast_in_dim3A_302, %add3A_305, %broadcast_in_dim3A_301] : memref<2x32x1664xf32, #tpu.memory_space<vmem>>[vector<16xi32>, vector<16xi32>, vector<16xi32>], vector<16xf32>,
          %mul3A_307 = arith.constant 32 : i32
          %mul3A_308 = arith.muli %add3A_300, %mul3A_307 : i32
          %swap3A = arith.index_cast %mul3A_308 : i32 to index
          %swap3A_309 = tpu.vector_load %arg12[%swap3A] {strides = array<i32>} : memref<4096xf32, #tpu.memory_space<vmem>>, vector<16xf32>,
          tpu.vector_store %arg12[%swap3A], %gather3A {strides = array<i32>} : memref<4096xf32, #tpu.memory_space<vmem>>, vector<16xf32>,
          %mul3A_310 = arith.constant 32 : i32
          %mul3A_311 = arith.muli %add3A_300, %mul3A_310 : i32
          %add3A_312 = arith.constant 16 : i32
          %add3A_313 = arith.addi %mul3A_311, %add3A_312 : i32
          %swap3A_314 = arith.index_cast %add3A_313 : i32 to index
          %swap3A_315 = tpu.vector_load %arg12[%swap3A_314] {strides = array<i32>} : memref<4096xf32, #tpu.memory_space<vmem>>, vector<16xf32>,
          tpu.vector_store %arg12[%swap3A_314], %gather3A_306 {strides = array<i32>} : memref<4096xf32, #tpu.memory_space<vmem>>, vector<16xf32>,
          %slice3A_316 = vector.extract_strided_slice %get3A_167 {offsets = [12], sizes = [1], strides = [1]} : vector<16xi32> to vector<1xi32>
          %squeeze3A_317 = vector.extract %slice3A_316[0] : i32 from vector<1xi32>
          %mul3A_318 = arith.constant 32 : i32
          %mul3A_319 = arith.muli %add3A_300, %mul3A_318 : i32
          %mul3A_320 = arith.constant 32 : i32
          %mul3A_321 = arith.muli %squeeze3A_317, %mul3A_320 : i32
          %dma_start3A = tpu.memref_slice %arg12[%mul3A_319] : memref<4096xf32, #tpu.memory_space<vmem>> -> memref<32xf32, #tpu.memory_space<vmem>>
          %dma_start3A_322 = tpu.memref_slice %arg4[%mul3A_321] : memref<524288xf32, #tpu.memory_space<hbm>> -> memref<32xf32, #tpu.memory_space<hbm>>
          %dma_start3A_323 = tpu.memref_slice %arg4[%mul3A_321] : memref<524288xf32, #tpu.memory_space<hbm>> -> memref<32xf32, #tpu.memory_space<hbm>>
          %dma_start3A_324 = tpu.memref_slice %arg12[%mul3A_319] : memref<4096xf32, #tpu.memory_space<vmem>> -> memref<32xf32, #tpu.memory_space<vmem>>
          tpu.enqueue_dma source(%dma_start3A_324 : memref<32xf32, #tpu.memory_space<vmem>>) target(%dma_start3A_323 : memref<32xf32, #tpu.memory_space<hbm>>) target_semaphore(%arg13 : memref<!tpu.dma_semaphore, #tpu.memory_space<semaphore_mem>>)
        } else {
        }
        %mul3A_273 = arith.constant 16 : i32
        %mul3A_274 = arith.muli %while3A_160, %mul3A_273 : i32
        %add3A_275 = arith.constant 13 : i32
        %add3A_276 = arith.addi %mul3A_274, %add3A_275 : i32
        %lt3A_277 = arith.cmpi slt, %add3A_276, %min3A_113 : i32
        %convert_element_type3A_278 = arith.extui %lt3A_277 : i1 to i32
        %cond3A_279 = arith.constant 0 : i32
        %cond3A_280 = arith.cmpi ne, %convert_element_type3A_278, %cond3A_279 : i32
        scf.if %cond3A_280 {
          %mul3A_297 = arith.constant 16 : i32
          %mul3A_298 = arith.muli %while3A_160, %mul3A_297 : i32
          %add3A_299 = arith.constant 13 : i32
          %add3A_300 = arith.addi %mul3A_298, %add3A_299 : i32
          %slice3A = vector.extract_strided_slice %sub3A_168 {offsets = [13], sizes = [1], strides = [1]} : vector<16xi32> to vector<1xi32>
          %squeeze3A = vector.extract %slice3A[0] : i32 from vector<1xi32>
          %broadcast_in_dim3A_301 = vector.broadcast %squeeze3A : i32 to vector<16xi32>
          %broadcast_in_dim3A_302 = vector.broadcast %rem3A_44 : i32 to vector<16xi32>
          %gather3A = tpu.vector_load_idx %arg11[%broadcast_in_dim3A_302, %iota3A, %broadcast_in_dim3A_301] : memref<2x32x1664xf32, #tpu.memory_space<vmem>>[vector<16xi32>, vector<16xi32>, vector<16xi32>], vector<16xf32>,
          %add3A_303 = arith.constant 16 : i32
          %add3A_304 = vector.broadcast %add3A_303 : i32 to vector<16xi32>
          %add3A_305 = arith.addi %iota3A, %add3A_304 : vector<16xi32>
          %gather3A_306 = tpu.vector_load_idx %arg11[%broadcast_in_dim3A_302, %add3A_305, %broadcast_in_dim3A_301] : memref<2x32x1664xf32, #tpu.memory_space<vmem>>[vector<16xi32>, vector<16xi32>, vector<16xi32>], vector<16xf32>,
          %mul3A_307 = arith.constant 32 : i32
          %mul3A_308 = arith.muli %add3A_300, %mul3A_307 : i32
          %swap3A = arith.index_cast %mul3A_308 : i32 to index
          %swap3A_309 = tpu.vector_load %arg12[%swap3A] {strides = array<i32>} : memref<4096xf32, #tpu.memory_space<vmem>>, vector<16xf32>,
          tpu.vector_store %arg12[%swap3A], %gather3A {strides = array<i32>} : memref<4096xf32, #tpu.memory_space<vmem>>, vector<16xf32>,
          %mul3A_310 = arith.constant 32 : i32
          %mul3A_311 = arith.muli %add3A_300, %mul3A_310 : i32
          %add3A_312 = arith.constant 16 : i32
          %add3A_313 = arith.addi %mul3A_311, %add3A_312 : i32
          %swap3A_314 = arith.index_cast %add3A_313 : i32 to index
          %swap3A_315 = tpu.vector_load %arg12[%swap3A_314] {strides = array<i32>} : memref<4096xf32, #tpu.memory_space<vmem>>, vector<16xf32>,
          tpu.vector_store %arg12[%swap3A_314], %gather3A_306 {strides = array<i32>} : memref<4096xf32, #tpu.memory_space<vmem>>, vector<16xf32>,
          %slice3A_316 = vector.extract_strided_slice %get3A_167 {offsets = [13], sizes = [1], strides = [1]} : vector<16xi32> to vector<1xi32>
          %squeeze3A_317 = vector.extract %slice3A_316[0] : i32 from vector<1xi32>
          %mul3A_318 = arith.constant 32 : i32
          %mul3A_319 = arith.muli %add3A_300, %mul3A_318 : i32
          %mul3A_320 = arith.constant 32 : i32
          %mul3A_321 = arith.muli %squeeze3A_317, %mul3A_320 : i32
          %dma_start3A = tpu.memref_slice %arg12[%mul3A_319] : memref<4096xf32, #tpu.memory_space<vmem>> -> memref<32xf32, #tpu.memory_space<vmem>>
          %dma_start3A_322 = tpu.memref_slice %arg4[%mul3A_321] : memref<524288xf32, #tpu.memory_space<hbm>> -> memref<32xf32, #tpu.memory_space<hbm>>
          %dma_start3A_323 = tpu.memref_slice %arg4[%mul3A_321] : memref<524288xf32, #tpu.memory_space<hbm>> -> memref<32xf32, #tpu.memory_space<hbm>>
          %dma_start3A_324 = tpu.memref_slice %arg12[%mul3A_319] : memref<4096xf32, #tpu.memory_space<vmem>> -> memref<32xf32, #tpu.memory_space<vmem>>
          tpu.enqueue_dma source(%dma_start3A_324 : memref<32xf32, #tpu.memory_space<vmem>>) target(%dma_start3A_323 : memref<32xf32, #tpu.memory_space<hbm>>) target_semaphore(%arg13 : memref<!tpu.dma_semaphore, #tpu.memory_space<semaphore_mem>>)
        } else {
        }
        %mul3A_281 = arith.constant 16 : i32
        %mul3A_282 = arith.muli %while3A_160, %mul3A_281 : i32
        %add3A_283 = arith.constant 14 : i32
        %add3A_284 = arith.addi %mul3A_282, %add3A_283 : i32
        %lt3A_285 = arith.cmpi slt, %add3A_284, %min3A_113 : i32
        %convert_element_type3A_286 = arith.extui %lt3A_285 : i1 to i32
        %cond3A_287 = arith.constant 0 : i32
        %cond3A_288 = arith.cmpi ne, %convert_element_type3A_286, %cond3A_287 : i32
        scf.if %cond3A_288 {
          %mul3A_297 = arith.constant 16 : i32
          %mul3A_298 = arith.muli %while3A_160, %mul3A_297 : i32
          %add3A_299 = arith.constant 14 : i32
          %add3A_300 = arith.addi %mul3A_298, %add3A_299 : i32
          %slice3A = vector.extract_strided_slice %sub3A_168 {offsets = [14], sizes = [1], strides = [1]} : vector<16xi32> to vector<1xi32>
          %squeeze3A = vector.extract %slice3A[0] : i32 from vector<1xi32>
          %broadcast_in_dim3A_301 = vector.broadcast %squeeze3A : i32 to vector<16xi32>
          %broadcast_in_dim3A_302 = vector.broadcast %rem3A_44 : i32 to vector<16xi32>
          %gather3A = tpu.vector_load_idx %arg11[%broadcast_in_dim3A_302, %iota3A, %broadcast_in_dim3A_301] : memref<2x32x1664xf32, #tpu.memory_space<vmem>>[vector<16xi32>, vector<16xi32>, vector<16xi32>], vector<16xf32>,
          %add3A_303 = arith.constant 16 : i32
          %add3A_304 = vector.broadcast %add3A_303 : i32 to vector<16xi32>
          %add3A_305 = arith.addi %iota3A, %add3A_304 : vector<16xi32>
          %gather3A_306 = tpu.vector_load_idx %arg11[%broadcast_in_dim3A_302, %add3A_305, %broadcast_in_dim3A_301] : memref<2x32x1664xf32, #tpu.memory_space<vmem>>[vector<16xi32>, vector<16xi32>, vector<16xi32>], vector<16xf32>,
          %mul3A_307 = arith.constant 32 : i32
          %mul3A_308 = arith.muli %add3A_300, %mul3A_307 : i32
          %swap3A = arith.index_cast %mul3A_308 : i32 to index
          %swap3A_309 = tpu.vector_load %arg12[%swap3A] {strides = array<i32>} : memref<4096xf32, #tpu.memory_space<vmem>>, vector<16xf32>,
          tpu.vector_store %arg12[%swap3A], %gather3A {strides = array<i32>} : memref<4096xf32, #tpu.memory_space<vmem>>, vector<16xf32>,
          %mul3A_310 = arith.constant 32 : i32
          %mul3A_311 = arith.muli %add3A_300, %mul3A_310 : i32
          %add3A_312 = arith.constant 16 : i32
          %add3A_313 = arith.addi %mul3A_311, %add3A_312 : i32
          %swap3A_314 = arith.index_cast %add3A_313 : i32 to index
          %swap3A_315 = tpu.vector_load %arg12[%swap3A_314] {strides = array<i32>} : memref<4096xf32, #tpu.memory_space<vmem>>, vector<16xf32>,
          tpu.vector_store %arg12[%swap3A_314], %gather3A_306 {strides = array<i32>} : memref<4096xf32, #tpu.memory_space<vmem>>, vector<16xf32>,
          %slice3A_316 = vector.extract_strided_slice %get3A_167 {offsets = [14], sizes = [1], strides = [1]} : vector<16xi32> to vector<1xi32>
          %squeeze3A_317 = vector.extract %slice3A_316[0] : i32 from vector<1xi32>
          %mul3A_318 = arith.constant 32 : i32
          %mul3A_319 = arith.muli %add3A_300, %mul3A_318 : i32
          %mul3A_320 = arith.constant 32 : i32
          %mul3A_321 = arith.muli %squeeze3A_317, %mul3A_320 : i32
          %dma_start3A = tpu.memref_slice %arg12[%mul3A_319] : memref<4096xf32, #tpu.memory_space<vmem>> -> memref<32xf32, #tpu.memory_space<vmem>>
          %dma_start3A_322 = tpu.memref_slice %arg4[%mul3A_321] : memref<524288xf32, #tpu.memory_space<hbm>> -> memref<32xf32, #tpu.memory_space<hbm>>
          %dma_start3A_323 = tpu.memref_slice %arg4[%mul3A_321] : memref<524288xf32, #tpu.memory_space<hbm>> -> memref<32xf32, #tpu.memory_space<hbm>>
          %dma_start3A_324 = tpu.memref_slice %arg12[%mul3A_319] : memref<4096xf32, #tpu.memory_space<vmem>> -> memref<32xf32, #tpu.memory_space<vmem>>
          tpu.enqueue_dma source(%dma_start3A_324 : memref<32xf32, #tpu.memory_space<vmem>>) target(%dma_start3A_323 : memref<32xf32, #tpu.memory_space<hbm>>) target_semaphore(%arg13 : memref<!tpu.dma_semaphore, #tpu.memory_space<semaphore_mem>>)
        } else {
        }
        %mul3A_289 = arith.constant 16 : i32
        %mul3A_290 = arith.muli %while3A_160, %mul3A_289 : i32
        %add3A_291 = arith.constant 15 : i32
        %add3A_292 = arith.addi %mul3A_290, %add3A_291 : i32
        %lt3A_293 = arith.cmpi slt, %add3A_292, %min3A_113 : i32
        %convert_element_type3A_294 = arith.extui %lt3A_293 : i1 to i32
        %cond3A_295 = arith.constant 0 : i32
        %cond3A_296 = arith.cmpi ne, %convert_element_type3A_294, %cond3A_295 : i32
        scf.if %cond3A_296 {
          %mul3A_297 = arith.constant 16 : i32
          %mul3A_298 = arith.muli %while3A_160, %mul3A_297 : i32
          %add3A_299 = arith.constant 15 : i32
          %add3A_300 = arith.addi %mul3A_298, %add3A_299 : i32
          %slice3A = vector.extract_strided_slice %sub3A_168 {offsets = [15], sizes = [1], strides = [1]} : vector<16xi32> to vector<1xi32>
          %squeeze3A = vector.extract %slice3A[0] : i32 from vector<1xi32>
          %broadcast_in_dim3A_301 = vector.broadcast %squeeze3A : i32 to vector<16xi32>
          %broadcast_in_dim3A_302 = vector.broadcast %rem3A_44 : i32 to vector<16xi32>
          %gather3A = tpu.vector_load_idx %arg11[%broadcast_in_dim3A_302, %iota3A, %broadcast_in_dim3A_301] : memref<2x32x1664xf32, #tpu.memory_space<vmem>>[vector<16xi32>, vector<16xi32>, vector<16xi32>], vector<16xf32>,
          %add3A_303 = arith.constant 16 : i32
          %add3A_304 = vector.broadcast %add3A_303 : i32 to vector<16xi32>
          %add3A_305 = arith.addi %iota3A, %add3A_304 : vector<16xi32>
          %gather3A_306 = tpu.vector_load_idx %arg11[%broadcast_in_dim3A_302, %add3A_305, %broadcast_in_dim3A_301] : memref<2x32x1664xf32, #tpu.memory_space<vmem>>[vector<16xi32>, vector<16xi32>, vector<16xi32>], vector<16xf32>,
          %mul3A_307 = arith.constant 32 : i32
          %mul3A_308 = arith.muli %add3A_300, %mul3A_307 : i32
          %swap3A = arith.index_cast %mul3A_308 : i32 to index
          %swap3A_309 = tpu.vector_load %arg12[%swap3A] {strides = array<i32>} : memref<4096xf32, #tpu.memory_space<vmem>>, vector<16xf32>,
          tpu.vector_store %arg12[%swap3A], %gather3A {strides = array<i32>} : memref<4096xf32, #tpu.memory_space<vmem>>, vector<16xf32>,
          %mul3A_310 = arith.constant 32 : i32
          %mul3A_311 = arith.muli %add3A_300, %mul3A_310 : i32
          %add3A_312 = arith.constant 16 : i32
          %add3A_313 = arith.addi %mul3A_311, %add3A_312 : i32
          %swap3A_314 = arith.index_cast %add3A_313 : i32 to index
          %swap3A_315 = tpu.vector_load %arg12[%swap3A_314] {strides = array<i32>} : memref<4096xf32, #tpu.memory_space<vmem>>, vector<16xf32>,
          tpu.vector_store %arg12[%swap3A_314], %gather3A_306 {strides = array<i32>} : memref<4096xf32, #tpu.memory_space<vmem>>, vector<16xf32>,
          %slice3A_316 = vector.extract_strided_slice %get3A_167 {offsets = [15], sizes = [1], strides = [1]} : vector<16xi32> to vector<1xi32>
          %squeeze3A_317 = vector.extract %slice3A_316[0] : i32 from vector<1xi32>
          %mul3A_318 = arith.constant 32 : i32
          %mul3A_319 = arith.muli %add3A_300, %mul3A_318 : i32
          %mul3A_320 = arith.constant 32 : i32
          %mul3A_321 = arith.muli %squeeze3A_317, %mul3A_320 : i32
          %dma_start3A = tpu.memref_slice %arg12[%mul3A_319] : memref<4096xf32, #tpu.memory_space<vmem>> -> memref<32xf32, #tpu.memory_space<vmem>>
          %dma_start3A_322 = tpu.memref_slice %arg4[%mul3A_321] : memref<524288xf32, #tpu.memory_space<hbm>> -> memref<32xf32, #tpu.memory_space<hbm>>
          %dma_start3A_323 = tpu.memref_slice %arg4[%mul3A_321] : memref<524288xf32, #tpu.memory_space<hbm>> -> memref<32xf32, #tpu.memory_space<hbm>>
          %dma_start3A_324 = tpu.memref_slice %arg12[%mul3A_319] : memref<4096xf32, #tpu.memory_space<vmem>> -> memref<32xf32, #tpu.memory_space<vmem>>
          tpu.enqueue_dma source(%dma_start3A_324 : memref<32xf32, #tpu.memory_space<vmem>>) target(%dma_start3A_323 : memref<32xf32, #tpu.memory_space<hbm>>) target_semaphore(%arg13 : memref<!tpu.dma_semaphore, #tpu.memory_space<semaphore_mem>>)
        } else {
        }
      }
      %while3A_149 = arith.constant 1 : i32
      scf.for %while3A_160 = %while3A_147 to %while3A_143 step %while3A_149  : i32 {
        %mul3A_161 = arith.constant 16 : i32
        %mul3A_162 = arith.muli %while3A_160, %mul3A_161 : i32
        %get3A = arith.index_cast %mul3A_162 : i32 to index
        %get3A_163 = tpu.vector_load %arg8[%get3A] {strides = array<i32>} : memref<128xi32, #tpu.memory_space<vmem>>, vector<16xi32>,
        %mul3A_164 = arith.constant 16 : i32
        %mul3A_165 = arith.muli %while3A_160, %mul3A_164 : i32
        %get3A_166 = arith.index_cast %mul3A_165 : i32 to index
        %get3A_167 = tpu.vector_load %arg9[%get3A_166] {strides = array<i32>} : memref<128xi32, #tpu.memory_space<vmem>>, vector<16xi32>,
        %sub3A_168 = arith.subi %get3A_163, %broadcast_in_dim3A_64 : vector<16xi32>
        %mul3A_169 = arith.constant 16 : i32
        %mul3A_170 = arith.muli %while3A_160, %mul3A_169 : i32
        %add3A_171 = arith.constant 0 : i32
        %add3A_172 = arith.addi %mul3A_170, %add3A_171 : i32
        %lt3A_173 = arith.cmpi slt, %add3A_172, %min3A_113 : i32
        %convert_element_type3A_174 = arith.extui %lt3A_173 : i1 to i32
        %cond3A_175 = arith.constant 0 : i32
        %cond3A_176 = arith.cmpi ne, %convert_element_type3A_174, %cond3A_175 : i32
        scf.if %cond3A_176 {
          %mul3A_297 = arith.constant 16 : i32
          %mul3A_298 = arith.muli %while3A_160, %mul3A_297 : i32
          %add3A_299 = arith.constant 0 : i32
          %add3A_300 = arith.addi %mul3A_298, %add3A_299 : i32
          %slice3A = vector.extract_strided_slice %sub3A_168 {offsets = [0], sizes = [1], strides = [1]} : vector<16xi32> to vector<1xi32>
          %squeeze3A = vector.extract %slice3A[0] : i32 from vector<1xi32>
          %broadcast_in_dim3A_301 = vector.broadcast %squeeze3A : i32 to vector<16xi32>
          %broadcast_in_dim3A_302 = vector.broadcast %rem3A_44 : i32 to vector<16xi32>
          %gather3A = tpu.vector_load_idx %arg11[%broadcast_in_dim3A_302, %iota3A, %broadcast_in_dim3A_301] : memref<2x32x1664xf32, #tpu.memory_space<vmem>>[vector<16xi32>, vector<16xi32>, vector<16xi32>], vector<16xf32>,
          %add3A_303 = arith.constant 16 : i32
          %add3A_304 = vector.broadcast %add3A_303 : i32 to vector<16xi32>
          %add3A_305 = arith.addi %iota3A, %add3A_304 : vector<16xi32>
          %gather3A_306 = tpu.vector_load_idx %arg11[%broadcast_in_dim3A_302, %add3A_305, %broadcast_in_dim3A_301] : memref<2x32x1664xf32, #tpu.memory_space<vmem>>[vector<16xi32>, vector<16xi32>, vector<16xi32>], vector<16xf32>,
          %mul3A_307 = arith.constant 32 : i32
          %mul3A_308 = arith.muli %add3A_300, %mul3A_307 : i32
          %swap3A = arith.index_cast %mul3A_308 : i32 to index
          %swap3A_309 = tpu.vector_load %arg12[%swap3A] {strides = array<i32>} : memref<4096xf32, #tpu.memory_space<vmem>>, vector<16xf32>,
          tpu.vector_store %arg12[%swap3A], %gather3A {strides = array<i32>} : memref<4096xf32, #tpu.memory_space<vmem>>, vector<16xf32>,
          %mul3A_310 = arith.constant 32 : i32
          %mul3A_311 = arith.muli %add3A_300, %mul3A_310 : i32
          %add3A_312 = arith.constant 16 : i32
          %add3A_313 = arith.addi %mul3A_311, %add3A_312 : i32
          %swap3A_314 = arith.index_cast %add3A_313 : i32 to index
          %swap3A_315 = tpu.vector_load %arg12[%swap3A_314] {strides = array<i32>} : memref<4096xf32, #tpu.memory_space<vmem>>, vector<16xf32>,
          tpu.vector_store %arg12[%swap3A_314], %gather3A_306 {strides = array<i32>} : memref<4096xf32, #tpu.memory_space<vmem>>, vector<16xf32>,
          %slice3A_316 = vector.extract_strided_slice %get3A_167 {offsets = [0], sizes = [1], strides = [1]} : vector<16xi32> to vector<1xi32>
          %squeeze3A_317 = vector.extract %slice3A_316[0] : i32 from vector<1xi32>
          %mul3A_318 = arith.constant 32 : i32
          %mul3A_319 = arith.muli %add3A_300, %mul3A_318 : i32
          %mul3A_320 = arith.constant 32 : i32
          %mul3A_321 = arith.muli %squeeze3A_317, %mul3A_320 : i32
          %dma_start3A = tpu.memref_slice %arg12[%mul3A_319] : memref<4096xf32, #tpu.memory_space<vmem>> -> memref<32xf32, #tpu.memory_space<vmem>>
          %dma_start3A_322 = tpu.memref_slice %arg4[%mul3A_321] : memref<524288xf32, #tpu.memory_space<hbm>> -> memref<32xf32, #tpu.memory_space<hbm>>
          %dma_start3A_323 = tpu.memref_slice %arg4[%mul3A_321] : memref<524288xf32, #tpu.memory_space<hbm>> -> memref<32xf32, #tpu.memory_space<hbm>>
          %dma_start3A_324 = tpu.memref_slice %arg12[%mul3A_319] : memref<4096xf32, #tpu.memory_space<vmem>> -> memref<32xf32, #tpu.memory_space<vmem>>
          tpu.enqueue_dma source(%dma_start3A_324 : memref<32xf32, #tpu.memory_space<vmem>>) target(%dma_start3A_323 : memref<32xf32, #tpu.memory_space<hbm>>) target_semaphore(%arg13 : memref<!tpu.dma_semaphore, #tpu.memory_space<semaphore_mem>>)
        } else {
        }
        %mul3A_177 = arith.constant 16 : i32
        %mul3A_178 = arith.muli %while3A_160, %mul3A_177 : i32
        %add3A_179 = arith.constant 1 : i32
        %add3A_180 = arith.addi %mul3A_178, %add3A_179 : i32
        %lt3A_181 = arith.cmpi slt, %add3A_180, %min3A_113 : i32
        %convert_element_type3A_182 = arith.extui %lt3A_181 : i1 to i32
        %cond3A_183 = arith.constant 0 : i32
        %cond3A_184 = arith.cmpi ne, %convert_element_type3A_182, %cond3A_183 : i32
        scf.if %cond3A_184 {
          %mul3A_297 = arith.constant 16 : i32
          %mul3A_298 = arith.muli %while3A_160, %mul3A_297 : i32
          %add3A_299 = arith.constant 1 : i32
          %add3A_300 = arith.addi %mul3A_298, %add3A_299 : i32
          %slice3A = vector.extract_strided_slice %sub3A_168 {offsets = [1], sizes = [1], strides = [1]} : vector<16xi32> to vector<1xi32>
          %squeeze3A = vector.extract %slice3A[0] : i32 from vector<1xi32>
          %broadcast_in_dim3A_301 = vector.broadcast %squeeze3A : i32 to vector<16xi32>
          %broadcast_in_dim3A_302 = vector.broadcast %rem3A_44 : i32 to vector<16xi32>
          %gather3A = tpu.vector_load_idx %arg11[%broadcast_in_dim3A_302, %iota3A, %broadcast_in_dim3A_301] : memref<2x32x1664xf32, #tpu.memory_space<vmem>>[vector<16xi32>, vector<16xi32>, vector<16xi32>], vector<16xf32>,
          %add3A_303 = arith.constant 16 : i32
          %add3A_304 = vector.broadcast %add3A_303 : i32 to vector<16xi32>
          %add3A_305 = arith.addi %iota3A, %add3A_304 : vector<16xi32>
          %gather3A_306 = tpu.vector_load_idx %arg11[%broadcast_in_dim3A_302, %add3A_305, %broadcast_in_dim3A_301] : memref<2x32x1664xf32, #tpu.memory_space<vmem>>[vector<16xi32>, vector<16xi32>, vector<16xi32>], vector<16xf32>,
          %mul3A_307 = arith.constant 32 : i32
          %mul3A_308 = arith.muli %add3A_300, %mul3A_307 : i32
          %swap3A = arith.index_cast %mul3A_308 : i32 to index
          %swap3A_309 = tpu.vector_load %arg12[%swap3A] {strides = array<i32>} : memref<4096xf32, #tpu.memory_space<vmem>>, vector<16xf32>,
          tpu.vector_store %arg12[%swap3A], %gather3A {strides = array<i32>} : memref<4096xf32, #tpu.memory_space<vmem>>, vector<16xf32>,
          %mul3A_310 = arith.constant 32 : i32
          %mul3A_311 = arith.muli %add3A_300, %mul3A_310 : i32
          %add3A_312 = arith.constant 16 : i32
          %add3A_313 = arith.addi %mul3A_311, %add3A_312 : i32
          %swap3A_314 = arith.index_cast %add3A_313 : i32 to index
          %swap3A_315 = tpu.vector_load %arg12[%swap3A_314] {strides = array<i32>} : memref<4096xf32, #tpu.memory_space<vmem>>, vector<16xf32>,
          tpu.vector_store %arg12[%swap3A_314], %gather3A_306 {strides = array<i32>} : memref<4096xf32, #tpu.memory_space<vmem>>, vector<16xf32>,
          %slice3A_316 = vector.extract_strided_slice %get3A_167 {offsets = [1], sizes = [1], strides = [1]} : vector<16xi32> to vector<1xi32>
          %squeeze3A_317 = vector.extract %slice3A_316[0] : i32 from vector<1xi32>
          %mul3A_318 = arith.constant 32 : i32
          %mul3A_319 = arith.muli %add3A_300, %mul3A_318 : i32
          %mul3A_320 = arith.constant 32 : i32
          %mul3A_321 = arith.muli %squeeze3A_317, %mul3A_320 : i32
          %dma_start3A = tpu.memref_slice %arg12[%mul3A_319] : memref<4096xf32, #tpu.memory_space<vmem>> -> memref<32xf32, #tpu.memory_space<vmem>>
          %dma_start3A_322 = tpu.memref_slice %arg4[%mul3A_321] : memref<524288xf32, #tpu.memory_space<hbm>> -> memref<32xf32, #tpu.memory_space<hbm>>
          %dma_start3A_323 = tpu.memref_slice %arg4[%mul3A_321] : memref<524288xf32, #tpu.memory_space<hbm>> -> memref<32xf32, #tpu.memory_space<hbm>>
          %dma_start3A_324 = tpu.memref_slice %arg12[%mul3A_319] : memref<4096xf32, #tpu.memory_space<vmem>> -> memref<32xf32, #tpu.memory_space<vmem>>
          tpu.enqueue_dma source(%dma_start3A_324 : memref<32xf32, #tpu.memory_space<vmem>>) target(%dma_start3A_323 : memref<32xf32, #tpu.memory_space<hbm>>) target_semaphore(%arg13 : memref<!tpu.dma_semaphore, #tpu.memory_space<semaphore_mem>>)
        } else {
        }
        %mul3A_185 = arith.constant 16 : i32
        %mul3A_186 = arith.muli %while3A_160, %mul3A_185 : i32
        %add3A_187 = arith.constant 2 : i32
        %add3A_188 = arith.addi %mul3A_186, %add3A_187 : i32
        %lt3A_189 = arith.cmpi slt, %add3A_188, %min3A_113 : i32
        %convert_element_type3A_190 = arith.extui %lt3A_189 : i1 to i32
        %cond3A_191 = arith.constant 0 : i32
        %cond3A_192 = arith.cmpi ne, %convert_element_type3A_190, %cond3A_191 : i32
        scf.if %cond3A_192 {
          %mul3A_297 = arith.constant 16 : i32
          %mul3A_298 = arith.muli %while3A_160, %mul3A_297 : i32
          %add3A_299 = arith.constant 2 : i32
          %add3A_300 = arith.addi %mul3A_298, %add3A_299 : i32
          %slice3A = vector.extract_strided_slice %sub3A_168 {offsets = [2], sizes = [1], strides = [1]} : vector<16xi32> to vector<1xi32>
          %squeeze3A = vector.extract %slice3A[0] : i32 from vector<1xi32>
          %broadcast_in_dim3A_301 = vector.broadcast %squeeze3A : i32 to vector<16xi32>
          %broadcast_in_dim3A_302 = vector.broadcast %rem3A_44 : i32 to vector<16xi32>
          %gather3A = tpu.vector_load_idx %arg11[%broadcast_in_dim3A_302, %iota3A, %broadcast_in_dim3A_301] : memref<2x32x1664xf32, #tpu.memory_space<vmem>>[vector<16xi32>, vector<16xi32>, vector<16xi32>], vector<16xf32>,
          %add3A_303 = arith.constant 16 : i32
          %add3A_304 = vector.broadcast %add3A_303 : i32 to vector<16xi32>
          %add3A_305 = arith.addi %iota3A, %add3A_304 : vector<16xi32>
          %gather3A_306 = tpu.vector_load_idx %arg11[%broadcast_in_dim3A_302, %add3A_305, %broadcast_in_dim3A_301] : memref<2x32x1664xf32, #tpu.memory_space<vmem>>[vector<16xi32>, vector<16xi32>, vector<16xi32>], vector<16xf32>,
          %mul3A_307 = arith.constant 32 : i32
          %mul3A_308 = arith.muli %add3A_300, %mul3A_307 : i32
          %swap3A = arith.index_cast %mul3A_308 : i32 to index
          %swap3A_309 = tpu.vector_load %arg12[%swap3A] {strides = array<i32>} : memref<4096xf32, #tpu.memory_space<vmem>>, vector<16xf32>,
          tpu.vector_store %arg12[%swap3A], %gather3A {strides = array<i32>} : memref<4096xf32, #tpu.memory_space<vmem>>, vector<16xf32>,
          %mul3A_310 = arith.constant 32 : i32
          %mul3A_311 = arith.muli %add3A_300, %mul3A_310 : i32
          %add3A_312 = arith.constant 16 : i32
          %add3A_313 = arith.addi %mul3A_311, %add3A_312 : i32
          %swap3A_314 = arith.index_cast %add3A_313 : i32 to index
          %swap3A_315 = tpu.vector_load %arg12[%swap3A_314] {strides = array<i32>} : memref<4096xf32, #tpu.memory_space<vmem>>, vector<16xf32>,
          tpu.vector_store %arg12[%swap3A_314], %gather3A_306 {strides = array<i32>} : memref<4096xf32, #tpu.memory_space<vmem>>, vector<16xf32>,
          %slice3A_316 = vector.extract_strided_slice %get3A_167 {offsets = [2], sizes = [1], strides = [1]} : vector<16xi32> to vector<1xi32>
          %squeeze3A_317 = vector.extract %slice3A_316[0] : i32 from vector<1xi32>
          %mul3A_318 = arith.constant 32 : i32
          %mul3A_319 = arith.muli %add3A_300, %mul3A_318 : i32
          %mul3A_320 = arith.constant 32 : i32
          %mul3A_321 = arith.muli %squeeze3A_317, %mul3A_320 : i32
          %dma_start3A = tpu.memref_slice %arg12[%mul3A_319] : memref<4096xf32, #tpu.memory_space<vmem>> -> memref<32xf32, #tpu.memory_space<vmem>>
          %dma_start3A_322 = tpu.memref_slice %arg4[%mul3A_321] : memref<524288xf32, #tpu.memory_space<hbm>> -> memref<32xf32, #tpu.memory_space<hbm>>
          %dma_start3A_323 = tpu.memref_slice %arg4[%mul3A_321] : memref<524288xf32, #tpu.memory_space<hbm>> -> memref<32xf32, #tpu.memory_space<hbm>>
          %dma_start3A_324 = tpu.memref_slice %arg12[%mul3A_319] : memref<4096xf32, #tpu.memory_space<vmem>> -> memref<32xf32, #tpu.memory_space<vmem>>
          tpu.enqueue_dma source(%dma_start3A_324 : memref<32xf32, #tpu.memory_space<vmem>>) target(%dma_start3A_323 : memref<32xf32, #tpu.memory_space<hbm>>) target_semaphore(%arg13 : memref<!tpu.dma_semaphore, #tpu.memory_space<semaphore_mem>>)
        } else {
        }
        %mul3A_193 = arith.constant 16 : i32
        %mul3A_194 = arith.muli %while3A_160, %mul3A_193 : i32
        %add3A_195 = arith.constant 3 : i32
        %add3A_196 = arith.addi %mul3A_194, %add3A_195 : i32
        %lt3A_197 = arith.cmpi slt, %add3A_196, %min3A_113 : i32
        %convert_element_type3A_198 = arith.extui %lt3A_197 : i1 to i32
        %cond3A_199 = arith.constant 0 : i32
        %cond3A_200 = arith.cmpi ne, %convert_element_type3A_198, %cond3A_199 : i32
        scf.if %cond3A_200 {
          %mul3A_297 = arith.constant 16 : i32
          %mul3A_298 = arith.muli %while3A_160, %mul3A_297 : i32
          %add3A_299 = arith.constant 3 : i32
          %add3A_300 = arith.addi %mul3A_298, %add3A_299 : i32
          %slice3A = vector.extract_strided_slice %sub3A_168 {offsets = [3], sizes = [1], strides = [1]} : vector<16xi32> to vector<1xi32>
          %squeeze3A = vector.extract %slice3A[0] : i32 from vector<1xi32>
          %broadcast_in_dim3A_301 = vector.broadcast %squeeze3A : i32 to vector<16xi32>
          %broadcast_in_dim3A_302 = vector.broadcast %rem3A_44 : i32 to vector<16xi32>
          %gather3A = tpu.vector_load_idx %arg11[%broadcast_in_dim3A_302, %iota3A, %broadcast_in_dim3A_301] : memref<2x32x1664xf32, #tpu.memory_space<vmem>>[vector<16xi32>, vector<16xi32>, vector<16xi32>], vector<16xf32>,
          %add3A_303 = arith.constant 16 : i32
          %add3A_304 = vector.broadcast %add3A_303 : i32 to vector<16xi32>
          %add3A_305 = arith.addi %iota3A, %add3A_304 : vector<16xi32>
          %gather3A_306 = tpu.vector_load_idx %arg11[%broadcast_in_dim3A_302, %add3A_305, %broadcast_in_dim3A_301] : memref<2x32x1664xf32, #tpu.memory_space<vmem>>[vector<16xi32>, vector<16xi32>, vector<16xi32>], vector<16xf32>,
          %mul3A_307 = arith.constant 32 : i32
          %mul3A_308 = arith.muli %add3A_300, %mul3A_307 : i32
          %swap3A = arith.index_cast %mul3A_308 : i32 to index
          %swap3A_309 = tpu.vector_load %arg12[%swap3A] {strides = array<i32>} : memref<4096xf32, #tpu.memory_space<vmem>>, vector<16xf32>,
          tpu.vector_store %arg12[%swap3A], %gather3A {strides = array<i32>} : memref<4096xf32, #tpu.memory_space<vmem>>, vector<16xf32>,
          %mul3A_310 = arith.constant 32 : i32
          %mul3A_311 = arith.muli %add3A_300, %mul3A_310 : i32
          %add3A_312 = arith.constant 16 : i32
          %add3A_313 = arith.addi %mul3A_311, %add3A_312 : i32
          %swap3A_314 = arith.index_cast %add3A_313 : i32 to index
          %swap3A_315 = tpu.vector_load %arg12[%swap3A_314] {strides = array<i32>} : memref<4096xf32, #tpu.memory_space<vmem>>, vector<16xf32>,
          tpu.vector_store %arg12[%swap3A_314], %gather3A_306 {strides = array<i32>} : memref<4096xf32, #tpu.memory_space<vmem>>, vector<16xf32>,
          %slice3A_316 = vector.extract_strided_slice %get3A_167 {offsets = [3], sizes = [1], strides = [1]} : vector<16xi32> to vector<1xi32>
          %squeeze3A_317 = vector.extract %slice3A_316[0] : i32 from vector<1xi32>
          %mul3A_318 = arith.constant 32 : i32
          %mul3A_319 = arith.muli %add3A_300, %mul3A_318 : i32
          %mul3A_320 = arith.constant 32 : i32
          %mul3A_321 = arith.muli %squeeze3A_317, %mul3A_320 : i32
          %dma_start3A = tpu.memref_slice %arg12[%mul3A_319] : memref<4096xf32, #tpu.memory_space<vmem>> -> memref<32xf32, #tpu.memory_space<vmem>>
          %dma_start3A_322 = tpu.memref_slice %arg4[%mul3A_321] : memref<524288xf32, #tpu.memory_space<hbm>> -> memref<32xf32, #tpu.memory_space<hbm>>
          %dma_start3A_323 = tpu.memref_slice %arg4[%mul3A_321] : memref<524288xf32, #tpu.memory_space<hbm>> -> memref<32xf32, #tpu.memory_space<hbm>>
          %dma_start3A_324 = tpu.memref_slice %arg12[%mul3A_319] : memref<4096xf32, #tpu.memory_space<vmem>> -> memref<32xf32, #tpu.memory_space<vmem>>
          tpu.enqueue_dma source(%dma_start3A_324 : memref<32xf32, #tpu.memory_space<vmem>>) target(%dma_start3A_323 : memref<32xf32, #tpu.memory_space<hbm>>) target_semaphore(%arg13 : memref<!tpu.dma_semaphore, #tpu.memory_space<semaphore_mem>>)
        } else {
        }
        %mul3A_201 = arith.constant 16 : i32
        %mul3A_202 = arith.muli %while3A_160, %mul3A_201 : i32
        %add3A_203 = arith.constant 4 : i32
        %add3A_204 = arith.addi %mul3A_202, %add3A_203 : i32
        %lt3A_205 = arith.cmpi slt, %add3A_204, %min3A_113 : i32
        %convert_element_type3A_206 = arith.extui %lt3A_205 : i1 to i32
        %cond3A_207 = arith.constant 0 : i32
        %cond3A_208 = arith.cmpi ne, %convert_element_type3A_206, %cond3A_207 : i32
        scf.if %cond3A_208 {
          %mul3A_297 = arith.constant 16 : i32
          %mul3A_298 = arith.muli %while3A_160, %mul3A_297 : i32
          %add3A_299 = arith.constant 4 : i32
          %add3A_300 = arith.addi %mul3A_298, %add3A_299 : i32
          %slice3A = vector.extract_strided_slice %sub3A_168 {offsets = [4], sizes = [1], strides = [1]} : vector<16xi32> to vector<1xi32>
          %squeeze3A = vector.extract %slice3A[0] : i32 from vector<1xi32>
          %broadcast_in_dim3A_301 = vector.broadcast %squeeze3A : i32 to vector<16xi32>
          %broadcast_in_dim3A_302 = vector.broadcast %rem3A_44 : i32 to vector<16xi32>
          %gather3A = tpu.vector_load_idx %arg11[%broadcast_in_dim3A_302, %iota3A, %broadcast_in_dim3A_301] : memref<2x32x1664xf32, #tpu.memory_space<vmem>>[vector<16xi32>, vector<16xi32>, vector<16xi32>], vector<16xf32>,
          %add3A_303 = arith.constant 16 : i32
          %add3A_304 = vector.broadcast %add3A_303 : i32 to vector<16xi32>
          %add3A_305 = arith.addi %iota3A, %add3A_304 : vector<16xi32>
          %gather3A_306 = tpu.vector_load_idx %arg11[%broadcast_in_dim3A_302, %add3A_305, %broadcast_in_dim3A_301] : memref<2x32x1664xf32, #tpu.memory_space<vmem>>[vector<16xi32>, vector<16xi32>, vector<16xi32>], vector<16xf32>,
          %mul3A_307 = arith.constant 32 : i32
          %mul3A_308 = arith.muli %add3A_300, %mul3A_307 : i32
          %swap3A = arith.index_cast %mul3A_308 : i32 to index
          %swap3A_309 = tpu.vector_load %arg12[%swap3A] {strides = array<i32>} : memref<4096xf32, #tpu.memory_space<vmem>>, vector<16xf32>,
          tpu.vector_store %arg12[%swap3A], %gather3A {strides = array<i32>} : memref<4096xf32, #tpu.memory_space<vmem>>, vector<16xf32>,
          %mul3A_310 = arith.constant 32 : i32
          %mul3A_311 = arith.muli %add3A_300, %mul3A_310 : i32
          %add3A_312 = arith.constant 16 : i32
          %add3A_313 = arith.addi %mul3A_311, %add3A_312 : i32
          %swap3A_314 = arith.index_cast %add3A_313 : i32 to index
          %swap3A_315 = tpu.vector_load %arg12[%swap3A_314] {strides = array<i32>} : memref<4096xf32, #tpu.memory_space<vmem>>, vector<16xf32>,
          tpu.vector_store %arg12[%swap3A_314], %gather3A_306 {strides = array<i32>} : memref<4096xf32, #tpu.memory_space<vmem>>, vector<16xf32>,
          %slice3A_316 = vector.extract_strided_slice %get3A_167 {offsets = [4], sizes = [1], strides = [1]} : vector<16xi32> to vector<1xi32>
          %squeeze3A_317 = vector.extract %slice3A_316[0] : i32 from vector<1xi32>
          %mul3A_318 = arith.constant 32 : i32
          %mul3A_319 = arith.muli %add3A_300, %mul3A_318 : i32
          %mul3A_320 = arith.constant 32 : i32
          %mul3A_321 = arith.muli %squeeze3A_317, %mul3A_320 : i32
          %dma_start3A = tpu.memref_slice %arg12[%mul3A_319] : memref<4096xf32, #tpu.memory_space<vmem>> -> memref<32xf32, #tpu.memory_space<vmem>>
          %dma_start3A_322 = tpu.memref_slice %arg4[%mul3A_321] : memref<524288xf32, #tpu.memory_space<hbm>> -> memref<32xf32, #tpu.memory_space<hbm>>
          %dma_start3A_323 = tpu.memref_slice %arg4[%mul3A_321] : memref<524288xf32, #tpu.memory_space<hbm>> -> memref<32xf32, #tpu.memory_space<hbm>>
          %dma_start3A_324 = tpu.memref_slice %arg12[%mul3A_319] : memref<4096xf32, #tpu.memory_space<vmem>> -> memref<32xf32, #tpu.memory_space<vmem>>
          tpu.enqueue_dma source(%dma_start3A_324 : memref<32xf32, #tpu.memory_space<vmem>>) target(%dma_start3A_323 : memref<32xf32, #tpu.memory_space<hbm>>) target_semaphore(%arg13 : memref<!tpu.dma_semaphore, #tpu.memory_space<semaphore_mem>>)
        } else {
        }
        %mul3A_209 = arith.constant 16 : i32
        %mul3A_210 = arith.muli %while3A_160, %mul3A_209 : i32
        %add3A_211 = arith.constant 5 : i32
        %add3A_212 = arith.addi %mul3A_210, %add3A_211 : i32
        %lt3A_213 = arith.cmpi slt, %add3A_212, %min3A_113 : i32
        %convert_element_type3A_214 = arith.extui %lt3A_213 : i1 to i32
        %cond3A_215 = arith.constant 0 : i32
        %cond3A_216 = arith.cmpi ne, %convert_element_type3A_214, %cond3A_215 : i32
        scf.if %cond3A_216 {
          %mul3A_297 = arith.constant 16 : i32
          %mul3A_298 = arith.muli %while3A_160, %mul3A_297 : i32
          %add3A_299 = arith.constant 5 : i32
          %add3A_300 = arith.addi %mul3A_298, %add3A_299 : i32
          %slice3A = vector.extract_strided_slice %sub3A_168 {offsets = [5], sizes = [1], strides = [1]} : vector<16xi32> to vector<1xi32>
          %squeeze3A = vector.extract %slice3A[0] : i32 from vector<1xi32>
          %broadcast_in_dim3A_301 = vector.broadcast %squeeze3A : i32 to vector<16xi32>
          %broadcast_in_dim3A_302 = vector.broadcast %rem3A_44 : i32 to vector<16xi32>
          %gather3A = tpu.vector_load_idx %arg11[%broadcast_in_dim3A_302, %iota3A, %broadcast_in_dim3A_301] : memref<2x32x1664xf32, #tpu.memory_space<vmem>>[vector<16xi32>, vector<16xi32>, vector<16xi32>], vector<16xf32>,
          %add3A_303 = arith.constant 16 : i32
          %add3A_304 = vector.broadcast %add3A_303 : i32 to vector<16xi32>
          %add3A_305 = arith.addi %iota3A, %add3A_304 : vector<16xi32>
          %gather3A_306 = tpu.vector_load_idx %arg11[%broadcast_in_dim3A_302, %add3A_305, %broadcast_in_dim3A_301] : memref<2x32x1664xf32, #tpu.memory_space<vmem>>[vector<16xi32>, vector<16xi32>, vector<16xi32>], vector<16xf32>,
          %mul3A_307 = arith.constant 32 : i32
          %mul3A_308 = arith.muli %add3A_300, %mul3A_307 : i32
          %swap3A = arith.index_cast %mul3A_308 : i32 to index
          %swap3A_309 = tpu.vector_load %arg12[%swap3A] {strides = array<i32>} : memref<4096xf32, #tpu.memory_space<vmem>>, vector<16xf32>,
          tpu.vector_store %arg12[%swap3A], %gather3A {strides = array<i32>} : memref<4096xf32, #tpu.memory_space<vmem>>, vector<16xf32>,
          %mul3A_310 = arith.constant 32 : i32
          %mul3A_311 = arith.muli %add3A_300, %mul3A_310 : i32
          %add3A_312 = arith.constant 16 : i32
          %add3A_313 = arith.addi %mul3A_311, %add3A_312 : i32
          %swap3A_314 = arith.index_cast %add3A_313 : i32 to index
          %swap3A_315 = tpu.vector_load %arg12[%swap3A_314] {strides = array<i32>} : memref<4096xf32, #tpu.memory_space<vmem>>, vector<16xf32>,
          tpu.vector_store %arg12[%swap3A_314], %gather3A_306 {strides = array<i32>} : memref<4096xf32, #tpu.memory_space<vmem>>, vector<16xf32>,
          %slice3A_316 = vector.extract_strided_slice %get3A_167 {offsets = [5], sizes = [1], strides = [1]} : vector<16xi32> to vector<1xi32>
          %squeeze3A_317 = vector.extract %slice3A_316[0] : i32 from vector<1xi32>
          %mul3A_318 = arith.constant 32 : i32
          %mul3A_319 = arith.muli %add3A_300, %mul3A_318 : i32
          %mul3A_320 = arith.constant 32 : i32
          %mul3A_321 = arith.muli %squeeze3A_317, %mul3A_320 : i32
          %dma_start3A = tpu.memref_slice %arg12[%mul3A_319] : memref<4096xf32, #tpu.memory_space<vmem>> -> memref<32xf32, #tpu.memory_space<vmem>>
          %dma_start3A_322 = tpu.memref_slice %arg4[%mul3A_321] : memref<524288xf32, #tpu.memory_space<hbm>> -> memref<32xf32, #tpu.memory_space<hbm>>
          %dma_start3A_323 = tpu.memref_slice %arg4[%mul3A_321] : memref<524288xf32, #tpu.memory_space<hbm>> -> memref<32xf32, #tpu.memory_space<hbm>>
          %dma_start3A_324 = tpu.memref_slice %arg12[%mul3A_319] : memref<4096xf32, #tpu.memory_space<vmem>> -> memref<32xf32, #tpu.memory_space<vmem>>
          tpu.enqueue_dma source(%dma_start3A_324 : memref<32xf32, #tpu.memory_space<vmem>>) target(%dma_start3A_323 : memref<32xf32, #tpu.memory_space<hbm>>) target_semaphore(%arg13 : memref<!tpu.dma_semaphore, #tpu.memory_space<semaphore_mem>>)
        } else {
        }
        %mul3A_217 = arith.constant 16 : i32
        %mul3A_218 = arith.muli %while3A_160, %mul3A_217 : i32
        %add3A_219 = arith.constant 6 : i32
        %add3A_220 = arith.addi %mul3A_218, %add3A_219 : i32
        %lt3A_221 = arith.cmpi slt, %add3A_220, %min3A_113 : i32
        %convert_element_type3A_222 = arith.extui %lt3A_221 : i1 to i32
        %cond3A_223 = arith.constant 0 : i32
        %cond3A_224 = arith.cmpi ne, %convert_element_type3A_222, %cond3A_223 : i32
        scf.if %cond3A_224 {
          %mul3A_297 = arith.constant 16 : i32
          %mul3A_298 = arith.muli %while3A_160, %mul3A_297 : i32
          %add3A_299 = arith.constant 6 : i32
          %add3A_300 = arith.addi %mul3A_298, %add3A_299 : i32
          %slice3A = vector.extract_strided_slice %sub3A_168 {offsets = [6], sizes = [1], strides = [1]} : vector<16xi32> to vector<1xi32>
          %squeeze3A = vector.extract %slice3A[0] : i32 from vector<1xi32>
          %broadcast_in_dim3A_301 = vector.broadcast %squeeze3A : i32 to vector<16xi32>
          %broadcast_in_dim3A_302 = vector.broadcast %rem3A_44 : i32 to vector<16xi32>
          %gather3A = tpu.vector_load_idx %arg11[%broadcast_in_dim3A_302, %iota3A, %broadcast_in_dim3A_301] : memref<2x32x1664xf32, #tpu.memory_space<vmem>>[vector<16xi32>, vector<16xi32>, vector<16xi32>], vector<16xf32>,
          %add3A_303 = arith.constant 16 : i32
          %add3A_304 = vector.broadcast %add3A_303 : i32 to vector<16xi32>
          %add3A_305 = arith.addi %iota3A, %add3A_304 : vector<16xi32>
          %gather3A_306 = tpu.vector_load_idx %arg11[%broadcast_in_dim3A_302, %add3A_305, %broadcast_in_dim3A_301] : memref<2x32x1664xf32, #tpu.memory_space<vmem>>[vector<16xi32>, vector<16xi32>, vector<16xi32>], vector<16xf32>,
          %mul3A_307 = arith.constant 32 : i32
          %mul3A_308 = arith.muli %add3A_300, %mul3A_307 : i32
          %swap3A = arith.index_cast %mul3A_308 : i32 to index
          %swap3A_309 = tpu.vector_load %arg12[%swap3A] {strides = array<i32>} : memref<4096xf32, #tpu.memory_space<vmem>>, vector<16xf32>,
          tpu.vector_store %arg12[%swap3A], %gather3A {strides = array<i32>} : memref<4096xf32, #tpu.memory_space<vmem>>, vector<16xf32>,
          %mul3A_310 = arith.constant 32 : i32
          %mul3A_311 = arith.muli %add3A_300, %mul3A_310 : i32
          %add3A_312 = arith.constant 16 : i32
          %add3A_313 = arith.addi %mul3A_311, %add3A_312 : i32
          %swap3A_314 = arith.index_cast %add3A_313 : i32 to index
          %swap3A_315 = tpu.vector_load %arg12[%swap3A_314] {strides = array<i32>} : memref<4096xf32, #tpu.memory_space<vmem>>, vector<16xf32>,
          tpu.vector_store %arg12[%swap3A_314], %gather3A_306 {strides = array<i32>} : memref<4096xf32, #tpu.memory_space<vmem>>, vector<16xf32>,
          %slice3A_316 = vector.extract_strided_slice %get3A_167 {offsets = [6], sizes = [1], strides = [1]} : vector<16xi32> to vector<1xi32>
          %squeeze3A_317 = vector.extract %slice3A_316[0] : i32 from vector<1xi32>
          %mul3A_318 = arith.constant 32 : i32
          %mul3A_319 = arith.muli %add3A_300, %mul3A_318 : i32
          %mul3A_320 = arith.constant 32 : i32
          %mul3A_321 = arith.muli %squeeze3A_317, %mul3A_320 : i32
          %dma_start3A = tpu.memref_slice %arg12[%mul3A_319] : memref<4096xf32, #tpu.memory_space<vmem>> -> memref<32xf32, #tpu.memory_space<vmem>>
          %dma_start3A_322 = tpu.memref_slice %arg4[%mul3A_321] : memref<524288xf32, #tpu.memory_space<hbm>> -> memref<32xf32, #tpu.memory_space<hbm>>
          %dma_start3A_323 = tpu.memref_slice %arg4[%mul3A_321] : memref<524288xf32, #tpu.memory_space<hbm>> -> memref<32xf32, #tpu.memory_space<hbm>>
          %dma_start3A_324 = tpu.memref_slice %arg12[%mul3A_319] : memref<4096xf32, #tpu.memory_space<vmem>> -> memref<32xf32, #tpu.memory_space<vmem>>
          tpu.enqueue_dma source(%dma_start3A_324 : memref<32xf32, #tpu.memory_space<vmem>>) target(%dma_start3A_323 : memref<32xf32, #tpu.memory_space<hbm>>) target_semaphore(%arg13 : memref<!tpu.dma_semaphore, #tpu.memory_space<semaphore_mem>>)
        } else {
        }
        %mul3A_225 = arith.constant 16 : i32
        %mul3A_226 = arith.muli %while3A_160, %mul3A_225 : i32
        %add3A_227 = arith.constant 7 : i32
        %add3A_228 = arith.addi %mul3A_226, %add3A_227 : i32
        %lt3A_229 = arith.cmpi slt, %add3A_228, %min3A_113 : i32
        %convert_element_type3A_230 = arith.extui %lt3A_229 : i1 to i32
        %cond3A_231 = arith.constant 0 : i32
        %cond3A_232 = arith.cmpi ne, %convert_element_type3A_230, %cond3A_231 : i32
        scf.if %cond3A_232 {
          %mul3A_297 = arith.constant 16 : i32
          %mul3A_298 = arith.muli %while3A_160, %mul3A_297 : i32
          %add3A_299 = arith.constant 7 : i32
          %add3A_300 = arith.addi %mul3A_298, %add3A_299 : i32
          %slice3A = vector.extract_strided_slice %sub3A_168 {offsets = [7], sizes = [1], strides = [1]} : vector<16xi32> to vector<1xi32>
          %squeeze3A = vector.extract %slice3A[0] : i32 from vector<1xi32>
          %broadcast_in_dim3A_301 = vector.broadcast %squeeze3A : i32 to vector<16xi32>
          %broadcast_in_dim3A_302 = vector.broadcast %rem3A_44 : i32 to vector<16xi32>
          %gather3A = tpu.vector_load_idx %arg11[%broadcast_in_dim3A_302, %iota3A, %broadcast_in_dim3A_301] : memref<2x32x1664xf32, #tpu.memory_space<vmem>>[vector<16xi32>, vector<16xi32>, vector<16xi32>], vector<16xf32>,
          %add3A_303 = arith.constant 16 : i32
          %add3A_304 = vector.broadcast %add3A_303 : i32 to vector<16xi32>
          %add3A_305 = arith.addi %iota3A, %add3A_304 : vector<16xi32>
          %gather3A_306 = tpu.vector_load_idx %arg11[%broadcast_in_dim3A_302, %add3A_305, %broadcast_in_dim3A_301] : memref<2x32x1664xf32, #tpu.memory_space<vmem>>[vector<16xi32>, vector<16xi32>, vector<16xi32>], vector<16xf32>,
          %mul3A_307 = arith.constant 32 : i32
          %mul3A_308 = arith.muli %add3A_300, %mul3A_307 : i32
          %swap3A = arith.index_cast %mul3A_308 : i32 to index
          %swap3A_309 = tpu.vector_load %arg12[%swap3A] {strides = array<i32>} : memref<4096xf32, #tpu.memory_space<vmem>>, vector<16xf32>,
          tpu.vector_store %arg12[%swap3A], %gather3A {strides = array<i32>} : memref<4096xf32, #tpu.memory_space<vmem>>, vector<16xf32>,
          %mul3A_310 = arith.constant 32 : i32
          %mul3A_311 = arith.muli %add3A_300, %mul3A_310 : i32
          %add3A_312 = arith.constant 16 : i32
          %add3A_313 = arith.addi %mul3A_311, %add3A_312 : i32
          %swap3A_314 = arith.index_cast %add3A_313 : i32 to index
          %swap3A_315 = tpu.vector_load %arg12[%swap3A_314] {strides = array<i32>} : memref<4096xf32, #tpu.memory_space<vmem>>, vector<16xf32>,
          tpu.vector_store %arg12[%swap3A_314], %gather3A_306 {strides = array<i32>} : memref<4096xf32, #tpu.memory_space<vmem>>, vector<16xf32>,
          %slice3A_316 = vector.extract_strided_slice %get3A_167 {offsets = [7], sizes = [1], strides = [1]} : vector<16xi32> to vector<1xi32>
          %squeeze3A_317 = vector.extract %slice3A_316[0] : i32 from vector<1xi32>
          %mul3A_318 = arith.constant 32 : i32
          %mul3A_319 = arith.muli %add3A_300, %mul3A_318 : i32
          %mul3A_320 = arith.constant 32 : i32
          %mul3A_321 = arith.muli %squeeze3A_317, %mul3A_320 : i32
          %dma_start3A = tpu.memref_slice %arg12[%mul3A_319] : memref<4096xf32, #tpu.memory_space<vmem>> -> memref<32xf32, #tpu.memory_space<vmem>>
          %dma_start3A_322 = tpu.memref_slice %arg4[%mul3A_321] : memref<524288xf32, #tpu.memory_space<hbm>> -> memref<32xf32, #tpu.memory_space<hbm>>
          %dma_start3A_323 = tpu.memref_slice %arg4[%mul3A_321] : memref<524288xf32, #tpu.memory_space<hbm>> -> memref<32xf32, #tpu.memory_space<hbm>>
          %dma_start3A_324 = tpu.memref_slice %arg12[%mul3A_319] : memref<4096xf32, #tpu.memory_space<vmem>> -> memref<32xf32, #tpu.memory_space<vmem>>
          tpu.enqueue_dma source(%dma_start3A_324 : memref<32xf32, #tpu.memory_space<vmem>>) target(%dma_start3A_323 : memref<32xf32, #tpu.memory_space<hbm>>) target_semaphore(%arg13 : memref<!tpu.dma_semaphore, #tpu.memory_space<semaphore_mem>>)
        } else {
        }
        %mul3A_233 = arith.constant 16 : i32
        %mul3A_234 = arith.muli %while3A_160, %mul3A_233 : i32
        %add3A_235 = arith.constant 8 : i32
        %add3A_236 = arith.addi %mul3A_234, %add3A_235 : i32
        %lt3A_237 = arith.cmpi slt, %add3A_236, %min3A_113 : i32
        %convert_element_type3A_238 = arith.extui %lt3A_237 : i1 to i32
        %cond3A_239 = arith.constant 0 : i32
        %cond3A_240 = arith.cmpi ne, %convert_element_type3A_238, %cond3A_239 : i32
        scf.if %cond3A_240 {
          %mul3A_297 = arith.constant 16 : i32
          %mul3A_298 = arith.muli %while3A_160, %mul3A_297 : i32
          %add3A_299 = arith.constant 8 : i32
          %add3A_300 = arith.addi %mul3A_298, %add3A_299 : i32
          %slice3A = vector.extract_strided_slice %sub3A_168 {offsets = [8], sizes = [1], strides = [1]} : vector<16xi32> to vector<1xi32>
          %squeeze3A = vector.extract %slice3A[0] : i32 from vector<1xi32>
          %broadcast_in_dim3A_301 = vector.broadcast %squeeze3A : i32 to vector<16xi32>
          %broadcast_in_dim3A_302 = vector.broadcast %rem3A_44 : i32 to vector<16xi32>
          %gather3A = tpu.vector_load_idx %arg11[%broadcast_in_dim3A_302, %iota3A, %broadcast_in_dim3A_301] : memref<2x32x1664xf32, #tpu.memory_space<vmem>>[vector<16xi32>, vector<16xi32>, vector<16xi32>], vector<16xf32>,
          %add3A_303 = arith.constant 16 : i32
          %add3A_304 = vector.broadcast %add3A_303 : i32 to vector<16xi32>
          %add3A_305 = arith.addi %iota3A, %add3A_304 : vector<16xi32>
          %gather3A_306 = tpu.vector_load_idx %arg11[%broadcast_in_dim3A_302, %add3A_305, %broadcast_in_dim3A_301] : memref<2x32x1664xf32, #tpu.memory_space<vmem>>[vector<16xi32>, vector<16xi32>, vector<16xi32>], vector<16xf32>,
          %mul3A_307 = arith.constant 32 : i32
          %mul3A_308 = arith.muli %add3A_300, %mul3A_307 : i32
          %swap3A = arith.index_cast %mul3A_308 : i32 to index
          %swap3A_309 = tpu.vector_load %arg12[%swap3A] {strides = array<i32>} : memref<4096xf32, #tpu.memory_space<vmem>>, vector<16xf32>,
          tpu.vector_store %arg12[%swap3A], %gather3A {strides = array<i32>} : memref<4096xf32, #tpu.memory_space<vmem>>, vector<16xf32>,
          %mul3A_310 = arith.constant 32 : i32
          %mul3A_311 = arith.muli %add3A_300, %mul3A_310 : i32
          %add3A_312 = arith.constant 16 : i32
          %add3A_313 = arith.addi %mul3A_311, %add3A_312 : i32
          %swap3A_314 = arith.index_cast %add3A_313 : i32 to index
          %swap3A_315 = tpu.vector_load %arg12[%swap3A_314] {strides = array<i32>} : memref<4096xf32, #tpu.memory_space<vmem>>, vector<16xf32>,
          tpu.vector_store %arg12[%swap3A_314], %gather3A_306 {strides = array<i32>} : memref<4096xf32, #tpu.memory_space<vmem>>, vector<16xf32>,
          %slice3A_316 = vector.extract_strided_slice %get3A_167 {offsets = [8], sizes = [1], strides = [1]} : vector<16xi32> to vector<1xi32>
          %squeeze3A_317 = vector.extract %slice3A_316[0] : i32 from vector<1xi32>
          %mul3A_318 = arith.constant 32 : i32
          %mul3A_319 = arith.muli %add3A_300, %mul3A_318 : i32
          %mul3A_320 = arith.constant 32 : i32
          %mul3A_321 = arith.muli %squeeze3A_317, %mul3A_320 : i32
          %dma_start3A = tpu.memref_slice %arg12[%mul3A_319] : memref<4096xf32, #tpu.memory_space<vmem>> -> memref<32xf32, #tpu.memory_space<vmem>>
          %dma_start3A_322 = tpu.memref_slice %arg4[%mul3A_321] : memref<524288xf32, #tpu.memory_space<hbm>> -> memref<32xf32, #tpu.memory_space<hbm>>
          %dma_start3A_323 = tpu.memref_slice %arg4[%mul3A_321] : memref<524288xf32, #tpu.memory_space<hbm>> -> memref<32xf32, #tpu.memory_space<hbm>>
          %dma_start3A_324 = tpu.memref_slice %arg12[%mul3A_319] : memref<4096xf32, #tpu.memory_space<vmem>> -> memref<32xf32, #tpu.memory_space<vmem>>
          tpu.enqueue_dma source(%dma_start3A_324 : memref<32xf32, #tpu.memory_space<vmem>>) target(%dma_start3A_323 : memref<32xf32, #tpu.memory_space<hbm>>) target_semaphore(%arg13 : memref<!tpu.dma_semaphore, #tpu.memory_space<semaphore_mem>>)
        } else {
        }
        %mul3A_241 = arith.constant 16 : i32
        %mul3A_242 = arith.muli %while3A_160, %mul3A_241 : i32
        %add3A_243 = arith.constant 9 : i32
        %add3A_244 = arith.addi %mul3A_242, %add3A_243 : i32
        %lt3A_245 = arith.cmpi slt, %add3A_244, %min3A_113 : i32
        %convert_element_type3A_246 = arith.extui %lt3A_245 : i1 to i32
        %cond3A_247 = arith.constant 0 : i32
        %cond3A_248 = arith.cmpi ne, %convert_element_type3A_246, %cond3A_247 : i32
        scf.if %cond3A_248 {
          %mul3A_297 = arith.constant 16 : i32
          %mul3A_298 = arith.muli %while3A_160, %mul3A_297 : i32
          %add3A_299 = arith.constant 9 : i32
          %add3A_300 = arith.addi %mul3A_298, %add3A_299 : i32
          %slice3A = vector.extract_strided_slice %sub3A_168 {offsets = [9], sizes = [1], strides = [1]} : vector<16xi32> to vector<1xi32>
          %squeeze3A = vector.extract %slice3A[0] : i32 from vector<1xi32>
          %broadcast_in_dim3A_301 = vector.broadcast %squeeze3A : i32 to vector<16xi32>
          %broadcast_in_dim3A_302 = vector.broadcast %rem3A_44 : i32 to vector<16xi32>
          %gather3A = tpu.vector_load_idx %arg11[%broadcast_in_dim3A_302, %iota3A, %broadcast_in_dim3A_301] : memref<2x32x1664xf32, #tpu.memory_space<vmem>>[vector<16xi32>, vector<16xi32>, vector<16xi32>], vector<16xf32>,
          %add3A_303 = arith.constant 16 : i32
          %add3A_304 = vector.broadcast %add3A_303 : i32 to vector<16xi32>
          %add3A_305 = arith.addi %iota3A, %add3A_304 : vector<16xi32>
          %gather3A_306 = tpu.vector_load_idx %arg11[%broadcast_in_dim3A_302, %add3A_305, %broadcast_in_dim3A_301] : memref<2x32x1664xf32, #tpu.memory_space<vmem>>[vector<16xi32>, vector<16xi32>, vector<16xi32>], vector<16xf32>,
          %mul3A_307 = arith.constant 32 : i32
          %mul3A_308 = arith.muli %add3A_300, %mul3A_307 : i32
          %swap3A = arith.index_cast %mul3A_308 : i32 to index
          %swap3A_309 = tpu.vector_load %arg12[%swap3A] {strides = array<i32>} : memref<4096xf32, #tpu.memory_space<vmem>>, vector<16xf32>,
          tpu.vector_store %arg12[%swap3A], %gather3A {strides = array<i32>} : memref<4096xf32, #tpu.memory_space<vmem>>, vector<16xf32>,
          %mul3A_310 = arith.constant 32 : i32
          %mul3A_311 = arith.muli %add3A_300, %mul3A_310 : i32
          %add3A_312 = arith.constant 16 : i32
          %add3A_313 = arith.addi %mul3A_311, %add3A_312 : i32
          %swap3A_314 = arith.index_cast %add3A_313 : i32 to index
          %swap3A_315 = tpu.vector_load %arg12[%swap3A_314] {strides = array<i32>} : memref<4096xf32, #tpu.memory_space<vmem>>, vector<16xf32>,
          tpu.vector_store %arg12[%swap3A_314], %gather3A_306 {strides = array<i32>} : memref<4096xf32, #tpu.memory_space<vmem>>, vector<16xf32>,
          %slice3A_316 = vector.extract_strided_slice %get3A_167 {offsets = [9], sizes = [1], strides = [1]} : vector<16xi32> to vector<1xi32>
          %squeeze3A_317 = vector.extract %slice3A_316[0] : i32 from vector<1xi32>
          %mul3A_318 = arith.constant 32 : i32
          %mul3A_319 = arith.muli %add3A_300, %mul3A_318 : i32
          %mul3A_320 = arith.constant 32 : i32
          %mul3A_321 = arith.muli %squeeze3A_317, %mul3A_320 : i32
          %dma_start3A = tpu.memref_slice %arg12[%mul3A_319] : memref<4096xf32, #tpu.memory_space<vmem>> -> memref<32xf32, #tpu.memory_space<vmem>>
          %dma_start3A_322 = tpu.memref_slice %arg4[%mul3A_321] : memref<524288xf32, #tpu.memory_space<hbm>> -> memref<32xf32, #tpu.memory_space<hbm>>
          %dma_start3A_323 = tpu.memref_slice %arg4[%mul3A_321] : memref<524288xf32, #tpu.memory_space<hbm>> -> memref<32xf32, #tpu.memory_space<hbm>>
          %dma_start3A_324 = tpu.memref_slice %arg12[%mul3A_319] : memref<4096xf32, #tpu.memory_space<vmem>> -> memref<32xf32, #tpu.memory_space<vmem>>
          tpu.enqueue_dma source(%dma_start3A_324 : memref<32xf32, #tpu.memory_space<vmem>>) target(%dma_start3A_323 : memref<32xf32, #tpu.memory_space<hbm>>) target_semaphore(%arg13 : memref<!tpu.dma_semaphore, #tpu.memory_space<semaphore_mem>>)
        } else {
        }
        %mul3A_249 = arith.constant 16 : i32
        %mul3A_250 = arith.muli %while3A_160, %mul3A_249 : i32
        %add3A_251 = arith.constant 10 : i32
        %add3A_252 = arith.addi %mul3A_250, %add3A_251 : i32
        %lt3A_253 = arith.cmpi slt, %add3A_252, %min3A_113 : i32
        %convert_element_type3A_254 = arith.extui %lt3A_253 : i1 to i32
        %cond3A_255 = arith.constant 0 : i32
        %cond3A_256 = arith.cmpi ne, %convert_element_type3A_254, %cond3A_255 : i32
        scf.if %cond3A_256 {
          %mul3A_297 = arith.constant 16 : i32
          %mul3A_298 = arith.muli %while3A_160, %mul3A_297 : i32
          %add3A_299 = arith.constant 10 : i32
          %add3A_300 = arith.addi %mul3A_298, %add3A_299 : i32
          %slice3A = vector.extract_strided_slice %sub3A_168 {offsets = [10], sizes = [1], strides = [1]} : vector<16xi32> to vector<1xi32>
          %squeeze3A = vector.extract %slice3A[0] : i32 from vector<1xi32>
          %broadcast_in_dim3A_301 = vector.broadcast %squeeze3A : i32 to vector<16xi32>
          %broadcast_in_dim3A_302 = vector.broadcast %rem3A_44 : i32 to vector<16xi32>
          %gather3A = tpu.vector_load_idx %arg11[%broadcast_in_dim3A_302, %iota3A, %broadcast_in_dim3A_301] : memref<2x32x1664xf32, #tpu.memory_space<vmem>>[vector<16xi32>, vector<16xi32>, vector<16xi32>], vector<16xf32>,
          %add3A_303 = arith.constant 16 : i32
          %add3A_304 = vector.broadcast %add3A_303 : i32 to vector<16xi32>
          %add3A_305 = arith.addi %iota3A, %add3A_304 : vector<16xi32>
          %gather3A_306 = tpu.vector_load_idx %arg11[%broadcast_in_dim3A_302, %add3A_305, %broadcast_in_dim3A_301] : memref<2x32x1664xf32, #tpu.memory_space<vmem>>[vector<16xi32>, vector<16xi32>, vector<16xi32>], vector<16xf32>,
          %mul3A_307 = arith.constant 32 : i32
          %mul3A_308 = arith.muli %add3A_300, %mul3A_307 : i32
          %swap3A = arith.index_cast %mul3A_308 : i32 to index
          %swap3A_309 = tpu.vector_load %arg12[%swap3A] {strides = array<i32>} : memref<4096xf32, #tpu.memory_space<vmem>>, vector<16xf32>,
          tpu.vector_store %arg12[%swap3A], %gather3A {strides = array<i32>} : memref<4096xf32, #tpu.memory_space<vmem>>, vector<16xf32>,
          %mul3A_310 = arith.constant 32 : i32
          %mul3A_311 = arith.muli %add3A_300, %mul3A_310 : i32
          %add3A_312 = arith.constant 16 : i32
          %add3A_313 = arith.addi %mul3A_311, %add3A_312 : i32
          %swap3A_314 = arith.index_cast %add3A_313 : i32 to index
          %swap3A_315 = tpu.vector_load %arg12[%swap3A_314] {strides = array<i32>} : memref<4096xf32, #tpu.memory_space<vmem>>, vector<16xf32>,
          tpu.vector_store %arg12[%swap3A_314], %gather3A_306 {strides = array<i32>} : memref<4096xf32, #tpu.memory_space<vmem>>, vector<16xf32>,
          %slice3A_316 = vector.extract_strided_slice %get3A_167 {offsets = [10], sizes = [1], strides = [1]} : vector<16xi32> to vector<1xi32>
          %squeeze3A_317 = vector.extract %slice3A_316[0] : i32 from vector<1xi32>
          %mul3A_318 = arith.constant 32 : i32
          %mul3A_319 = arith.muli %add3A_300, %mul3A_318 : i32
          %mul3A_320 = arith.constant 32 : i32
          %mul3A_321 = arith.muli %squeeze3A_317, %mul3A_320 : i32
          %dma_start3A = tpu.memref_slice %arg12[%mul3A_319] : memref<4096xf32, #tpu.memory_space<vmem>> -> memref<32xf32, #tpu.memory_space<vmem>>
          %dma_start3A_322 = tpu.memref_slice %arg4[%mul3A_321] : memref<524288xf32, #tpu.memory_space<hbm>> -> memref<32xf32, #tpu.memory_space<hbm>>
          %dma_start3A_323 = tpu.memref_slice %arg4[%mul3A_321] : memref<524288xf32, #tpu.memory_space<hbm>> -> memref<32xf32, #tpu.memory_space<hbm>>
          %dma_start3A_324 = tpu.memref_slice %arg12[%mul3A_319] : memref<4096xf32, #tpu.memory_space<vmem>> -> memref<32xf32, #tpu.memory_space<vmem>>
          tpu.enqueue_dma source(%dma_start3A_324 : memref<32xf32, #tpu.memory_space<vmem>>) target(%dma_start3A_323 : memref<32xf32, #tpu.memory_space<hbm>>) target_semaphore(%arg13 : memref<!tpu.dma_semaphore, #tpu.memory_space<semaphore_mem>>)
        } else {
        }
        %mul3A_257 = arith.constant 16 : i32
        %mul3A_258 = arith.muli %while3A_160, %mul3A_257 : i32
        %add3A_259 = arith.constant 11 : i32
        %add3A_260 = arith.addi %mul3A_258, %add3A_259 : i32
        %lt3A_261 = arith.cmpi slt, %add3A_260, %min3A_113 : i32
        %convert_element_type3A_262 = arith.extui %lt3A_261 : i1 to i32
        %cond3A_263 = arith.constant 0 : i32
        %cond3A_264 = arith.cmpi ne, %convert_element_type3A_262, %cond3A_263 : i32
        scf.if %cond3A_264 {
          %mul3A_297 = arith.constant 16 : i32
          %mul3A_298 = arith.muli %while3A_160, %mul3A_297 : i32
          %add3A_299 = arith.constant 11 : i32
          %add3A_300 = arith.addi %mul3A_298, %add3A_299 : i32
          %slice3A = vector.extract_strided_slice %sub3A_168 {offsets = [11], sizes = [1], strides = [1]} : vector<16xi32> to vector<1xi32>
          %squeeze3A = vector.extract %slice3A[0] : i32 from vector<1xi32>
          %broadcast_in_dim3A_301 = vector.broadcast %squeeze3A : i32 to vector<16xi32>
          %broadcast_in_dim3A_302 = vector.broadcast %rem3A_44 : i32 to vector<16xi32>
          %gather3A = tpu.vector_load_idx %arg11[%broadcast_in_dim3A_302, %iota3A, %broadcast_in_dim3A_301] : memref<2x32x1664xf32, #tpu.memory_space<vmem>>[vector<16xi32>, vector<16xi32>, vector<16xi32>], vector<16xf32>,
          %add3A_303 = arith.constant 16 : i32
          %add3A_304 = vector.broadcast %add3A_303 : i32 to vector<16xi32>
          %add3A_305 = arith.addi %iota3A, %add3A_304 : vector<16xi32>
          %gather3A_306 = tpu.vector_load_idx %arg11[%broadcast_in_dim3A_302, %add3A_305, %broadcast_in_dim3A_301] : memref<2x32x1664xf32, #tpu.memory_space<vmem>>[vector<16xi32>, vector<16xi32>, vector<16xi32>], vector<16xf32>,
          %mul3A_307 = arith.constant 32 : i32
          %mul3A_308 = arith.muli %add3A_300, %mul3A_307 : i32
          %swap3A = arith.index_cast %mul3A_308 : i32 to index
          %swap3A_309 = tpu.vector_load %arg12[%swap3A] {strides = array<i32>} : memref<4096xf32, #tpu.memory_space<vmem>>, vector<16xf32>,
          tpu.vector_store %arg12[%swap3A], %gather3A {strides = array<i32>} : memref<4096xf32, #tpu.memory_space<vmem>>, vector<16xf32>,
          %mul3A_310 = arith.constant 32 : i32
          %mul3A_311 = arith.muli %add3A_300, %mul3A_310 : i32
          %add3A_312 = arith.constant 16 : i32
          %add3A_313 = arith.addi %mul3A_311, %add3A_312 : i32
          %swap3A_314 = arith.index_cast %add3A_313 : i32 to index
          %swap3A_315 = tpu.vector_load %arg12[%swap3A_314] {strides = array<i32>} : memref<4096xf32, #tpu.memory_space<vmem>>, vector<16xf32>,
          tpu.vector_store %arg12[%swap3A_314], %gather3A_306 {strides = array<i32>} : memref<4096xf32, #tpu.memory_space<vmem>>, vector<16xf32>,
          %slice3A_316 = vector.extract_strided_slice %get3A_167 {offsets = [11], sizes = [1], strides = [1]} : vector<16xi32> to vector<1xi32>
          %squeeze3A_317 = vector.extract %slice3A_316[0] : i32 from vector<1xi32>
          %mul3A_318 = arith.constant 32 : i32
          %mul3A_319 = arith.muli %add3A_300, %mul3A_318 : i32
          %mul3A_320 = arith.constant 32 : i32
          %mul3A_321 = arith.muli %squeeze3A_317, %mul3A_320 : i32
          %dma_start3A = tpu.memref_slice %arg12[%mul3A_319] : memref<4096xf32, #tpu.memory_space<vmem>> -> memref<32xf32, #tpu.memory_space<vmem>>
          %dma_start3A_322 = tpu.memref_slice %arg4[%mul3A_321] : memref<524288xf32, #tpu.memory_space<hbm>> -> memref<32xf32, #tpu.memory_space<hbm>>
          %dma_start3A_323 = tpu.memref_slice %arg4[%mul3A_321] : memref<524288xf32, #tpu.memory_space<hbm>> -> memref<32xf32, #tpu.memory_space<hbm>>
          %dma_start3A_324 = tpu.memref_slice %arg12[%mul3A_319] : memref<4096xf32, #tpu.memory_space<vmem>> -> memref<32xf32, #tpu.memory_space<vmem>>
          tpu.enqueue_dma source(%dma_start3A_324 : memref<32xf32, #tpu.memory_space<vmem>>) target(%dma_start3A_323 : memref<32xf32, #tpu.memory_space<hbm>>) target_semaphore(%arg13 : memref<!tpu.dma_semaphore, #tpu.memory_space<semaphore_mem>>)
        } else {
        }
        %mul3A_265 = arith.constant 16 : i32
        %mul3A_266 = arith.muli %while3A_160, %mul3A_265 : i32
        %add3A_267 = arith.constant 12 : i32
        %add3A_268 = arith.addi %mul3A_266, %add3A_267 : i32
        %lt3A_269 = arith.cmpi slt, %add3A_268, %min3A_113 : i32
        %convert_element_type3A_270 = arith.extui %lt3A_269 : i1 to i32
        %cond3A_271 = arith.constant 0 : i32
        %cond3A_272 = arith.cmpi ne, %convert_element_type3A_270, %cond3A_271 : i32
        scf.if %cond3A_272 {
          %mul3A_297 = arith.constant 16 : i32
          %mul3A_298 = arith.muli %while3A_160, %mul3A_297 : i32
          %add3A_299 = arith.constant 12 : i32
          %add3A_300 = arith.addi %mul3A_298, %add3A_299 : i32
          %slice3A = vector.extract_strided_slice %sub3A_168 {offsets = [12], sizes = [1], strides = [1]} : vector<16xi32> to vector<1xi32>
          %squeeze3A = vector.extract %slice3A[0] : i32 from vector<1xi32>
          %broadcast_in_dim3A_301 = vector.broadcast %squeeze3A : i32 to vector<16xi32>
          %broadcast_in_dim3A_302 = vector.broadcast %rem3A_44 : i32 to vector<16xi32>
          %gather3A = tpu.vector_load_idx %arg11[%broadcast_in_dim3A_302, %iota3A, %broadcast_in_dim3A_301] : memref<2x32x1664xf32, #tpu.memory_space<vmem>>[vector<16xi32>, vector<16xi32>, vector<16xi32>], vector<16xf32>,
          %add3A_303 = arith.constant 16 : i32
          %add3A_304 = vector.broadcast %add3A_303 : i32 to vector<16xi32>
          %add3A_305 = arith.addi %iota3A, %add3A_304 : vector<16xi32>
          %gather3A_306 = tpu.vector_load_idx %arg11[%broadcast_in_dim3A_302, %add3A_305, %broadcast_in_dim3A_301] : memref<2x32x1664xf32, #tpu.memory_space<vmem>>[vector<16xi32>, vector<16xi32>, vector<16xi32>], vector<16xf32>,
          %mul3A_307 = arith.constant 32 : i32
          %mul3A_308 = arith.muli %add3A_300, %mul3A_307 : i32
          %swap3A = arith.index_cast %mul3A_308 : i32 to index
          %swap3A_309 = tpu.vector_load %arg12[%swap3A] {strides = array<i32>} : memref<4096xf32, #tpu.memory_space<vmem>>, vector<16xf32>,
          tpu.vector_store %arg12[%swap3A], %gather3A {strides = array<i32>} : memref<4096xf32, #tpu.memory_space<vmem>>, vector<16xf32>,
          %mul3A_310 = arith.constant 32 : i32
          %mul3A_311 = arith.muli %add3A_300, %mul3A_310 : i32
          %add3A_312 = arith.constant 16 : i32
          %add3A_313 = arith.addi %mul3A_311, %add3A_312 : i32
          %swap3A_314 = arith.index_cast %add3A_313 : i32 to index
          %swap3A_315 = tpu.vector_load %arg12[%swap3A_314] {strides = array<i32>} : memref<4096xf32, #tpu.memory_space<vmem>>, vector<16xf32>,
          tpu.vector_store %arg12[%swap3A_314], %gather3A_306 {strides = array<i32>} : memref<4096xf32, #tpu.memory_space<vmem>>, vector<16xf32>,
          %slice3A_316 = vector.extract_strided_slice %get3A_167 {offsets = [12], sizes = [1], strides = [1]} : vector<16xi32> to vector<1xi32>
          %squeeze3A_317 = vector.extract %slice3A_316[0] : i32 from vector<1xi32>
          %mul3A_318 = arith.constant 32 : i32
          %mul3A_319 = arith.muli %add3A_300, %mul3A_318 : i32
          %mul3A_320 = arith.constant 32 : i32
          %mul3A_321 = arith.muli %squeeze3A_317, %mul3A_320 : i32
          %dma_start3A = tpu.memref_slice %arg12[%mul3A_319] : memref<4096xf32, #tpu.memory_space<vmem>> -> memref<32xf32, #tpu.memory_space<vmem>>
          %dma_start3A_322 = tpu.memref_slice %arg4[%mul3A_321] : memref<524288xf32, #tpu.memory_space<hbm>> -> memref<32xf32, #tpu.memory_space<hbm>>
          %dma_start3A_323 = tpu.memref_slice %arg4[%mul3A_321] : memref<524288xf32, #tpu.memory_space<hbm>> -> memref<32xf32, #tpu.memory_space<hbm>>
          %dma_start3A_324 = tpu.memref_slice %arg12[%mul3A_319] : memref<4096xf32, #tpu.memory_space<vmem>> -> memref<32xf32, #tpu.memory_space<vmem>>
          tpu.enqueue_dma source(%dma_start3A_324 : memref<32xf32, #tpu.memory_space<vmem>>) target(%dma_start3A_323 : memref<32xf32, #tpu.memory_space<hbm>>) target_semaphore(%arg13 : memref<!tpu.dma_semaphore, #tpu.memory_space<semaphore_mem>>)
        } else {
        }
        %mul3A_273 = arith.constant 16 : i32
        %mul3A_274 = arith.muli %while3A_160, %mul3A_273 : i32
        %add3A_275 = arith.constant 13 : i32
        %add3A_276 = arith.addi %mul3A_274, %add3A_275 : i32
        %lt3A_277 = arith.cmpi slt, %add3A_276, %min3A_113 : i32
        %convert_element_type3A_278 = arith.extui %lt3A_277 : i1 to i32
        %cond3A_279 = arith.constant 0 : i32
        %cond3A_280 = arith.cmpi ne, %convert_element_type3A_278, %cond3A_279 : i32
        scf.if %cond3A_280 {
          %mul3A_297 = arith.constant 16 : i32
          %mul3A_298 = arith.muli %while3A_160, %mul3A_297 : i32
          %add3A_299 = arith.constant 13 : i32
          %add3A_300 = arith.addi %mul3A_298, %add3A_299 : i32
          %slice3A = vector.extract_strided_slice %sub3A_168 {offsets = [13], sizes = [1], strides = [1]} : vector<16xi32> to vector<1xi32>
          %squeeze3A = vector.extract %slice3A[0] : i32 from vector<1xi32>
          %broadcast_in_dim3A_301 = vector.broadcast %squeeze3A : i32 to vector<16xi32>
          %broadcast_in_dim3A_302 = vector.broadcast %rem3A_44 : i32 to vector<16xi32>
          %gather3A = tpu.vector_load_idx %arg11[%broadcast_in_dim3A_302, %iota3A, %broadcast_in_dim3A_301] : memref<2x32x1664xf32, #tpu.memory_space<vmem>>[vector<16xi32>, vector<16xi32>, vector<16xi32>], vector<16xf32>,
          %add3A_303 = arith.constant 16 : i32
          %add3A_304 = vector.broadcast %add3A_303 : i32 to vector<16xi32>
          %add3A_305 = arith.addi %iota3A, %add3A_304 : vector<16xi32>
          %gather3A_306 = tpu.vector_load_idx %arg11[%broadcast_in_dim3A_302, %add3A_305, %broadcast_in_dim3A_301] : memref<2x32x1664xf32, #tpu.memory_space<vmem>>[vector<16xi32>, vector<16xi32>, vector<16xi32>], vector<16xf32>,
          %mul3A_307 = arith.constant 32 : i32
          %mul3A_308 = arith.muli %add3A_300, %mul3A_307 : i32
          %swap3A = arith.index_cast %mul3A_308 : i32 to index
          %swap3A_309 = tpu.vector_load %arg12[%swap3A] {strides = array<i32>} : memref<4096xf32, #tpu.memory_space<vmem>>, vector<16xf32>,
          tpu.vector_store %arg12[%swap3A], %gather3A {strides = array<i32>} : memref<4096xf32, #tpu.memory_space<vmem>>, vector<16xf32>,
          %mul3A_310 = arith.constant 32 : i32
          %mul3A_311 = arith.muli %add3A_300, %mul3A_310 : i32
          %add3A_312 = arith.constant 16 : i32
          %add3A_313 = arith.addi %mul3A_311, %add3A_312 : i32
          %swap3A_314 = arith.index_cast %add3A_313 : i32 to index
          %swap3A_315 = tpu.vector_load %arg12[%swap3A_314] {strides = array<i32>} : memref<4096xf32, #tpu.memory_space<vmem>>, vector<16xf32>,
          tpu.vector_store %arg12[%swap3A_314], %gather3A_306 {strides = array<i32>} : memref<4096xf32, #tpu.memory_space<vmem>>, vector<16xf32>,
          %slice3A_316 = vector.extract_strided_slice %get3A_167 {offsets = [13], sizes = [1], strides = [1]} : vector<16xi32> to vector<1xi32>
          %squeeze3A_317 = vector.extract %slice3A_316[0] : i32 from vector<1xi32>
          %mul3A_318 = arith.constant 32 : i32
          %mul3A_319 = arith.muli %add3A_300, %mul3A_318 : i32
          %mul3A_320 = arith.constant 32 : i32
          %mul3A_321 = arith.muli %squeeze3A_317, %mul3A_320 : i32
          %dma_start3A = tpu.memref_slice %arg12[%mul3A_319] : memref<4096xf32, #tpu.memory_space<vmem>> -> memref<32xf32, #tpu.memory_space<vmem>>
          %dma_start3A_322 = tpu.memref_slice %arg4[%mul3A_321] : memref<524288xf32, #tpu.memory_space<hbm>> -> memref<32xf32, #tpu.memory_space<hbm>>
          %dma_start3A_323 = tpu.memref_slice %arg4[%mul3A_321] : memref<524288xf32, #tpu.memory_space<hbm>> -> memref<32xf32, #tpu.memory_space<hbm>>
          %dma_start3A_324 = tpu.memref_slice %arg12[%mul3A_319] : memref<4096xf32, #tpu.memory_space<vmem>> -> memref<32xf32, #tpu.memory_space<vmem>>
          tpu.enqueue_dma source(%dma_start3A_324 : memref<32xf32, #tpu.memory_space<vmem>>) target(%dma_start3A_323 : memref<32xf32, #tpu.memory_space<hbm>>) target_semaphore(%arg13 : memref<!tpu.dma_semaphore, #tpu.memory_space<semaphore_mem>>)
        } else {
        }
        %mul3A_281 = arith.constant 16 : i32
        %mul3A_282 = arith.muli %while3A_160, %mul3A_281 : i32
        %add3A_283 = arith.constant 14 : i32
        %add3A_284 = arith.addi %mul3A_282, %add3A_283 : i32
        %lt3A_285 = arith.cmpi slt, %add3A_284, %min3A_113 : i32
        %convert_element_type3A_286 = arith.extui %lt3A_285 : i1 to i32
        %cond3A_287 = arith.constant 0 : i32
        %cond3A_288 = arith.cmpi ne, %convert_element_type3A_286, %cond3A_287 : i32
        scf.if %cond3A_288 {
          %mul3A_297 = arith.constant 16 : i32
          %mul3A_298 = arith.muli %while3A_160, %mul3A_297 : i32
          %add3A_299 = arith.constant 14 : i32
          %add3A_300 = arith.addi %mul3A_298, %add3A_299 : i32
          %slice3A = vector.extract_strided_slice %sub3A_168 {offsets = [14], sizes = [1], strides = [1]} : vector<16xi32> to vector<1xi32>
          %squeeze3A = vector.extract %slice3A[0] : i32 from vector<1xi32>
          %broadcast_in_dim3A_301 = vector.broadcast %squeeze3A : i32 to vector<16xi32>
          %broadcast_in_dim3A_302 = vector.broadcast %rem3A_44 : i32 to vector<16xi32>
          %gather3A = tpu.vector_load_idx %arg11[%broadcast_in_dim3A_302, %iota3A, %broadcast_in_dim3A_301] : memref<2x32x1664xf32, #tpu.memory_space<vmem>>[vector<16xi32>, vector<16xi32>, vector<16xi32>], vector<16xf32>,
          %add3A_303 = arith.constant 16 : i32
          %add3A_304 = vector.broadcast %add3A_303 : i32 to vector<16xi32>
          %add3A_305 = arith.addi %iota3A, %add3A_304 : vector<16xi32>
          %gather3A_306 = tpu.vector_load_idx %arg11[%broadcast_in_dim3A_302, %add3A_305, %broadcast_in_dim3A_301] : memref<2x32x1664xf32, #tpu.memory_space<vmem>>[vector<16xi32>, vector<16xi32>, vector<16xi32>], vector<16xf32>,
          %mul3A_307 = arith.constant 32 : i32
          %mul3A_308 = arith.muli %add3A_300, %mul3A_307 : i32
          %swap3A = arith.index_cast %mul3A_308 : i32 to index
          %swap3A_309 = tpu.vector_load %arg12[%swap3A] {strides = array<i32>} : memref<4096xf32, #tpu.memory_space<vmem>>, vector<16xf32>,
          tpu.vector_store %arg12[%swap3A], %gather3A {strides = array<i32>} : memref<4096xf32, #tpu.memory_space<vmem>>, vector<16xf32>,
          %mul3A_310 = arith.constant 32 : i32
          %mul3A_311 = arith.muli %add3A_300, %mul3A_310 : i32
          %add3A_312 = arith.constant 16 : i32
          %add3A_313 = arith.addi %mul3A_311, %add3A_312 : i32
          %swap3A_314 = arith.index_cast %add3A_313 : i32 to index
          %swap3A_315 = tpu.vector_load %arg12[%swap3A_314] {strides = array<i32>} : memref<4096xf32, #tpu.memory_space<vmem>>, vector<16xf32>,
          tpu.vector_store %arg12[%swap3A_314], %gather3A_306 {strides = array<i32>} : memref<4096xf32, #tpu.memory_space<vmem>>, vector<16xf32>,
          %slice3A_316 = vector.extract_strided_slice %get3A_167 {offsets = [14], sizes = [1], strides = [1]} : vector<16xi32> to vector<1xi32>
          %squeeze3A_317 = vector.extract %slice3A_316[0] : i32 from vector<1xi32>
          %mul3A_318 = arith.constant 32 : i32
          %mul3A_319 = arith.muli %add3A_300, %mul3A_318 : i32
          %mul3A_320 = arith.constant 32 : i32
          %mul3A_321 = arith.muli %squeeze3A_317, %mul3A_320 : i32
          %dma_start3A = tpu.memref_slice %arg12[%mul3A_319] : memref<4096xf32, #tpu.memory_space<vmem>> -> memref<32xf32, #tpu.memory_space<vmem>>
          %dma_start3A_322 = tpu.memref_slice %arg4[%mul3A_321] : memref<524288xf32, #tpu.memory_space<hbm>> -> memref<32xf32, #tpu.memory_space<hbm>>
          %dma_start3A_323 = tpu.memref_slice %arg4[%mul3A_321] : memref<524288xf32, #tpu.memory_space<hbm>> -> memref<32xf32, #tpu.memory_space<hbm>>
          %dma_start3A_324 = tpu.memref_slice %arg12[%mul3A_319] : memref<4096xf32, #tpu.memory_space<vmem>> -> memref<32xf32, #tpu.memory_space<vmem>>
          tpu.enqueue_dma source(%dma_start3A_324 : memref<32xf32, #tpu.memory_space<vmem>>) target(%dma_start3A_323 : memref<32xf32, #tpu.memory_space<hbm>>) target_semaphore(%arg13 : memref<!tpu.dma_semaphore, #tpu.memory_space<semaphore_mem>>)
        } else {
        }
        %mul3A_289 = arith.constant 16 : i32
        %mul3A_290 = arith.muli %while3A_160, %mul3A_289 : i32
        %add3A_291 = arith.constant 15 : i32
        %add3A_292 = arith.addi %mul3A_290, %add3A_291 : i32
        %lt3A_293 = arith.cmpi slt, %add3A_292, %min3A_113 : i32
        %convert_element_type3A_294 = arith.extui %lt3A_293 : i1 to i32
        %cond3A_295 = arith.constant 0 : i32
        %cond3A_296 = arith.cmpi ne, %convert_element_type3A_294, %cond3A_295 : i32
        scf.if %cond3A_296 {
          %mul3A_297 = arith.constant 16 : i32
          %mul3A_298 = arith.muli %while3A_160, %mul3A_297 : i32
          %add3A_299 = arith.constant 15 : i32
          %add3A_300 = arith.addi %mul3A_298, %add3A_299 : i32
          %slice3A = vector.extract_strided_slice %sub3A_168 {offsets = [15], sizes = [1], strides = [1]} : vector<16xi32> to vector<1xi32>
          %squeeze3A = vector.extract %slice3A[0] : i32 from vector<1xi32>
          %broadcast_in_dim3A_301 = vector.broadcast %squeeze3A : i32 to vector<16xi32>
          %broadcast_in_dim3A_302 = vector.broadcast %rem3A_44 : i32 to vector<16xi32>
          %gather3A = tpu.vector_load_idx %arg11[%broadcast_in_dim3A_302, %iota3A, %broadcast_in_dim3A_301] : memref<2x32x1664xf32, #tpu.memory_space<vmem>>[vector<16xi32>, vector<16xi32>, vector<16xi32>], vector<16xf32>,
          %add3A_303 = arith.constant 16 : i32
          %add3A_304 = vector.broadcast %add3A_303 : i32 to vector<16xi32>
          %add3A_305 = arith.addi %iota3A, %add3A_304 : vector<16xi32>
          %gather3A_306 = tpu.vector_load_idx %arg11[%broadcast_in_dim3A_302, %add3A_305, %broadcast_in_dim3A_301] : memref<2x32x1664xf32, #tpu.memory_space<vmem>>[vector<16xi32>, vector<16xi32>, vector<16xi32>], vector<16xf32>,
          %mul3A_307 = arith.constant 32 : i32
          %mul3A_308 = arith.muli %add3A_300, %mul3A_307 : i32
          %swap3A = arith.index_cast %mul3A_308 : i32 to index
          %swap3A_309 = tpu.vector_load %arg12[%swap3A] {strides = array<i32>} : memref<4096xf32, #tpu.memory_space<vmem>>, vector<16xf32>,
          tpu.vector_store %arg12[%swap3A], %gather3A {strides = array<i32>} : memref<4096xf32, #tpu.memory_space<vmem>>, vector<16xf32>,
          %mul3A_310 = arith.constant 32 : i32
          %mul3A_311 = arith.muli %add3A_300, %mul3A_310 : i32
          %add3A_312 = arith.constant 16 : i32
          %add3A_313 = arith.addi %mul3A_311, %add3A_312 : i32
          %swap3A_314 = arith.index_cast %add3A_313 : i32 to index
          %swap3A_315 = tpu.vector_load %arg12[%swap3A_314] {strides = array<i32>} : memref<4096xf32, #tpu.memory_space<vmem>>, vector<16xf32>,
          tpu.vector_store %arg12[%swap3A_314], %gather3A_306 {strides = array<i32>} : memref<4096xf32, #tpu.memory_space<vmem>>, vector<16xf32>,
          %slice3A_316 = vector.extract_strided_slice %get3A_167 {offsets = [15], sizes = [1], strides = [1]} : vector<16xi32> to vector<1xi32>
          %squeeze3A_317 = vector.extract %slice3A_316[0] : i32 from vector<1xi32>
          %mul3A_318 = arith.constant 32 : i32
          %mul3A_319 = arith.muli %add3A_300, %mul3A_318 : i32
          %mul3A_320 = arith.constant 32 : i32
          %mul3A_321 = arith.muli %squeeze3A_317, %mul3A_320 : i32
          %dma_start3A = tpu.memref_slice %arg12[%mul3A_319] : memref<4096xf32, #tpu.memory_space<vmem>> -> memref<32xf32, #tpu.memory_space<vmem>>
          %dma_start3A_322 = tpu.memref_slice %arg4[%mul3A_321] : memref<524288xf32, #tpu.memory_space<hbm>> -> memref<32xf32, #tpu.memory_space<hbm>>
          %dma_start3A_323 = tpu.memref_slice %arg4[%mul3A_321] : memref<524288xf32, #tpu.memory_space<hbm>> -> memref<32xf32, #tpu.memory_space<hbm>>
          %dma_start3A_324 = tpu.memref_slice %arg12[%mul3A_319] : memref<4096xf32, #tpu.memory_space<vmem>> -> memref<32xf32, #tpu.memory_space<vmem>>
          tpu.enqueue_dma source(%dma_start3A_324 : memref<32xf32, #tpu.memory_space<vmem>>) target(%dma_start3A_323 : memref<32xf32, #tpu.memory_space<hbm>>) target_semaphore(%arg13 : memref<!tpu.dma_semaphore, #tpu.memory_space<semaphore_mem>>)
        } else {
        }
      }
      %while3A_150 = arith.constant 0 : i32
      %while3A_151 = arith.constant 0 : i32
      %while3A_152 = arith.subi %min3A_113, %while3A_151 : i32
      %while3A_153 = arith.addi %while3A_151, %while3A_152 : i32
      %while3A_154 = arith.constant 1 : i32
      %while3A_155 = arith.divsi %while3A_152, %while3A_154 : i32
      %while3A_156 = arith.muli %while3A_155, %while3A_154 : i32
      %while3A_157 = arith.addi %while3A_151, %while3A_156 : i32
      %while3A_158 = arith.constant 1 : i32
      scf.for %while3A_160 = %while3A_151 to %while3A_157 step %while3A_158  : i32 {
        %dma_wait3A = arith.constant 0 : i32
        %dma_wait3A_161 = tpu.memref_slice %arg12[%dma_wait3A] : memref<4096xf32, #tpu.memory_space<vmem>> -> memref<32xf32, #tpu.memory_space<vmem>>
        %dma_wait3A_162 = arith.constant 0 : i32
        %dma_wait3A_163 = tpu.memref_slice %arg4[%dma_wait3A_162] : memref<524288xf32, #tpu.memory_space<hbm>> -> memref<32xf32, #tpu.memory_space<hbm>>
        %dma_wait3A_164 = arith.constant 0 : i32
        %dma_wait3A_165 = tpu.memref_slice %arg12[%dma_wait3A_164] : memref<4096xf32, #tpu.memory_space<vmem>> -> memref<32xf32, #tpu.memory_space<vmem>>
        %dma_wait3A_166 = arith.constant 0 : i32
        %dma_wait3A_167 = tpu.memref_slice %arg4[%dma_wait3A_166] : memref<524288xf32, #tpu.memory_space<hbm>> -> memref<32xf32, #tpu.memory_space<hbm>>
        tpu.wait_dma2 semaphore(%arg13 : memref<!tpu.dma_semaphore, #tpu.memory_space<semaphore_mem>>) src(%dma_wait3A_167 : memref<32xf32, #tpu.memory_space<hbm>>) dst(%dma_wait3A_165 : memref<32xf32, #tpu.memory_space<vmem>>)
      }
      %while3A_159 = arith.constant 1 : i32
      scf.for %while3A_160 = %while3A_157 to %while3A_153 step %while3A_159  : i32 {
        %dma_wait3A = arith.constant 0 : i32
        %dma_wait3A_161 = tpu.memref_slice %arg12[%dma_wait3A] : memref<4096xf32, #tpu.memory_space<vmem>> -> memref<32xf32, #tpu.memory_space<vmem>>
        %dma_wait3A_162 = arith.constant 0 : i32
        %dma_wait3A_163 = tpu.memref_slice %arg4[%dma_wait3A_162] : memref<524288xf32, #tpu.memory_space<hbm>> -> memref<32xf32, #tpu.memory_space<hbm>>
        %dma_wait3A_164 = arith.constant 0 : i32
        %dma_wait3A_165 = tpu.memref_slice %arg12[%dma_wait3A_164] : memref<4096xf32, #tpu.memory_space<vmem>> -> memref<32xf32, #tpu.memory_space<vmem>>
        %dma_wait3A_166 = arith.constant 0 : i32
        %dma_wait3A_167 = tpu.memref_slice %arg4[%dma_wait3A_166] : memref<524288xf32, #tpu.memory_space<hbm>> -> memref<32xf32, #tpu.memory_space<hbm>>
        tpu.wait_dma2 semaphore(%arg13 : memref<!tpu.dma_semaphore, #tpu.memory_space<semaphore_mem>>) src(%dma_wait3A_167 : memref<32xf32, #tpu.memory_space<hbm>>) dst(%dma_wait3A_165 : memref<32xf32, #tpu.memory_space<vmem>>)
      }
    }
    %scan3A_36 = arith.constant 19 : i32
    return
  }
}

</mosaic_0001>

<sc_bundles>
// kernel: kernel.3.cloned.1.call-start
scs
__scs_entry_jumppad:
0x0: {  	(pc) =	sbr.rel $0x88, $3  }
0x1: {  	(tag) =	ssettag $0x0;
	lr =	simm.s32 $0x1  }
0x2: {  	[smem:$0x3F9F] =	sst lr;
	_ =	strace $0xD0000000  }
0x3: {  	_ = 	snop  }
0x4: {  	_ = 	snop  }
0x5: {  	_ = 	snop  }
0x6: {  	_ = 	snop  }
0x7: {  	_ = 	snop  }
__scs_overlays_trampoline_lowered:
0x8: {  	[smem:$0x3FAE] =	sst s0  }
0x9: {  	[smem:$0x3FAF] =	sst s1  }
0xa: {  	[smem:$0x3FB0] =	sst s2  }
0xb: {  	[smem:$0x3FB1] =	sst s3  }
0xc: {  	[smem:$0x3FB2] =	sst s4  }
0xd: {  	[smem:$0x3FB3] =	sst s5  }
0xe: {  	[smem:$0x3FB4] =	sst s6  }
0xf: {  	[smem:$0x3FB5] =	sst s7  }
0x10: {  	[smem:$0x3FB6] =	sst s8  }
0x11: {  	[smem:$0x3FB7] =	sst s9;
	s0 =	simm.s32 @!p0 $0x0  }
0x12: {  	s1 =	sld [smem:$0x3F9D];
	s0 =	simm.s32 @p0 $0x1  }
0x13: {  	[smem:$0x3FB8] =	sst s0;
	s0 =	simm.s32 @!p1 $0x0  }
0x14: {  	s2 =	sld [smem:$0x3F9C];
	s0 =	simm.s32 @p1 $0x1  }
0x15: {  	[smem:$0x3FB9] =	sst s0;
	s0 =	simm.s32 @!p2 $0x0  }
0x16: {  	s3 =	sld [smem:$0x3FDB];
	s0 =	simm.s32 @p2 $0x1  }
0x17: {  	s4 =	simm.s32 $0x1BF5;
	[smem:$0x3FBB] =	sst s0  }
0x18: {  	s0 =	sld [smem:$0x3F9E];
	_ =	swait.ge [sflag:s4], $0x0  }
0x19: {  	s7 =	sld [smem:$0x3F9F]  }
0x1a: {  	s8 =	sadd.s32 $0xFFFFE003, lr  }
0x1b: {  	s9 =	sadd.s32 $0xFFFFFEF7, lr;
	s5 =	simm.s32 $0xFFFFFFFF;
	p2 =	slt.u32 s8, $0xFFFFF086  }
0x1c: {  	p1 =	slt.u32 s9, $0xF7A;
	s5 =	simm.s32 @!p2 $0x0  }
0x1d: {  	s5 =	simm.s32 @p1 $0x1;
	p0 =	seq.s32 s7, s2  }
0x1e: {  	s7 =	smul.u32 @!p0 $0xF7A, s2;
	p2 =	seq.s32 @!p0 s5, $0x0  }
0x1f: {  	s9 =	smul.u32 $0xF7A, s1;
	s8 =	simm.s32 @!p0 $0x1BF5;
	p2 =	por !p2, p0  }
0x20: {  	[sflag:s8] =	ssyncset.s32 @!p0 $0xFFFFF086;
	s6 =	sadd.s32 @!p0 s3, s7;
	s7 =	simm.s32 @!p0 $0x108  }
0x21: {  	s3 =	sadd.s32 s3, s9;
	s6 =	sadd.s32 @!p0 $0x88, s6;
	s7 =	simm.s32 @p2 $0x1082  }
0x22: {  	[simem:s7], [sflag:s8] =	dma.local @!p0 [hbm:s6], $0xF7A  }
0x23: {  	s9 =	sor.u32 $0xD0000000, s2;
	s6 =	simm.s32 $0x108;
	_ =	swait.ge @!p0 [sflag:s8], $0x0  }
0x24: {  	s3 =	sadd.s32 $0x88, s3;
	s6 =	simm.s32 @!p1 $0x1082;
	[sflag:s4] =	ssyncset.s32 $0xFFFFF086  }
0x25: {  	[simem:s6], [sflag:s4] =	dma.local [hbm:s3], $0xF7A  }
0x26: {  	[smem:$0x3F9F] =	sst s1;
	(tag) =	ssettag s2;
	_ =	strace s9  }
0x27: {  	s1 =	sld [smem:$0x3FAF]  }
0x28: {  	s2 =	sld [smem:$0x3FB0]  }
0x29: {  	s4 =	sld [smem:$0x3FB2]  }
0x2a: {  	p0 =	seq.s32 s5, $0x0;
	s5 =	sld [smem:$0x3FB3]  }
0x2b: {  	s6 =	sld [smem:$0x3FB4]  }
0x2c: {  	s7 =	sld [smem:$0x3FB5]  }
0x2d: {  	s3 =	simm.s32 $0x108;
	s8 =	sld [smem:$0x3FB6]  }
0x2e: {  	s3 =	simm.s32 @!p0 $0x1082;
	s9 =	sld [smem:$0x3FB7]  }
0x2f: {  	lr =	sadd.s32 s0, s3;
	s0 =	sld [smem:$0x3FAE]  }
0x30: {  	s3 =	sld [smem:$0x3FB1]  }
0x31: {  	[smem:$0x3FBA] =	sst s10  }
0x32: {  	s10 =	sld [smem:$0x3FB8];
	_ =	sdelay $0x3  }
0x33: {  	p0 =	seq.s32 s10, $0x1;
	s10 =	sld [smem:$0x3FBA];
	_ =	sdelay $0x3  }
0x34: {  	[smem:$0x3FBA] =	sst s10  }
0x35: {  	s10 =	sld [smem:$0x3FB9];
	_ =	sdelay $0x3  }
0x36: {  	p1 =	seq.s32 s10, $0x1;
	s10 =	sld [smem:$0x3FBA];
	_ =	sdelay $0x3  }
0x37: {  	[smem:$0x3FBA] =	sst s10  }
0x38: {  	s10 =	sld [smem:$0x3FBB]  }
0x39: {  	_ = 	snop;
	(pc) =	sbr.ind lr, $3  }
0x3a: {  	_ = 	snop  }
0x3b: {  	_ = 	snop  }
0x3c: {  	p2 =	seq.s32 s10, $0x1;
	s10 =	sld [smem:$0x3FBA]  }
0x3d: {  	_ =	shalt  }
0x3e: {  	_ =	shalt  }
0x3f: {  	_ =	shalt  }
0x40: {  	_ =	shalt  }
0x41: {  	_ =	shalt  }
0x42: {  	_ =	shalt  }
0x43: {  	_ =	shalt  }
0x44: {  	_ =	shalt  }
0x45: {  	_ =	shalt  }
0x46: {  	_ =	shalt  }
0x47: {  	_ =	shalt  }
0x48: {  	_ =	shalt  }
0x49: {  	_ =	shalt  }
0x4a: {  	_ =	shalt  }
0x4b: {  	_ =	shalt  }
0x4c: {  	_ =	shalt  }
0x4d: {  	_ =	shalt  }
0x4e: {  	_ =	shalt  }
0x4f: {  	_ =	shalt  }
0x50: {  	_ =	shalt  }
0x51: {  	_ =	shalt  }
0x52: {  	_ =	shalt  }
0x53: {  	_ =	shalt  }
0x54: {  	_ =	shalt  }
0x55: {  	_ =	shalt  }
0x56: {  	_ =	shalt  }
0x57: {  	_ =	shalt  }
0x58: {  	_ =	shalt  }
0x59: {  	_ =	shalt  }
0x5a: {  	_ =	shalt  }
0x5b: {  	_ =	shalt  }
0x5c: {  	_ =	shalt  }
0x5d: {  	_ =	shalt  }
0x5e: {  	_ =	shalt  }
0x5f: {  	_ =	shalt  }
0x60: {  	_ =	shalt  }
0x61: {  	_ =	shalt  }
0x62: {  	_ =	shalt  }
0x63: {  	_ =	shalt  }
0x64: {  	_ =	shalt  }
0x65: {  	_ =	shalt  }
0x66: {  	_ =	shalt  }
0x67: {  	_ =	shalt  }
0x68: {  	_ =	shalt  }
0x69: {  	_ =	shalt  }
0x6a: {  	_ =	shalt  }
0x6b: {  	_ =	shalt  }
0x6c: {  	_ =	shalt  }
0x6d: {  	_ =	shalt  }
0x6e: {  	_ =	shalt  }
0x6f: {  	_ =	shalt  }
0x70: {  	_ =	shalt  }
0x71: {  	_ =	shalt  }
0x72: {  	_ =	shalt  }
0x73: {  	_ =	shalt  }
0x74: {  	_ =	shalt  }
0x75: {  	_ =	shalt  }
0x76: {  	_ =	shalt  }
0x77: {  	_ =	shalt  }
0x78: {  	_ =	shalt  }
0x79: {  	_ =	shalt  }
0x7a: {  	_ =	shalt  }
0x7b: {  	_ =	shalt  }
0x7c: {  	_ =	shalt  }
0x7d: {  	_ =	shalt  }
0x7e: {  	_ =	shalt  }
0x7f: {  	_ =	shalt  }
0x80: {  	_ =	shalt  }
0x81: {  	_ =	shalt  }
0x82: {  	_ =	shalt  }
0x83: {  	_ =	shalt  }
0x84: {  	_ =	shalt  }
0x85: {  	_ =	shalt  }
0x86: {  	_ =	shalt  }
0x87: {  	_ =	shalt  }
.Lfunc_end0:
.L_simem_size_0:
called_computation_lowered:
.L_overlay_start_0:
0x88: {  	s2 =	sld [smem:$0x3FD9]  }
0x89: {  	s3 =	sld [smem:$0x3FFE];
	_ =	sdelay $0x1  }
0x8a: {  	s1 =	srdreg.scid  }
0x8b: {  	s0 =	sand.u32 $0x1, s1  }
0x8c: {  	s18 =	sshll.u32 s0, $0xA;
	s2 =	sadd.s32 s3, s2  }
0x8d: {  	s2 =	sadd.s32 s2, s18  }
0x8e: {  	[smem:$0x3FC6] =	sst s2  }
0x8f: {  	_ = 	snop  }
0x90: {  	s2 =	sld [smem:$0x3FC9]  }
0x91: {  	s19 =	sld [smem:$0x3FC8]  }
0x92: {  	s4 =	sld [smem:$0x3FD0];
	(tm) =	ssettm $0x1  }
0x93: {  	s5 =	sld [smem:$0x3FFB];
	_ =	sdelay $0x3  }
0x94: {  	_ =	strace s5  }
0x95: {  	s5 =	sld [smem:$0x3FFC];
	_ =	sdelay $0x3  }
0x96: {  	_ =	strace s5  }
0x97: {  	s5 =	sld [smem:$0x3FFD];
	_ =	sdelay $0x3  }
0x98: {  	_ =	strace s5  }
0x99: {  	_ =	strace $0x8FFFFFFF  }
0x9a: {  	s20 =	sld [smem:$0x3FDB];
	_ =	sdelay $0x1  }
0x9b: {  	s6 =	simm.s32 $_scs_section_size  }
0x9c: {  	s7 =	simm.s32 $_size__tile_overlayer_lowered;
	s8 =	simm.s32 $_tile_overlayer_lowered  }
0x9d: {  	s23 =	simm.s32 $0x1BFF;
	s22 =	sshll.u32 s8, $0x1;
	s5 =	sadd.s32 s6, s20  }
0x9e: {  	s9 =	simm.s32 $0x0;
	s21 =	sshll.u32 s7, $0x1;
	s7 =	sadd.s32 s22, s5  }
0x9f: {  	[timem:s9], [sflag:s23] =	dma.local [hbm:s7], s21  }
0xa0: {  	_ =	swait.ge [sflag:s23], s21  }
0xa1: {  	s6 =	ssub.s32 $0x0, s21;
	[sflag:s23] =	ssyncset.done $0x0  }
0xa2: {  	[sflag:s23] =	ssyncadd.s32 s6;
	_ =	sdelay $0x1  }
0xa3: {  	s24 =	simm.s32 $0x1B8B  }
0xa4: {  	_ =	swait.ge [sflag:s24], $0x1  }
0xa5: {  	[sflag:s24] =	ssyncset.done $0x0  }
0xa6: {  	s25 =	simm.s32 $0x1B8E;
	[sflag:s24] =	ssyncadd.s32 $0xFFFFFFFF  }
0xa7: {  	s26 =	simm.s32 $execute0_lowered;
	[smem:$0x3FD2] =	sst s25  }
0xa8: {  	s6 =	sshll.u32 s26, $0x1;
	_ =	strace $0x80000046;
	[dreg:$0x1] =	wrdreg $0xFFFFFFFF  }
0xa9: {  	s28 =	simm.s32 $_size_execute0_lowered;
	s5 =	sadd.s32 s5, s6;
	[dreg:$0x0] =	wrdreg $0x0  }
0xaa: {  	s6 =	sshll.u32 s28, $0x1;
	[dreg:$0x2] =	wrdreg s5  }
0xab: {  	[dreg:$0x3] =	wrdreg s6  }
0xac: {  	[dreg:$0x4] =	wrdreg $0xC0  }
0xad: {  	_ =	task [dreg:s9], $0x5FFFF  }
0xae: {  	[dreg:$0x1] =	wrdreg $0xFFFFFFFF  }
0xaf: {  	[dreg:$0x0] =	wrdreg $0x60  }
0xb0: {  	[dreg:$0x2] =	wrdreg s2  }
0xb1: {  	[dreg:$0x3] =	wrdreg s19  }
0xb2: {  	[dreg:$0x4] =	wrdreg s4  }
0xb3: {  	[dreg:$0x5] =	wrdreg $0x9  }
0xb4: {  	_ =	task.clear_ibuf [dreg:s9], $0x6FFFF;
	_ =	strace $0x90000046  }
0xb5: {  	s29 =	simm.s32 $0x9;
	_ =	strace $0x80000048  }
0xb6: {  	_ =	swait.ge [sflag:s29], $0x1  }
0xb7: {  	[sflag:s29] =	ssyncadd.s32 $0xFFFFFFFF  }
0xb8: {  	_ =	strace $0x90000048  }
0xb9: {  	_ =	sfence  }
0xba: {  	s30 =	sld [smem:$0x0];
	_ =	sdelay $0x2  }
0xbb: {  	s31 =	sshll.u32 s1, $0xD;
	s1 =	sshrl.u32 s1, $0x2  }
0xbc: {  	s3 =	sand.u32 $0x4000, s31;
	s1 =	sadd.s32 s1, s30  }
0xbd: {  	s0 =	sor.u32 s3, s0;
	s1 =	sshll.u32 s1, $0x11  }
0xbe: {  	s0 =	sor.u32 s1, s0  }
0xbf: {  	s0 =	sadd.s32 $0x8F2B, s0  }
0xc0: {  	[sflag:s0] =	ssyncadd.remote.s32 $0x1  }
0xc1: {  	_ =	sfence.sel $0xFFFF  }
0xc2: {  	[dreg:$0x0] =	wrdreg $0xFFFFFFFF;
	(pc) =	sbr.abs _section_cstart, $3  }
0xc3: {  	[dreg:$0x1] =	wrdreg $0xFFFFFFFF  }
0xc4: {  	_ =	task.clear_ibuf [dreg:s9], $0x2FFFF;
	_ =	strace $0x9FFFFFFF  }
0xc5: {  	(tm) =	ssettm $0x7FFFFFFF  }
tec
execute0_lowered:
.L_overlay_start_1:
0x0: {  	(tag) =	ssettag $0x1  }
0x1: {  	v2 =	vlaneseq.u32;
	v6 =	vimm.s32 $0x3780;
	vm0 =	vcmask $0x300  }
0x2: {  	v7 =	vimm.s32 $0x9F80;
	vm1 =	vcmask $0x704;
	vm15 =	vcmask $0xB08  }
0x3: {  	vm4 =	vcmask $0xF0C;
	vm5 =	vcmask $0x1310;
	vm6 =	vcmask $0x1714  }
0x4: {  	vm7 =	vcmask $0x1B18;
	v6 =	vsel vm0, $0x0, v6;
	v7 =	vsel vm0, $0x6800, v7  }
0x5: {  	vm8 =	vcmask $0x1F1C;
	v6 =	vsel vm1, $0x80, v6;
	v7 =	vsel vm1, $0x6880, v7  }
0x6: {  	vm9 =	vcmask $0x2320;
	v6 =	vsel vm15, $0x100, v6;
	v7 =	vsel vm15, $0x6900, v7  }
0x7: {  	vm10 =	vcmask $0x2724;
	v6 =	vsel vm4, $0x180, v6;
	v7 =	vsel vm4, $0x6980, v7  }
0x8: {  	vm11 =	vcmask $0x2B28;
	v6 =	vsel vm5, $0x200, v6;
	v7 =	vsel vm5, $0x6A00, v7  }
0x9: {  	s0 =	srdreg.scid;
	s1 =	stileid.u32;
	vm12 =	vcmask $0x2F2C;
	v6 =	vsel vm6, $0x280, v6;
	v7 =	vsel vm6, $0x6A80, v7  }
0xa: {  	vm13 =	vcmask $0x3330;
	s0 =	sand.u32 $0x1, s0;
	s1 =	sshll.u32 s1, $0x1;
	v6 =	vsel vm7, $0x300, v6;
	v7 =	vsel vm7, $0x6B00, v7  }
0xb: {  	vm14 =	vcmask $0x3734;
	s1 =	sor.u32 s0, s1;
	v6 =	vsel vm8, $0x380, v6;
	v7 =	vsel vm8, $0x6B80, v7  }
0xc: {  	v3 =	vadd.s32 $0x80000064, v2;
	s2 =	smul.u32 $0x7B80, s1;
	v6 =	vsel vm9, $0x3400, v6;
	v7 =	vsel vm9, $0x9C00, v7  }
0xd: {  	s5 =	rddreg [dreg:$0x1];
	s3 =	simm.s32 $0x0;
	v4 =	vor.u32 $0x80000000, v2;
	s1 =	smul.u32 $0x13, s1;
	v6 =	vsel vm10, $0x3480, v6;
	v7 =	vsel vm10, $0x9C80, v7  }
.Ltmp0:
0xe: {  	v5 =	vor.u32 $0x10, v2;
	[smem:$0x7FF] =	sst s3;
	s0 =	ssub.s32 $0x2, s0;
	v6 =	vsel vm11, $0x3500, v6;
	v7 =	vsel vm11, $0x9D00, v7;
	(pc) =	sbr.rel .LBB2_1-.Ltmp0, $4  }
0xf: {  	s4 =	rddreg [dreg:$0x2];
	_ =	strace $0x80000047;
	s30 =	sshrl.u32 s0, $0x1;
	vm15 =	vcmask $0x3B38;
	v6 =	vsel vm12, $0x3580, v6;
	v7 =	vsel vm12, $0x9D80, v7  }
0x10: {  	s0 =	ssub.s32 s0, s30;
	v0 =	vmov s2;
	[dreg:$0x6] =	wrdreg s1;
	s31 =	sadd.s32 s5, s2;
	v6 =	vsel vm13, $0x3600, v6;
	v7 =	vsel vm13, $0x9E00, v7  }
0x11: {  	s10 =	simm.s32 $0x1;
	s0 =	smax.u32 s0, $0x1;
	v1 =	vadd.s32 $0x7B80, v0;
	[dreg:$0x7] =	wrdreg s31;
	v8 =	vsel vm14, $0x3680, v6;
	v9 =	vsel vm14, $0x9E80, v7  }
0x12: {  	s11 =	simm.s32 $0x4A00;
	s1 =	simm.s32 $0x0;
	[dreg:$0x8] =	wrdreg s0;
	v6 =	vor.u32 $0x20, v2;
	v7 =	vsel vm15, $0x3700, v8;
	v8 =	vsel vm15, $0x9F00, v9  }
.LBB2_17:
0x13: {  	s1 =	rddreg [dreg:$0x9]  }
0x14: {  	s0 =	rddreg [dreg:$0x8];
	s1 =	sadd.s32 $0x1, s1  }
0x15: {  	p0 =	sne.s32 s1, s0  }
.Ltmp1:
0x16: {  	_ = 	snop;
	(pc) =	sbr.rel @!p0 .LBB2_18-.Ltmp1, $1  }
0x17: {  	_ =	sdelay $0x3  }
.LBB2_1:
0x18: {  	[dreg:$0x9] =	wrdreg s1  }
0x19: {  	s0 =	rddreg [dreg:$0x0]  }
0x1a: {  	s26 =	simm.s32 $0x0;
	s28 =	rddreg [dreg:$0x7]  }
0x1b: {  	[tilespmem:s26], [sflag:$0x1] =	stream.linear.gather [hbm4b:s0+s26], $0x4000, $0x38;
	[tilespmem:$0x1FA80] =	vst v63  }
0x1c: {  	s2 =	simm.s32 $0x3400;
	s3 =	simm.s32 $0x7A1400;
	s5 =	simm.s32 $0x4A80  }
0x1d: {  	[tilespmem:s5], [sflag:$0x2] =	stream.strided.gather [hbm4b:s28+s2], $0xD000, s3, s2, $0x38;
	[tilespmem:$0x1FA80] =	vst v63  }
0x1e: {  	_ =	swait.ge [sflag:s10], $0x4000  }
0x1f: {  	[sflag:s10] =	ssyncset.done $0x0  }
0x20: {  	[sflag:s10] =	ssyncadd.s32 $0xFFFFC000  }
0x21: {  	v9 =	vld [tilespmem:s26+$0x0];
	_ =	sdelay $0x4  }
0x22: {  	vm0 =	vge.s32 v9, v0;
	vm1 =	vlt.s32 v9, v1  }
0x23: {  	vm0 =	vmand vm0, vm1  }
0x24: {  	v10 =	vsel vm0, v4, v3  }
0x25: {  	(xrf1) =	vsort.ascd.msk.u32 $0xffff, v10, v2;
	_ =	sdelay $0x5  }
0x26: {  	v10 =	vmpcnt.ones.xlane vm0;
	_ =	sdelay $0x1  }
0x27: {  	(v2sf) =	vpush v10, $0x0;
	_ =	sdelay $0x5  }
0x28: {  	s29 =	simm.s32 $0x0;
	_, v10, _ =	vpop (xrf1)  }
0x29: {  	s0 =	sand.u32 $0xFFFFFFF0, s29;
	v11 =	vor.u32 s26, v2  }
0x2a: {  	s0 =	ssub.s32 $0x0, s0;
	[tilespmem:$0x4A10] =	vst v11  }
0x2b: {  	v11 =	vmov s0;
	[tilespmem:$0x4A00] =	vst v9;
	v12 =	vadd.s32 $0x10, v10  }
0x2c: {  	vm14 =	vgt.s32 v11, v2;
	v9 =	vsub.s32 v5, v11;
	v11 =	vsub.s32 v6, v11;
	v10 =	vld.idx.msk [tilespmem:v10+s11+$0x0], $0xffff  }
0x2d: {  	vm15 =	vlt.s32 v11, $0x1F;
	v9 =	vsel vm14, v2, v9  }
0x2e: {  	v11 =	vnsel vm15, $0x1F, v11  }
0x2f: {  	v13 =	vimm.s32 $0x0  }
0x30: {  	v12 =	vld.idx.msk [tilespmem:v12+s11+$0x0], $0xffff;
	[tilespmem:$0x4A00] =	vst v13  }
0x31: {  	s30 =	spop (v2sf);
	[tilespmem:$0x4A10] =	vst v10  }
0x32: {  	s31 =	sadd.s32 s0, s30;
	v14 =	vld.idx.msk [tilespmem:v9+s11+$0x0], $0xffff  }
0x33: {  	p1 =	slt.s32 s31, $0x10;
	v15 =	vld.idx.msk [tilespmem:v11+s11+$0x0], $0xffff  }
0x34: {  	s5 =	ssub.s32 @!p1 $0x0, s0;
	[tilespmem:$0x4A00] =	vst v13  }
0x35: {  	p0 =	slt.s32 @!p1 s5, $0x400;
	[tilespmem:$0x4A10] =	vst v12  }
0x36: {  	p0 =	por !p0, p1;
	v10 =	vld.idx.msk [tilespmem:v9+s11+$0x0], $0xffff  }
0x37: {  	p2 =	sgt.s32 s31, $0xF;
	s5 =	simm.s32 @p0 $0x400;
	v11 =	vld.idx.msk [tilespmem:v11+s11+$0x0], $0xffff  }
0x38: {  	s1 =	simm.s32 $0x10;
	s2 =	simm.s32 $0x0;
	s0 =	sadd.s32 $0x0, s30;
	[tilespmem:s5+$0x4000] =	vst @!p1 v14;
	v9 =	vpsel p2, v15, v14  }
.LBB2_2:
0x39: {  	s2 =	sadd.s32 $0x10, s2;
	s6 =	smov.u32 s1;
	s1 =	sadd.s32 $0x10, s1  }
0x3a: {  	s3 =	smov.u32 s0;
	p0 =	sne.s32 s1, $0x4000  }
0x3b: {  	[tilespmem:s5+$0x4480] =	vst @!p1 v10  }
0x3c: {  	v10 =	vpsel p2, v11, v10;
	v12 =	vld [tilespmem:s2+$0x0];
	_ =	sdelay $0x4  }
0x3d: {  	vm0 =	vge.s32 v12, v0;
	vm1 =	vlt.s32 v12, v1  }
0x3e: {  	vm0 =	vmand vm0, vm1  }
0x3f: {  	v11 =	vmpcnt.ones.xlane vm0;
	v13 =	vsel vm0, v4, v3  }
0x40: {  	(xrf1) =	vsort.ascd.msk.u32 $0xffff, v13, v2  }
0x41: {  	(v2sf) =	vpush v11, $0x0;
	_ =	sdelay $0xa  }
0x42: {  	s5 =	sshra.s32 s0, $0x1F  }
0x43: {  	s5 =	sshrl.u32 s5, $0x1C  }
0x44: {  	s5 =	sadd.s32 s5, s0;
	_, v11, _ =	vpop (xrf1)  }
0x45: {  	s5 =	sand.u32 $0xFFFFFFF0, s5;
	v13 =	vadd.s32 $0x10, v11  }
0x46: {  	v14 =	vor.u32 s6, v2;
	s5 =	ssub.s32 s0, s5;
	s6 =	spop (v2sf)  }
0x47: {  	[tilespmem:$0x4A10] =	vst v14;
	v14 =	vmov s5;
	s7 =	sadd.s32 s5, s6;
	s0 =	sadd.s32 s0, s6  }
0x48: {  	[tilespmem:$0x4A00] =	vst v12;
	vm0 =	vgt.s32 v14, v2;
	v12 =	vsub.s32 v5, v14;
	v14 =	vsub.s32 v6, v14  }
0x49: {  	v11 =	vld.idx.msk [tilespmem:v11+s11+$0x0], $0xffff;
	vm1 =	vlt.s32 v14, $0x1F;
	_ =	sdelay $0x1  }
0x4a: {  	v12 =	vsel vm0, v2, v12  }
0x4b: {  	v14 =	vnsel vm1, $0x1F, v14  }
0x4c: {  	v13 =	vld.idx.msk [tilespmem:v13+s11+$0x0], $0xffff  }
0x4d: {  	[tilespmem:$0x4A00] =	vst v9  }
0x4e: {  	[tilespmem:$0x4A10] =	vst v11  }
0x4f: {  	v9 =	vld.idx.msk [tilespmem:v12+s11+$0x0], $0xffff  }
0x50: {  	p1 =	slt.s32 s7, $0x10;
	v15 =	vld.idx.msk [tilespmem:v14+s11+$0x0], $0xffff  }
0x51: {  	s5 =	ssub.s32 @!p1 s3, s5;
	[tilespmem:$0x4A00] =	vst v10  }
.Ltmp2:
0x52: {  	p2 =	slt.s32 @!p1 s5, $0x400;
	[tilespmem:$0x4A10] =	vst v13;
	(pc) =	sbr.rel @p0 .LBB2_2-.Ltmp2, $4  }
0x53: {  	p2 =	por !p2, p1;
	v10 =	vld.idx.msk [tilespmem:v12+s11+$0x0], $0xffff  }
0x54: {  	s5 =	simm.s32 @p2 $0x400;
	v11 =	vld.idx.msk [tilespmem:v14+s11+$0x0], $0xffff  }
0x55: {  	p2 =	sgt.s32 s7, $0xF;
	[tilespmem:s5+$0x4000] =	vst @!p1 v9  }
0x56: {  	v9 =	vpsel p2, v15, v9  }
0x57: {  	s1 =	sshra.s32 s0, $0x1F  }
0x58: {  	s1 =	sshrl.u32 s1, $0x1C  }
0x59: {  	s1 =	sadd.s32 s1, s0  }
0x5a: {  	s1 =	sand.u32 $0xFFFFFFF0, s1  }
0x5b: {  	s1 =	ssub.s32 s0, s1  }
0x5c: {  	p3 =	slt.s32 s0, $0x400;
	p0 =	slt.s32 s1, $0x1  }
0x5d: {  	p4 =	slt.s32 s0, $0xFFFFFFF2;
	s1 =	ssub.s32 @!p0 s0, s1;
	s0 =	simm.s32 @!p3 $0x400  }
0x5e: {  	s2 =	sadd.s32 $0xF, s0  }
0x5f: {  	s3 =	sand.u32 $0xF, s2  }
0x60: {  	p3 =	slt.s32 @!p0 s1, $0x400;
	s31 =	sshra.s32 s2, $0x1F;
	p5 =	sne.s32 s3, $0x0  }
0x61: {  	p3 =	por !p3, p0;
	s3 =	sshrl.u32 s31, $0x1C;
	p4 =	por !p4, !p5  }
0x62: {  	s2 =	sadd.s32 s3, s2;
	s3 =	simm.s32 $0x1;
	p4 =	por !p4, !p4  }
0x63: {  	[tilespmem:s5+$0x4480] =	vst @!p1 v10;
	s1 =	simm.s32 @p3 $0x400;
	s2 =	sshra.s32 s2, $0x4;
	s3 =	simm.s32 @!p4 $0x0  }
.Ltmp3:
0x64: {  	v10 =	vpsel p2, v11, v10;
	[tilespmem:s1+$0x4000] =	vst @!p0 v9;
	s2 =	ssub.s32 s2, s3;
	(pc) =	sbr.rel .LBB2_5-.Ltmp3, $4  }
0x65: {  	[tilespmem:s1+$0x4480] =	vst @!p0 v10;
	p0 =	slt.s32 s2, $0x1  }
0x66: {  	v9 =	vmov s0;
	s0 =	simm.s32 @!p0 $0x0  }
0x67: {  	[dreg:$0xa] =	wrdreg s2;
	s0 =	simm.s32 @p0 $0x1  }
0x68: {  	s12 =	simm.s32 $0x0;
	[smem:$0x7FD] =	sst s0  }
.LBB2_16:
0x69: {  	[sflag:s10] =	ssyncadd.s32 $0xFFFFFFE0  }
.LBB2_4:
0x6a: {  	s12 =	sadd.s32 $0x1, s12  }
0x6b: {  	p0 =	seq.s32 s12, $0x13  }
.Ltmp4:
0x6c: {  	_ = 	snop;
	(pc) =	sbr.rel @p0 .LBB2_17-.Ltmp4, $1  }
0x6d: {  	_ =	sdelay $0x3  }
.LBB2_5:
0x6e: {  	s0 =	rddreg [dreg:$0x6]  }
0x6f: {  	s1 =	sadd.s32 s0, s12  }
0x70: {  	p1 =	sgt.u32 s1, $0x258  }
0x71: {  	p0 =	seq.s32 @!p1 s12, $0x12  }
0x72: {  	p2 =	por p0, p1  }
0x73: {  	p2 =	seq.s32 @!p2 s1, $0x258  }
0x74: {  	p0 =	por @!p1 p2, p0  }
0x75: {  	s0 =	sand.u32 $0x1, s12;
	s3 =	simm.s32 @!p1 $0x2;
	p0 =	por p0, p1  }
0x76: {  	_ =	swait.ge @!p1 [sflag:s3], $0xD000;
	s2 =	smul.u32 @!p0 $0x3400, s1;
	s5 =	sxor.u32 @!p0 $0x1, s0  }
0x77: {  	[sflag:s3] =	ssyncset.done @!p1 $0x0;
	s31 =	sld [smem:$0x7FD];
	s5 =	smul.u32 @!p0 $0x34000, s5  }
0x78: {  	s6 =	rddreg [dreg:$0x1];
	[sflag:s3] =	ssyncadd.s32 @!p1 $0xFFFF3000;
	s2 =	sshrl.u32 @!p0 s2, $0x3  }
0x79: {  	s2 =	sadd.s32 @!p0 s6, s2;
	s3 =	sshrl.u32 @!p0 s5, $0x2;
	s5 =	simm.s32 @!p0 $0x3400  }
0x7a: {  	s6 =	simm.s32 @!p0 $0x7A1400;
	s2 =	sadd.s32 @!p0 $0x680, s2;
	s3 =	sadd.s32 @!p0 $0x4A80, s3  }
0x7b: {  	[tilespmem:s3], [sflag:$0x2] =	stream.strided.gather @!p0 [hbm4b:s2+s5], $0xD000, s6, s5, $0x38;
	[tilespmem:$0x1FA80] =	vst v63  }
0x7c: {  	p0 =	seq.s32 s31, $0x1  }
.Ltmp5:
0x7d: {  	_ = 	snop;
	(pc) =	sbr.rel @p0 .LBB2_9-.Ltmp5, $3  }
0x7e: {  	_ = 	snop  }
0x7f: {  	s1 =	smul.u32 $0x680, s1;
	_ =	sdelay $0x1  }
0x80: {  	s18 =	simm.s32 $0x0;
	v10 =	vmov s1  }
0x81: {  	s1 =	simm.s32 $0x4000  }
0x82: {  	v12 =	vld [tilespmem:s1+$0x0];
	_ =	sdelay $0x2  }
0x83: {  	s2 =	simm.s32 $0x0  }
0x84: {  	v11 =	vadd.s32 $0x680, v10;
	v13 =	vor.u32 s2, v2  }
0x85: {  	vm0 =	vlt.s32 v13, v9;
	vm1 =	vlt.s32 v12, v11  }
0x86: {  	vm2 =	vge.s32 v12, v10;
	vm0 =	vmand vm1, vm0  }
0x87: {  	vm0 =	vmand vm0, vm2  }
0x88: {  	v13 =	vsel vm0, v4, v3  }
0x89: {  	(xrf1) =	vsort.ascd.msk.u32 $0xffff, v13, v2;
	_ =	sdelay $0x3  }
0x8a: {  	v13 =	vmpcnt.ones.xlane vm0;
	_ =	sdelay $0x1  }
0x8b: {  	(v2sf) =	vpush v13, $0x0;
	_ =	sdelay $0x4  }
0x8c: {  	s2 =	simm.s32 $0x4480  }
0x8d: {  	v13 =	vld [tilespmem:s2+$0x0];
	_ =	sdelay $0x1  }
0x8e: {  	s3 =	simm.s32 $0x0;
	_, v14, _ =	vpop (xrf1)  }
0x8f: {  	s3 =	sand.u32 $0xFFFFFFF0, s3  }
0x90: {  	s3 =	ssub.s32 $0x0, s3;
	[tilespmem:$0x4A00] =	vst v12  }
0x91: {  	v12 =	vmov s3;
	[tilespmem:$0x4A10] =	vst v13;
	v15 =	vadd.s32 $0x10, v14  }
0x92: {  	vm14 =	vgt.s32 v12, v2;
	v13 =	vsub.s32 v5, v12;
	v12 =	vsub.s32 v6, v12;
	v14 =	vld.idx.msk [tilespmem:v14+s11+$0x0], $0xffff  }
0x93: {  	vm15 =	vlt.s32 v12, $0x1F;
	v13 =	vsel vm14, v2, v13  }
0x94: {  	v12 =	vnsel vm15, $0x1F, v12  }
0x95: {  	v16 =	vimm.s32 $0x0;
	s5 =	spop (v2sf)  }
0x96: {  	s6 =	sadd.s32 s3, s5;
	v15 =	vld.idx.msk [tilespmem:v15+s11+$0x0], $0xffff;
	[tilespmem:$0x4A00] =	vst v16  }
0x97: {  	s31 =	rddreg [dreg:$0xa];
	p1 =	slt.s32 s6, $0x10;
	[tilespmem:$0x4A10] =	vst v14  }
0x98: {  	s7 =	ssub.s32 @!p1 $0x0, s3;
	s3 =	sadd.s32 $0xFFFFFFFF, s31;
	v17 =	vld.idx.msk [tilespmem:v13+s11+$0x0], $0xffff  }
0x99: {  	p3 =	sne.s32 s3, $0x0;
	v18 =	vld.idx.msk [tilespmem:v12+s11+$0x0], $0xffff  }
.Ltmp6:
0x9a: {  	[tilespmem:$0x4A00] =	vst v16;
	(pc) =	sbr.rel @!p3 .LBB2_8-.Ltmp6, $4  }
0x9b: {  	p0 =	slt.s32 @!p1 s7, $0x70;
	[tilespmem:$0x4A10] =	vst v15  }
0x9c: {  	p0 =	por !p0, p1;
	v13 =	vld.idx.msk [tilespmem:v13+s11+$0x0], $0xffff  }
0x9d: {  	p2 =	sgt.s32 s6, $0xF;
	s7 =	simm.s32 @p0 $0x70;
	v14 =	vld.idx.msk [tilespmem:v12+s11+$0x0], $0xffff  }
0x9e: {  	s18 =	sadd.s32 $0x0, s5;
	s5 =	simm.s32 $0x10;
	[tilespmem:s7+$0x4900] =	vst @!p1 v17;
	v12 =	vpsel p2, v18, v17  }
.LBB2_7:
0x9f: {  	s3 =	sadd.s32 $0xFFFFFFFF, s3;
	s1 =	sadd.s32 $0x10, s1;
	s2 =	sadd.s32 $0x10, s2  }
0xa0: {  	s6 =	smov.u32 s18;
	p0 =	sne.s32 s3, $0x0  }
0xa1: {  	[tilespmem:s7+$0x4980] =	vst @!p1 v13  }
0xa2: {  	v13 =	vpsel p2, v14, v13;
	v15 =	vld [tilespmem:s1+$0x0];
	_ =	sdelay $0x3  }
0xa3: {  	v14 =	vor.u32 s5, v2  }
0xa4: {  	vm0 =	vlt.s32 v14, v9;
	vm1 =	vlt.s32 v15, v11  }
0xa5: {  	vm2 =	vge.s32 v15, v10;
	vm0 =	vmand vm1, vm0  }
0xa6: {  	vm0 =	vmand vm0, vm2  }
0xa7: {  	v14 =	vmpcnt.ones.xlane vm0;
	v16 =	vsel vm0, v4, v3  }
0xa8: {  	(xrf1) =	vsort.ascd.msk.u32 $0xffff, v16, v2  }
0xa9: {  	(v2sf) =	vpush v14, $0x0;
	_ =	sdelay $0xa  }
0xaa: {  	s7 =	sshra.s32 s18, $0x1F  }
0xab: {  	s7 =	sshrl.u32 s7, $0x1C;
	v14 =	vld [tilespmem:s2+$0x0]  }
0xac: {  	s7 =	sadd.s32 s7, s18;
	_, v16, _ =	vpop (xrf1)  }
0xad: {  	s7 =	sand.u32 $0xFFFFFFF0, s7;
	v17 =	vadd.s32 $0x10, v16  }
0xae: {  	s7 =	ssub.s32 s18, s7;
	s8 =	spop (v2sf)  }
0xaf: {  	[tilespmem:$0x4A00] =	vst v15;
	v15 =	vmov s7;
	s9 =	sadd.s32 s7, s8;
	s18 =	sadd.s32 s18, s8  }
0xb0: {  	[tilespmem:$0x4A10] =	vst v14;
	vm0 =	vgt.s32 v15, v2;
	v14 =	vsub.s32 v5, v15;
	v15 =	vsub.s32 v6, v15  }
0xb1: {  	v16 =	vld.idx.msk [tilespmem:v16+s11+$0x0], $0xffff;
	vm1 =	vlt.s32 v15, $0x1F;
	_ =	sdelay $0x1  }
0xb2: {  	v14 =	vsel vm0, v2, v14  }
0xb3: {  	v15 =	vnsel vm1, $0x1F, v15  }
0xb4: {  	v17 =	vld.idx.msk [tilespmem:v17+s11+$0x0], $0xffff  }
0xb5: {  	[tilespmem:$0x4A00] =	vst v12  }
0xb6: {  	[tilespmem:$0x4A10] =	vst v16  }
0xb7: {  	v12 =	vld.idx.msk [tilespmem:v14+s11+$0x0], $0xffff  }
0xb8: {  	p1 =	slt.s32 s9, $0x10;
	v16 =	vld.idx.msk [tilespmem:v15+s11+$0x0], $0xffff  }
0xb9: {  	s7 =	ssub.s32 @!p1 s6, s7;
	[tilespmem:$0x4A00] =	vst v13  }
.Ltmp7:
0xba: {  	p2 =	slt.s32 @!p1 s7, $0x70;
	[tilespmem:$0x4A10] =	vst v17;
	(pc) =	sbr.rel @p0 .LBB2_7-.Ltmp7, $4  }
0xbb: {  	p2 =	por !p2, p1;
	v13 =	vld.idx.msk [tilespmem:v14+s11+$0x0], $0xffff  }
0xbc: {  	s7 =	simm.s32 @p2 $0x70;
	v14 =	vld.idx.msk [tilespmem:v15+s11+$0x0], $0xffff  }
0xbd: {  	p2 =	sgt.s32 s9, $0xF;
	[tilespmem:s7+$0x4900] =	vst @!p1 v12  }
0xbe: {  	s5 =	sadd.s32 $0x10, s5;
	v12 =	vpsel p2, v16, v12  }
.LBB2_8:
0xbf: {  	s1 =	sshra.s32 s18, $0x1F  }
0xc0: {  	s1 =	sshrl.u32 s1, $0x1C  }
0xc1: {  	s1 =	sadd.s32 s1, s18  }
0xc2: {  	s1 =	sand.u32 $0xFFFFFFF0, s1  }
0xc3: {  	s1 =	ssub.s32 s18, s1  }
0xc4: {  	p0 =	slt.s32 s1, $0x1  }
0xc5: {  	s1 =	ssub.s32 @!p0 s18, s1  }
0xc6: {  	p3 =	slt.s32 @!p0 s1, $0x70  }
0xc7: {  	p3 =	por !p3, p0  }
0xc8: {  	[tilespmem:s7+$0x4980] =	vst @!p1 v13;
	s1 =	simm.s32 @p3 $0x70  }
0xc9: {  	v11 =	vpsel p2, v14, v13;
	[tilespmem:s1+$0x4900] =	vst @!p0 v12  }
0xca: {  	[tilespmem:s1+$0x4980] =	vst @!p0 v11  }
.LBB2_9:
0xcb: {  	p0 =	slt.s32 s18, $0x70;
	s19 =	smov.u32 s18  }
0xcc: {  	s19 =	simm.s32 @!p0 $0x70  }
0xcd: {  	s1 =	sadd.s32 $0xF, s19  }
0xce: {  	s2 =	sand.u32 $0xF, s1  }
0xcf: {  	p1 =	slt.s32 s18, $0xFFFFFFF2;
	s31 =	sshra.s32 s1, $0x1F;
	p6 =	sne.s32 s2, $0x0  }
0xd0: {  	s2 =	sshrl.u32 s31, $0x1C;
	p0 =	por !p1, !p6  }
0xd1: {  	s1 =	sadd.s32 s2, s1;
	s2 =	simm.s32 $0x1;
	p0 =	por !p0, !p0  }
0xd2: {  	s1 =	sshra.s32 s1, $0x4;
	s2 =	simm.s32 @!p0 $0x0  }
0xd3: {  	s22 =	ssub.s32 s1, s2  }
0xd4: {  	p0 =	slt.s32 s22, $0x1  }
.Ltmp8:
0xd5: {  	_ = 	snop;
	(pc) =	sbr.rel @p0 .LBB2_13-.Ltmp8, $1  }
0xd6: {  	_ =	sdelay $0x3  }
0xd7: {  	s1 =	simm.s32 $0x4980  }
0xd8: {  	s31 =	simm.s32 $0x4900;
	v14 =	vld [tilespmem:s1+$0x0]  }
0xd9: {  	v13 =	vld [tilespmem:s31+$0x0];
	_ =	sdelay $0x2  }
0xda: {  	p1 =	sle.s32 s19, $0x0  }
0xdb: {  	v11 =	vmov s0;
	(v2sf) =	vpush @!p1 v14, $0x0  }
0xdc: {  	v11 =	vmul.u32 $0xD000, v11;
	v13 =	vsub.s32 v13, v10  }
0xdd: {  	v15 =	vbroadcast @!p1 v13, $0x0  }
0xde: {  	v12 =	vbroadcast v11, $0x0  }
0xdf: {  	v16 =	vshll.u32 @!p1 v15, $0x3  }
0xe0: {  	v11 =	vadd.s32 v7, v12;
	v16 =	vand.u32 @!p1 $0xFFFFFC00, v16  }
0xe1: {  	v12 =	vadd.s32 v8, v12;
	v15 =	vand.u32 @!p1 $0x7F, v15;
	v17 =	vadd.s32 @!p1 v11, v16  }
0xe2: {  	p0 =	sle.s32 s19, $0x1;
	v16 =	vadd.s32 @!p1 v12, v16;
	v17 =	vor.u32 @!p1 v15, v17  }
0xe3: {  	(v2sf) =	vpush @!p0 v14, $0x1;
	v15 =	vor.u32 @!p1 v15, v16;
	_ =	sdelay $0x1  }
0xe4: {  	v16 =	vbroadcast @!p0 v13, $0x1  }
0xe5: {  	s0 =	simm.s32 @!p1 $0x4A80  }
0xe6: {  	v18 =	vshll.u32 @!p0 v16, $0x3;
	v17 =	vld.idx.msk @!p1 [tilespmem:v17+s0+$0x0], $0xffff  }
0xe7: {  	v18 =	vand.u32 @!p0 $0xFFFFFC00, v18;
	v15 =	vld.idx.msk @!p1 [tilespmem:v15+s0+$0x0], $0xffff  }
0xe8: {  	v16 =	vand.u32 @!p0 $0x7F, v16;
	v19 =	vadd.s32 @!p0 v11, v18  }
0xe9: {  	p2 =	sle.s32 s19, $0x2;
	v18 =	vadd.s32 @!p0 v12, v18;
	v19 =	vor.u32 @!p0 v16, v19;
	s0 =	spop @!p1 (v2sf)  }
0xea: {  	s6 =	simm.s32 $0x1EC60;
	v16 =	vor.u32 @!p0 v16, v18;
	(v2sf) =	vpush @!p2 v14, $0x2;
	s0 =	sshll.u32 @!p1 s0, $0x2  }
0xeb: {  	s1 =	simm.s32 @!p1 $0x0;
	[tilespmem:s6+$0xFFFFFE20] =	vst @!p1 v17;
	s0 =	sand.u32 @!p1 $0x1FFFFFFC, s0  }
0xec: {  	s2 =	simm.s32 @!p0 $0x4A80;
	s3 =	simm.s32 @!p1 $0x1EA80;
	v17 =	vbroadcast @!p2 v13, $0x2;
	[tilespmem:s6+$0xFFFFFE30] =	vst @!p1 v15;
	s0 =	sadd.s32 @!p1 s4, s0  }
0xed: {  	[hbm4b:s0+s1] =	stream.linear.scatter @!p1 [tilespmem:s3], [sflag:$0x1], $0x20, $0x38;
	[tilespmem:$0x1FA80] =	vst v63  }
0xee: {  	v15 =	vshll.u32 @!p2 v17, $0x3;
	v18 =	vld.idx.msk @!p0 [tilespmem:v19+s2+$0x0], $0xffff  }
0xef: {  	v15 =	vand.u32 @!p2 $0xFFFFFC00, v15;
	v16 =	vld.idx.msk @!p0 [tilespmem:v16+s2+$0x0], $0xffff  }
0xf0: {  	v17 =	vand.u32 @!p2 $0x7F, v17;
	v19 =	vadd.s32 @!p2 v11, v15  }
0xf1: {  	s0 =	spop @!p0 (v2sf);
	p1 =	sle.s32 s19, $0x3;
	v15 =	vadd.s32 @!p2 v12, v15;
	v19 =	vor.u32 @!p2 v17, v19  }
0xf2: {  	s1 =	simm.s32 @!p0 $0x20;
	s0 =	sshll.u32 @!p0 s0, $0x2;
	(v2sf) =	vpush @!p1 v14, $0x3;
	v15 =	vor.u32 @!p2 v17, v15  }
0xf3: {  	s3 =	simm.s32 @!p2 $0x4A80;
	s1 =	sor.u32 @!p0 $0x30, s1;
	s0 =	sand.u32 @!p0 $0x1FFFFFFC, s0;
	[tilespmem:s6+$0xFFFFFE40] =	vst @!p0 v18  }
0xf4: {  	s2 =	simm.s32 @!p0 $0x1EAA0;
	v17 =	vbroadcast @!p1 v13, $0x3;
	s0 =	sadd.s32 @!p0 s4, s0;
	[tilespmem:s1+$0x1EA80] =	vst @!p0 v16;
	s1 =	simm.s32 @!p0 $0x0  }
0xf5: {  	[hbm4b:s0+s1] =	stream.linear.scatter @!p0 [tilespmem:s2], [sflag:$0x1], $0x20, $0x38;
	[tilespmem:$0x1FA80] =	vst v63  }
0xf6: {  	v16 =	vshll.u32 @!p1 v17, $0x3;
	v18 =	vld.idx.msk @!p2 [tilespmem:v19+s3+$0x0], $0xffff  }
0xf7: {  	v16 =	vand.u32 @!p1 $0xFFFFFC00, v16;
	v15 =	vld.idx.msk @!p2 [tilespmem:v15+s3+$0x0], $0xffff  }
0xf8: {  	v17 =	vand.u32 @!p1 $0x7F, v17;
	v19 =	vadd.s32 @!p1 v11, v16  }
0xf9: {  	p0 =	sle.s32 s19, $0x4;
	v16 =	vadd.s32 @!p1 v12, v16;
	v19 =	vor.u32 @!p1 v17, v19;
	s0 =	spop @!p2 (v2sf)  }
0xfa: {  	s1 =	simm.s32 @!p2 $0x40;
	(v2sf) =	vpush @!p0 v14, $0x4;
	v16 =	vor.u32 @!p1 v17, v16;
	s0 =	sshll.u32 @!p2 s0, $0x2  }
0xfb: {  	s2 =	simm.s32 @!p2 $0x1EAC0;
	s1 =	sor.u32 @!p2 $0x50, s1;
	s0 =	sand.u32 @!p2 $0x1FFFFFFC, s0;
	[tilespmem:s6+$0xFFFFFE60] =	vst @!p2 v18  }
0xfc: {  	s3 =	simm.s32 @!p1 $0x4A80;
	v17 =	vbroadcast @!p0 v13, $0x4;
	s0 =	sadd.s32 @!p2 s4, s0;
	[tilespmem:s1+$0x1EA80] =	vst @!p2 v15;
	s1 =	simm.s32 @!p2 $0x0  }
0xfd: {  	[hbm4b:s0+s1] =	stream.linear.scatter @!p2 [tilespmem:s2], [sflag:$0x1], $0x20, $0x38;
	[tilespmem:$0x1FA80] =	vst v63  }
0xfe: {  	v15 =	vshll.u32 @!p0 v17, $0x3;
	v18 =	vld.idx.msk @!p1 [tilespmem:v19+s3+$0x0], $0xffff  }
0xff: {  	v15 =	vand.u32 @!p0 $0xFFFFFC00, v15;
	v16 =	vld.idx.msk @!p1 [tilespmem:v16+s3+$0x0], $0xffff  }
0x100: {  	v17 =	vand.u32 @!p0 $0x7F, v17;
	v19 =	vadd.s32 @!p0 v11, v15  }
0x101: {  	p3 =	sle.s32 s19, $0x5;
	s0 =	spop @!p1 (v2sf);
	v15 =	vadd.s32 @!p0 v12, v15;
	v19 =	vor.u32 @!p0 v17, v19  }
0x102: {  	(v2sf) =	vpush @!p3 v14, $0x5;
	s1 =	simm.s32 @!p1 $0x60;
	s0 =	sshll.u32 @!p1 s0, $0x2;
	v15 =	vor.u32 @!p0 v17, v15  }
0x103: {  	s2 =	simm.s32 @!p0 $0x4A80;
	s1 =	sor.u32 @!p1 $0x70, s1;
	s0 =	sand.u32 @!p1 $0x1FFFFFFC, s0;
	[tilespmem:s6+$0xFFFFFE80] =	vst @!p1 v18  }
0x104: {  	s3 =	simm.s32 @!p1 $0x1EAE0;
	v17 =	vbroadcast @!p3 v13, $0x5;
	s0 =	sadd.s32 @!p1 s4, s0;
	[tilespmem:s1+$0x1EA80] =	vst @!p1 v16;
	s1 =	simm.s32 @!p1 $0x0  }
0x105: {  	[hbm4b:s0+s1] =	stream.linear.scatter @!p1 [tilespmem:s3], [sflag:$0x1], $0x20, $0x38;
	[tilespmem:$0x1FA80] =	vst v63  }
0x106: {  	v16 =	vshll.u32 @!p3 v17, $0x3;
	v18 =	vld.idx.msk @!p0 [tilespmem:v19+s2+$0x0], $0xffff  }
0x107: {  	v16 =	vand.u32 @!p3 $0xFFFFFC00, v16;
	v15 =	vld.idx.msk @!p0 [tilespmem:v15+s2+$0x0], $0xffff  }
0x108: {  	v17 =	vand.u32 @!p3 $0x7F, v17;
	v19 =	vadd.s32 @!p3 v11, v16  }
0x109: {  	p1 =	sle.s32 s19, $0x6;
	s0 =	spop @!p0 (v2sf);
	v16 =	vadd.s32 @!p3 v12, v16;
	v19 =	vor.u32 @!p3 v17, v19  }
0x10a: {  	(v2sf) =	vpush @!p1 v14, $0x6;
	s0 =	sshll.u32 @!p0 s0, $0x2;
	v16 =	vor.u32 @!p3 v17, v16  }
0x10b: {  	s1 =	simm.s32 @!p0 $0x1EB00;
	s0 =	sand.u32 @!p0 $0x1FFFFFFC, s0;
	[tilespmem:s6+$0xFFFFFEA0] =	vst @!p0 v18  }
0x10c: {  	s3 =	simm.s32 @!p3 $0x4A80;
	s2 =	simm.s32 @!p0 $0x0;
	v17 =	vbroadcast @!p1 v13, $0x6;
	s0 =	sadd.s32 @!p0 s4, s0;
	[tilespmem:s6+$0xFFFFFEB0] =	vst @!p0 v15  }
0x10d: {  	[hbm4b:s0+s2] =	stream.linear.scatter @!p0 [tilespmem:s1], [sflag:$0x1], $0x20, $0x38;
	[tilespmem:$0x1FA80] =	vst v63  }
0x10e: {  	v15 =	vshll.u32 @!p1 v17, $0x3;
	v18 =	vld.idx.msk @!p3 [tilespmem:v19+s3+$0x0], $0xffff  }
0x10f: {  	v15 =	vand.u32 @!p1 $0xFFFFFC00, v15;
	v16 =	vld.idx.msk @!p3 [tilespmem:v16+s3+$0x0], $0xffff  }
0x110: {  	v17 =	vand.u32 @!p1 $0x7F, v17;
	v19 =	vadd.s32 @!p1 v11, v15  }
0x111: {  	p2 =	sle.s32 s19, $0x7;
	s0 =	spop @!p3 (v2sf);
	v15 =	vadd.s32 @!p1 v12, v15;
	v19 =	vor.u32 @!p1 v17, v19  }
0x112: {  	s1 =	simm.s32 @!p3 $0xA0;
	(v2sf) =	vpush @!p2 v14, $0x7;
	s0 =	sshll.u32 @!p3 s0, $0x2;
	v15 =	vor.u32 @!p1 v17, v15  }
0x113: {  	s2 =	simm.s32 @!p1 $0x4A80;
	s1 =	sor.u32 @!p3 $0x30, s1;
	s0 =	sand.u32 @!p3 $0x1FFFFFFC, s0;
	[tilespmem:s6+$0xFFFFFEC0] =	vst @!p3 v18  }
0x114: {  	s3 =	simm.s32 @!p3 $0x1EB20;
	v17 =	vbroadcast @!p2 v13, $0x7;
	s0 =	sadd.s32 @!p3 s4, s0;
	[tilespmem:s1+$0x1EA80] =	vst @!p3 v16;
	s1 =	simm.s32 @!p3 $0x0  }
0x115: {  	[hbm4b:s0+s1] =	stream.linear.scatter @!p3 [tilespmem:s3], [sflag:$0x1], $0x20, $0x38;
	[tilespmem:$0x1FA80] =	vst v63  }
0x116: {  	v16 =	vshll.u32 @!p2 v17, $0x3;
	v18 =	vld.idx.msk @!p1 [tilespmem:v19+s2+$0x0], $0xffff  }
0x117: {  	v16 =	vand.u32 @!p2 $0xFFFFFC00, v16;
	v15 =	vld.idx.msk @!p1 [tilespmem:v15+s2+$0x0], $0xffff  }
0x118: {  	v17 =	vand.u32 @!p2 $0x7F, v17;
	v19 =	vadd.s32 @!p2 v11, v16  }
0x119: {  	p0 =	sle.s32 s19, $0x8;
	s0 =	spop @!p1 (v2sf);
	v16 =	vadd.s32 @!p2 v12, v16;
	v19 =	vor.u32 @!p2 v17, v19  }
0x11a: {  	s1 =	simm.s32 @!p1 $0xC0;
	(v2sf) =	vpush @!p0 v14, $0x8;
	s0 =	sshll.u32 @!p1 s0, $0x2;
	v16 =	vor.u32 @!p2 v17, v16  }
0x11b: {  	s3 =	simm.s32 @!p2 $0x4A80;
	s1 =	sor.u32 @!p1 $0x50, s1;
	s0 =	sand.u32 @!p1 $0x1FFFFFFC, s0;
	[tilespmem:s6+$0xFFFFFEE0] =	vst @!p1 v18  }
0x11c: {  	s2 =	simm.s32 @!p1 $0x1EB40;
	v17 =	vbroadcast @!p0 v13, $0x8;
	s0 =	sadd.s32 @!p1 s4, s0;
	[tilespmem:s1+$0x1EA80] =	vst @!p1 v15;
	s1 =	simm.s32 @!p1 $0x0  }
0x11d: {  	[hbm4b:s0+s1] =	stream.linear.scatter @!p1 [tilespmem:s2], [sflag:$0x1], $0x20, $0x38;
	[tilespmem:$0x1FA80] =	vst v63  }
0x11e: {  	v15 =	vshll.u32 @!p0 v17, $0x3;
	v18 =	vld.idx.msk @!p2 [tilespmem:v19+s3+$0x0], $0xffff  }
0x11f: {  	v15 =	vand.u32 @!p0 $0xFFFFFC00, v15;
	v16 =	vld.idx.msk @!p2 [tilespmem:v16+s3+$0x0], $0xffff  }
0x120: {  	v17 =	vand.u32 @!p0 $0x7F, v17;
	v19 =	vadd.s32 @!p0 v11, v15  }
0x121: {  	p1 =	sle.s32 s19, $0x9;
	s0 =	spop @!p2 (v2sf);
	v15 =	vadd.s32 @!p0 v12, v15;
	v19 =	vor.u32 @!p0 v17, v19  }
0x122: {  	s1 =	simm.s32 @!p2 $0xE0;
	(v2sf) =	vpush @!p1 v14, $0x9;
	s0 =	sshll.u32 @!p2 s0, $0x2;
	v15 =	vor.u32 @!p0 v17, v15  }
0x123: {  	s2 =	simm.s32 @!p0 $0x4A80;
	s1 =	sor.u32 @!p2 $0x70, s1;
	s0 =	sand.u32 @!p2 $0x1FFFFFFC, s0;
	[tilespmem:s6+$0xFFFFFF00] =	vst @!p2 v18  }
0x124: {  	s3 =	simm.s32 @!p2 $0x1EB60;
	v17 =	vbroadcast @!p1 v13, $0x9;
	s0 =	sadd.s32 @!p2 s4, s0;
	[tilespmem:s1+$0x1EA80] =	vst @!p2 v16;
	s1 =	simm.s32 @!p2 $0x0  }
0x125: {  	[hbm4b:s0+s1] =	stream.linear.scatter @!p2 [tilespmem:s3], [sflag:$0x1], $0x20, $0x38;
	[tilespmem:$0x1FA80] =	vst v63  }
0x126: {  	v16 =	vshll.u32 @!p1 v17, $0x3;
	v18 =	vld.idx.msk @!p0 [tilespmem:v19+s2+$0x0], $0xffff  }
0x127: {  	v16 =	vand.u32 @!p1 $0xFFFFFC00, v16;
	v15 =	vld.idx.msk @!p0 [tilespmem:v15+s2+$0x0], $0xffff  }
0x128: {  	v17 =	vand.u32 @!p1 $0x7F, v17;
	v19 =	vadd.s32 @!p1 v11, v16  }
0x129: {  	p2 =	sle.s32 s19, $0xA;
	s0 =	spop @!p0 (v2sf);
	v16 =	vadd.s32 @!p1 v12, v16;
	v19 =	vor.u32 @!p1 v17, v19  }
0x12a: {  	(v2sf) =	vpush @!p2 v14, $0xA;
	s0 =	sshll.u32 @!p0 s0, $0x2;
	v16 =	vor.u32 @!p1 v17, v16  }
0x12b: {  	s1 =	simm.s32 @!p0 $0x1EB80;
	s0 =	sand.u32 @!p0 $0x1FFFFFFC, s0;
	[tilespmem:s6+$0xFFFFFF20] =	vst @!p0 v18  }
0x12c: {  	s3 =	simm.s32 @!p1 $0x4A80;
	s2 =	simm.s32 @!p0 $0x0;
	v17 =	vbroadcast @!p2 v13, $0xA;
	s0 =	sadd.s32 @!p0 s4, s0;
	[tilespmem:s6+$0xFFFFFF30] =	vst @!p0 v15  }
0x12d: {  	[hbm4b:s0+s2] =	stream.linear.scatter @!p0 [tilespmem:s1], [sflag:$0x1], $0x20, $0x38;
	[tilespmem:$0x1FA80] =	vst v63  }
0x12e: {  	v15 =	vshll.u32 @!p2 v17, $0x3;
	v18 =	vld.idx.msk @!p1 [tilespmem:v19+s3+$0x0], $0xffff  }
0x12f: {  	v15 =	vand.u32 @!p2 $0xFFFFFC00, v15;
	v16 =	vld.idx.msk @!p1 [tilespmem:v16+s3+$0x0], $0xffff  }
0x130: {  	v17 =	vand.u32 @!p2 $0x7F, v17;
	v19 =	vadd.s32 @!p2 v11, v15  }
0x131: {  	p0 =	sle.s32 s19, $0xB;
	s0 =	spop @!p1 (v2sf);
	v15 =	vadd.s32 @!p2 v12, v15;
	v19 =	vor.u32 @!p2 v17, v19  }
0x132: {  	s1 =	simm.s32 @!p1 $0x120;
	(v2sf) =	vpush @!p0 v14, $0xB;
	s0 =	sshll.u32 @!p1 s0, $0x2;
	v15 =	vor.u32 @!p2 v17, v15  }
0x133: {  	s2 =	simm.s32 @!p1 $0x1EBA0;
	s1 =	sor.u32 @!p1 $0x30, s1;
	s0 =	sand.u32 @!p1 $0x1FFFFFFC, s0;
	[tilespmem:s6+$0xFFFFFF40] =	vst @!p1 v18  }
0x134: {  	s3 =	simm.s32 @!p2 $0x4A80;
	v17 =	vbroadcast @!p0 v13, $0xB;
	s0 =	sadd.s32 @!p1 s4, s0;
	[tilespmem:s1+$0x1EA80] =	vst @!p1 v16;
	s1 =	simm.s32 @!p1 $0x0  }
0x135: {  	[hbm4b:s0+s1] =	stream.linear.scatter @!p1 [tilespmem:s2], [sflag:$0x1], $0x20, $0x38;
	[tilespmem:$0x1FA80] =	vst v63  }
0x136: {  	v16 =	vshll.u32 @!p0 v17, $0x3;
	v18 =	vld.idx.msk @!p2 [tilespmem:v19+s3+$0x0], $0xffff  }
0x137: {  	v16 =	vand.u32 @!p0 $0xFFFFFC00, v16;
	v15 =	vld.idx.msk @!p2 [tilespmem:v15+s3+$0x0], $0xffff  }
0x138: {  	v17 =	vand.u32 @!p0 $0x7F, v17;
	v19 =	vadd.s32 @!p0 v11, v16  }
0x139: {  	p1 =	sle.s32 s19, $0xC;
	s0 =	spop @!p2 (v2sf);
	v16 =	vadd.s32 @!p0 v12, v16;
	v19 =	vor.u32 @!p0 v17, v19  }
0x13a: {  	s1 =	simm.s32 @!p2 $0x140;
	(v2sf) =	vpush @!p1 v14, $0xC;
	s0 =	sshll.u32 @!p2 s0, $0x2;
	v16 =	vor.u32 @!p0 v17, v16  }
0x13b: {  	s2 =	simm.s32 @!p2 $0x1EBC0;
	s1 =	sor.u32 @!p2 $0x50, s1;
	s0 =	sand.u32 @!p2 $0x1FFFFFFC, s0;
	[tilespmem:s6+$0xFFFFFF60] =	vst @!p2 v18  }
0x13c: {  	s3 =	simm.s32 @!p0 $0x4A80;
	v17 =	vbroadcast @!p1 v13, $0xC;
	s0 =	sadd.s32 @!p2 s4, s0;
	[tilespmem:s1+$0x1EA80] =	vst @!p2 v15;
	s1 =	simm.s32 @!p2 $0x0  }
0x13d: {  	[hbm4b:s0+s1] =	stream.linear.scatter @!p2 [tilespmem:s2], [sflag:$0x1], $0x20, $0x38;
	[tilespmem:$0x1FA80] =	vst v63  }
0x13e: {  	v15 =	vshll.u32 @!p1 v17, $0x3;
	v18 =	vld.idx.msk @!p0 [tilespmem:v19+s3+$0x0], $0xffff  }
0x13f: {  	v15 =	vand.u32 @!p1 $0xFFFFFC00, v15;
	v16 =	vld.idx.msk @!p0 [tilespmem:v16+s3+$0x0], $0xffff  }
0x140: {  	v17 =	vand.u32 @!p1 $0x7F, v17;
	v19 =	vadd.s32 @!p1 v11, v15  }
0x141: {  	s0 =	spop @!p0 (v2sf);
	v15 =	vadd.s32 @!p1 v12, v15;
	v19 =	vor.u32 @!p1 v17, v19  }
0x142: {  	s1 =	simm.s32 @!p0 $0x160;
	p2 =	sle.s32 s19, $0xD;
	s0 =	sshll.u32 @!p0 s0, $0x2;
	v15 =	vor.u32 @!p1 v17, v15  }
0x143: {  	s2 =	simm.s32 @!p0 $0x1EBE0;
	s1 =	sor.u32 @!p0 $0x70, s1;
	(v2sf) =	vpush @!p2 v14, $0xD;
	s0 =	sand.u32 @!p0 $0x1FFFFFFC, s0;
	[tilespmem:s6+$0xFFFFFF80] =	vst @!p0 v18  }
0x144: {  	s3 =	simm.s32 @!p1 $0x4A80;
	s0 =	sadd.s32 @!p0 s4, s0;
	[tilespmem:s1+$0x1EA80] =	vst @!p0 v16;
	s1 =	simm.s32 @!p0 $0x0  }
0x145: {  	v16 =	vbroadcast @!p2 v13, $0xD;
	[hbm4b:s0+s1] =	stream.linear.scatter @!p0 [tilespmem:s2], [sflag:$0x1], $0x20, $0x38;
	[tilespmem:$0x1FA80] =	vst v63  }
0x146: {  	v17 =	vld.idx.msk @!p1 [tilespmem:v19+s3+$0x0], $0xffff  }
0x147: {  	v15 =	vld.idx.msk @!p1 [tilespmem:v15+s3+$0x0], $0xffff;
	v18 =	vshll.u32 @!p2 v16, $0x3  }
0x148: {  	v18 =	vand.u32 @!p2 $0xFFFFFC00, v18  }
0x149: {  	s0 =	spop @!p1 (v2sf);
	v16 =	vand.u32 @!p2 $0x7F, v16;
	v19 =	vadd.s32 @!p2 v11, v18  }
0x14a: {  	s0 =	sshll.u32 @!p1 s0, $0x2;
	v18 =	vadd.s32 @!p2 v12, v18;
	v19 =	vor.u32 @!p2 v16, v19  }
0x14b: {  	p0 =	sle.s32 s19, $0xE;
	s0 =	sand.u32 @!p1 $0x1FFFFFFC, s0;
	v16 =	vor.u32 @!p2 v16, v18;
	[tilespmem:s6+$0xFFFFFFA0] =	vst @!p1 v17  }
0x14c: {  	s1 =	simm.s32 @!p1 $0x1EC00;
	s2 =	simm.s32 @!p1 $0x0;
	(v2sf) =	vpush @!p0 v14, $0xE;
	s0 =	sadd.s32 @!p1 s4, s0;
	[tilespmem:s6+$0xFFFFFFB0] =	vst @!p1 v15  }
0x14d: {  	[hbm4b:s0+s2] =	stream.linear.scatter @!p1 [tilespmem:s1], [sflag:$0x1], $0x20, $0x38;
	[tilespmem:$0x1FA80] =	vst v63  }
0x14e: {  	v15 =	vbroadcast @!p0 v13, $0xE;
	p1 =	sle.s32 s19, $0xF;
	s0 =	simm.s32 @!p2 $0x4A80  }
0x14f: {  	(v2sf) =	vpush @!p1 v14, $0xF;
	v14 =	vld.idx.msk @!p2 [tilespmem:v19+s0+$0x0], $0xffff  }
0x150: {  	v17 =	vshll.u32 @!p0 v15, $0x3;
	v16 =	vld.idx.msk @!p2 [tilespmem:v16+s0+$0x0], $0xffff  }
0x151: {  	v17 =	vand.u32 @!p0 $0xFFFFFC00, v17  }
0x152: {  	v15 =	vand.u32 @!p0 $0x7F, v15;
	s0 =	spop @!p2 (v2sf);
	v18 =	vadd.s32 @!p0 v11, v17  }
0x153: {  	s1 =	simm.s32 @!p2 $0x1A0;
	v17 =	vadd.s32 @!p0 v12, v17;
	s0 =	sshll.u32 @!p2 s0, $0x2;
	v18 =	vor.u32 @!p0 v15, v18  }
0x154: {  	s1 =	sor.u32 @!p2 $0x30, s1;
	s0 =	sand.u32 @!p2 $0x1FFFFFFC, s0;
	v15 =	vor.u32 @!p0 v15, v17;
	[tilespmem:s6+$0xFFFFFFC0] =	vst @!p2 v14  }
0x155: {  	s2 =	simm.s32 @!p2 $0x1EC20;
	s0 =	sadd.s32 @!p2 s4, s0;
	[tilespmem:s1+$0x1EA80] =	vst @!p2 v16;
	s1 =	simm.s32 @!p2 $0x0  }
0x156: {  	[hbm4b:s0+s1] =	stream.linear.scatter @!p2 [tilespmem:s2], [sflag:$0x1], $0x20, $0x38;
	[tilespmem:$0x1FA80] =	vst v63  }
0x157: {  	s0 =	simm.s32 @!p0 $0x4A80  }
0x158: {  	v14 =	vld.idx.msk @!p0 [tilespmem:v18+s0+$0x0], $0xffff  }
0x159: {  	v15 =	vld.idx.msk @!p0 [tilespmem:v15+s0+$0x0], $0xffff  }
0x15a: {  	v13 =	vbroadcast @!p1 v13, $0xF  }
0x15b: {  	s0 =	spop @!p0 (v2sf)  }
0x15c: {  	v16 =	vshll.u32 @!p1 v13, $0x3;
	s1 =	simm.s32 @!p0 $0x1C0;
	s0 =	sshll.u32 @!p0 s0, $0x2  }
0x15d: {  	s22 =	sadd.s32 $0xFFFFFFFF, s22;
	v16 =	vand.u32 @!p1 $0xFFFFFC00, v16;
	s1 =	sor.u32 @!p0 $0x50, s1;
	s0 =	sand.u32 @!p0 $0x1FFFFFFC, s0;
	[tilespmem:s6+$0xFFFFFFE0] =	vst @!p0 v14  }
0x15e: {  	s3 =	simm.s32 @!p0 $0x1EC40;
	v13 =	vand.u32 @!p1 $0x7F, v13;
	v17 =	vadd.s32 @!p1 v11, v16;
	s0 =	sadd.s32 @!p0 s4, s0;
	[tilespmem:s1+$0x1EA80] =	vst @!p0 v15;
	s1 =	simm.s32 @!p0 $0x0  }
0x15f: {  	v16 =	vadd.s32 @!p1 v12, v16;
	v17 =	vor.u32 @!p1 v13, v17;
	[hbm4b:s0+s1] =	stream.linear.scatter @!p0 [tilespmem:s3], [sflag:$0x1], $0x20, $0x38;
	[tilespmem:$0x1FA80] =	vst v63  }
0x160: {  	v13 =	vor.u32 @!p1 v13, v16;
	p0 =	seq.s32 s22, $0x0  }
.Ltmp9:
0x161: {  	[dreg:$0xb] =	wrdreg s12;
	(pc) =	sbr.rel @p0 .LBB2_12-.Ltmp9, $4  }
0x162: {  	s5 =	simm.s32 $0x1E0;
	s23 =	simm.s32 $0x1F;
	s2 =	spop @!p1 (v2sf)  }
0x163: {  	s24 =	simm.s32 $0x4990;
	s2 =	sshll.u32 @!p1 s2, $0x2;
	s1 =	simm.s32 @!p1 $0x4A80  }
0x164: {  	s25 =	simm.s32 $0x4910;
	s26 =	simm.s32 $0x1E0;
	s0 =	sand.u32 @!p1 $0x1FFFFFFC, s2;
	v14 =	vld.idx.msk @!p1 [tilespmem:v17+s1+$0x0], $0xffff  }
0x165: {  	s28 =	simm.s32 $0x1EC60;
	p2 =	por p1, p1;
	v13 =	vld.idx.msk @!p1 [tilespmem:v13+s1+$0x0], $0xffff;
	s11 =	sadd.s32 @!p1 s4, s0  }
.LBB2_11:
0x166: {  	s22 =	sadd.s32 $0xFFFFFFFF, s22  }
0x167: {  	p0 =	seq.s32 s22, $0x0  }
0x168: {  	s0 =	simm.s32 @!p0 $0x0  }
0x169: {  	s0 =	simm.s32 @p0 $0x1  }
0x16a: {  	[smem:$0x7FC] =	sst s0;
	[tilespmem:s6+$0x0] =	vst @!p2 v14;
	s0 =	sor.u32 @!p2 $0x70, s5  }
0x16b: {  	s26 =	sadd.s32 $0x200, s26;
	s28 =	sadd.s32 $0x200, s28;
	[tilespmem:s0+$0x1EA80] =	vst @!p2 v13;
	s0 =	simm.s32 @!p2 $0x0  }
0x16c: {  	[hbm4b:s11+s0] =	stream.linear.scatter @!p2 [tilespmem:s6], [sflag:$0x1], $0x20, $0x38;
	[tilespmem:$0x1FA80] =	vst v63  }
0x16d: {  	s12 =	sadd.s32 $0xFFFFFFF2, s23;
	s13 =	sadd.s32 $0xFFFFFFF3, s23;
	s14 =	sadd.s32 $0xFFFFFFF4, s23;
	v16 =	vld [tilespmem:s24+$0x0]  }
0x16e: {  	s15 =	sadd.s32 $0xFFFFFFF5, s23;
	s16 =	sadd.s32 $0xFFFFFFF7, s23;
	s17 =	sadd.s32 $0xFFFFFFF9, s23;
	v13 =	vld [tilespmem:s25+$0x0]  }
0x16f: {  	p1 =	sge.s32 s23, s19;
	s20 =	sadd.s32 $0xFFFFFFF6, s23;
	s21 =	sadd.s32 $0xFFFFFFF8, s23  }
0x170: {  	s1 =	smov.u32 s26;
	p3 =	sge.s32 s14, s19;
	s2 =	simm.s32 @!p1 $0x0  }
0x171: {  	[dreg:$0x4] =	wrdreg s1;
	s11 =	sadd.s32 $0xFFFFFFF1, s23;
	p2 =	sge.s32 s12, s19  }
0x172: {  	s2 =	simm.s32 @p1 $0x1;
	p4 =	sge.s32 s11, s19;
	s1 =	sadd.s32 @!p2 $0xFFFFFE40, s26  }
0x173: {  	p1 =	sge.s32 s17, s19;
	s3 =	sor.u32 @!p2 $0x30, s1;
	s1 =	sadd.s32 @!p3 $0xFFFFFE80, s26;
	(v2sf) =	vpush @!p4 v16, $0x0;
	v13 =	vsub.s32 v13, v10  }
0x174: {  	p5 =	sge.s32 s13, s19;
	s11 =	sor.u32 @!p3 $0x70, s1;
	s1 =	simm.s32 @!p1 $0x0;
	(v2sf) =	vpush @!p2 v16, $0x1;
	v14 =	vbroadcast @!p4 v13, $0x0;
	v15 =	vbroadcast @!p2 v13, $0x1  }
0x175: {  	p0 =	sge.s32 s15, s19;
	s1 =	simm.s32 @p1 $0x1;
	p1 =	sge.s32 s20, s19;
	v17 =	vbroadcast @!p5 v13, $0x2;
	v23 =	vbroadcast @!p3 v13, $0x3  }
0x176: {  	s30 =	sadd.s32 $0xFFFFFFFA, s23;
	s10 =	smov.u32 s28;
	s14 =	sadd.s32 $0xFFFFFFFB, s23;
	v21 =	vbroadcast @!p0 v13, $0x4;
	v37 =	vbroadcast @!p1 v13, $0x5;
	(v2sf) =	vpush @!p5 v16, $0x2  }
0x177: {  	[dreg:$0x5] =	wrdreg s10;
	s17 =	sadd.s32 $0xFFFFFFFD, s23;
	s0 =	simm.s32 @!p0 $0x0;
	v18 =	vshll.u32 @!p4 v14, $0x3;
	v19 =	vshll.u32 @!p2 v15, $0x3;
	v20 =	vshll.u32 @!p5 v17, $0x3  }
0x178: {  	[smem:$0x7F0] =	sst s2;
	s15 =	sadd.s32 $0xFFFFFFFE, s23;
	s0 =	simm.s32 @p0 $0x1;
	v14 =	vand.u32 @!p4 $0x7F, v14;
	v15 =	vand.u32 @!p2 $0x7F, v15;
	v18 =	vand.u32 @!p4 $0xFFFFFC00, v18  }
0x179: {  	s12 =	sadd.s32 $0xFFFFFFFC, s23;
	s9 =	simm.s32 @!p2 $0x4A80;
	[smem:$0x7F1] =	sst s0;
	(v2sf) =	vpush @!p3 v16, $0x3;
	v19 =	vand.u32 @!p2 $0xFFFFFC00, v19;
	v22 =	vadd.s32 @!p4 v11, v18  }
0x17a: {  	s2 =	simm.s32 @!p4 $0x4A80;
	[smem:$0x7F7] =	sst s1;
	s1 =	simm.s32 @!p3 $0x0;
	v18 =	vadd.s32 @!p4 v12, v18;
	v24 =	vadd.s32 @!p2 v11, v19;
	v22 =	vor.u32 @!p4 v14, v22  }
0x17b: {  	s8 =	simm.s32 @!p4 $0x0;
	s1 =	simm.s32 @p3 $0x1;
	s29 =	sld [smem:$0x7F7];
	v14 =	vor.u32 @!p4 v14, v18;
	v18 =	vadd.s32 @!p2 v12, v19;
	v19 =	vand.u32 @!p5 $0xFFFFFC00, v20  }
0x17c: {  	s20 =	sadd.s32 $0xFFFFFFFF, s23;
	[smem:$0x7EF] =	sst s1;
	s1 =	simm.s32 @!p1 $0x0;
	v20 =	vor.u32 @!p2 v15, v18;
	v25 =	vadd.s32 @!p5 v11, v19;
	v18 =	vshll.u32 @!p3 v23, $0x3  }
0x17d: {  	s10 =	sadd.s32 @!p1 $0xFFFFFEC0, s26;
	s13 =	sld [smem:$0x7F7];
	s1 =	simm.s32 @p1 $0x1;
	v28 =	vadd.s32 @!p5 v12, v19;
	v19 =	vshll.u32 @!p0 v21, $0x3;
	v18 =	vand.u32 @!p3 $0xFFFFFC00, v18  }
0x17e: {  	[smem:$0x7F4] =	sst s1;
	p6 =	seq.s32 s29, $0x1;
	v19 =	vand.u32 @!p0 $0xFFFFFC00, v19;
	v27 =	vadd.s32 @!p3 v11, v18;
	v26 =	vadd.s32 @!p3 v12, v18;
	p3 =	sge.s32 s16, s19  }
0x17f: {  	(v2sf) =	vpush @!p0 v16, $0x4;
	v43 =	vadd.s32 @!p0 v11, v19;
	v44 =	vadd.s32 @!p0 v12, v19;
	p0 =	sge.s32 s21, s19;
	s16 =	sld [smem:$0x7F7];
	s0 =	simm.s32 @!p3 $0x0  }
0x180: {  	v30 =	vshll.u32 @!p1 v37, $0x3;
	v15 =	vor.u32 @!p2 v15, v24;
	s21 =	sld [smem:$0x7EF];
	s1 =	sadd.s32 @!p3 $0xFFFFFEE0, s26;
	v22 =	vld.idx.msk @!p4 [tilespmem:v22+s2+$0x0], $0xffff;
	s0 =	simm.s32 @p3 $0x1  }
0x181: {  	v24 =	vand.u32 @!p1 $0xFFFFFC00, v30;
	v19 =	vbroadcast @!p3 v13, $0x6;
	v29 =	vld.idx.msk @!p4 [tilespmem:v14+s2+$0x0], $0xffff;
	s1 =	sor.u32 @!p3 $0x50, s1;
	v14 =	vbroadcast @!p6 v13, $0x8;
	p6 =	sge.s32 s12, s19;
	s12 =	sadd.s32 @!p4 $0xFFFFFE20, s28  }
0x182: {  	v45 =	vadd.s32 @!p1 v11, v24;
	[smem:$0x7F5] =	sst s0;
	s0 =	sadd.s32 @!p0 $0xFFFFFF00, s26;
	s5 =	spop @!p4 (v2sf)  }
0x183: {  	v42 =	vadd.s32 @!p1 v12, v24;
	v31 =	vshll.u32 @!p3 v19, $0x3;
	s31 =	sor.u32 @!p0 $0x70, s0;
	(v2sf) =	vpush @!p1 v16, $0x5;
	p1 =	sge.s32 s30, s19;
	s0 =	spop @!p2 (v2sf)  }
0x184: {  	v18 =	vbroadcast @!p0 v13, $0x7;
	v30 =	vand.u32 @!p3 $0xFFFFFC00, v31;
	s30 =	sld [smem:$0x7F1];
	s5 =	sshll.u32 @!p4 s5, $0x2;
	s0 =	sshll.u32 @!p2 s0, $0x2  }
0x185: {  	v19 =	vand.u32 @!p3 $0x7F, v19;
	v24 =	vadd.s32 @!p3 v11, v30;
	[tilespmem:s28+$0xFFFFFE20] =	vst @!p4 v22;
	v22 =	vadd.s32 @!p3 v12, v30;
	s5 =	sand.u32 @!p4 $0x1FFFFFFC, s5;
	s7 =	spop @!p5 (v2sf);
	s0 =	sand.u32 @!p2 $0x1FFFFFFC, s0  }
0x186: {  	v36 =	vor.u32 @!p3 v19, v24;
	[tilespmem:s28+$0xFFFFFE30] =	vst @!p4 v29;
	(v2sf) =	vpush @!p3 v16, $0x6;
	v33 =	vor.u32 @!p3 v19, v22;
	p3 =	seq.s32 s13, $0x1;
	s5 =	sadd.s32 @!p4 s4, s5;
	s6 =	sadd.s32 @!p2 s4, s0  }
0x187: {  	v19 =	vshll.u32 @!p0 v18, $0x3;
	[hbm4b:s5+s8] =	stream.linear.scatter @!p4 [tilespmem:s12], [sflag:$0x1], $0x20, $0x38;
	[tilespmem:$0x1FA80] =	vst v63  }
0x188: {  	v19 =	vand.u32 @!p0 $0xFFFFFC00, v19;
	v22 =	vshll.u32 @!p3 v14, $0x3;
	s0 =	simm.s32 @!p0 $0x0;
	p4 =	por p6, p6;
	s5 =	sadd.s32 @!p6 $0xFFFFFF80, s26  }
0x189: {  	(v2sf) =	vpush @!p0 v16, $0x7;
	v40 =	vadd.s32 @!p0 v11, v19;
	v38 =	vadd.s32 @!p0 v12, v19;
	s0 =	simm.s32 @p0 $0x1;
	p0 =	seq.s32 s16, $0x1;
	s16 =	sld [smem:$0x7F0]  }
0x18a: {  	v29 =	vld.idx.msk @!p2 [tilespmem:v15+s9+$0x0], $0xffff;
	v15 =	vand.u32 @!p3 $0xFFFFFC00, v22;
	s29 =	sor.u32 @!p6 $0x70, s5;
	s5 =	simm.s32 @!p1 $0x0;
	[smem:$0x7F6] =	sst s0  }
0x18b: {  	s0 =	sshll.u32 @!p5 s7, $0x2;
	v24 =	vadd.s32 @!p3 v11, v15;
	v22 =	vadd.s32 @!p3 v12, v15;
	p3 =	sge.s32 s14, s19;
	s5 =	simm.s32 @p1 $0x1  }
0x18c: {  	v15 =	vbroadcast @!p6 v13, $0xB;
	(v2sf) =	vpush @!p0 v16, $0x8;
	p6 =	seq.s32 s21, $0x1;
	p0 =	sge.s32 s20, s19;
	s2 =	sand.u32 @!p5 $0x1FFFFFFC, s0  }
0x18d: {  	v19 =	vbroadcast @!p1 v13, $0x9;
	s0 =	sadd.s32 @!p1 $0xFFFFFF40, s26;
	[smem:$0x7F8] =	sst s5;
	s12 =	spop @!p6 (v2sf)  }
0x18e: {  	s5 =	simm.s32 @!p0 $0x0;
	s13 =	simm.s32 @!p3 $0x0;
	s20 =	sld [smem:$0x7F6]  }
0x18f: {  	v31 =	vshll.u32 @!p1 v19, $0x3;
	s8 =	sor.u32 @!p1 $0x30, s0;
	s0 =	sadd.s32 @!p3 $0xFFFFFF60, s26;
	s12 =	sshll.u32 @!p6 s12, $0x2  }
0x190: {  	v31 =	vand.u32 @!p1 $0xFFFFFC00, v31;
	s5 =	simm.s32 @p0 $0x1;
	p0 =	seq.s32 s30, $0x1;
	s13 =	simm.s32 @p3 $0x1  }
0x191: {  	v20 =	vld.idx.msk @!p2 [tilespmem:v20+s9+$0x0], $0xffff;
	(v2sf) =	vpush @!p1 v16, $0x9;
	v34 =	vadd.s32 @!p1 v11, v31;
	v35 =	vadd.s32 @!p1 v12, v31;
	p1 =	sge.s32 s15, s19;
	s2 =	sadd.s32 @!p5 s4, s2;
	[smem:$0x7FB] =	sst s5  }
0x192: {  	v17 =	vand.u32 @!p5 $0x7F, v17;
	s0 =	sor.u32 @!p3 $0x50, s0;
	s14 =	spop @!p0 (v2sf);
	[smem:$0x7F9] =	sst s13  }
0x193: {  	v25 =	vor.u32 @!p5 v17, v25;
	s5 =	sand.u32 @!p6 $0x1FFFFFFC, s12;
	s7 =	simm.s32 @!p1 $0x0;
	s13 =	sld [smem:$0x7F4]  }
0x194: {  	v17 =	vor.u32 @!p5 v17, v28;
	v30 =	vbroadcast @!p3 v13, $0xA;
	s12 =	sshll.u32 @!p0 s14, $0x2;
	s7 =	simm.s32 @p1 $0x1;
	s15 =	sld [smem:$0x7FB]  }
0x195: {  	[tilespmem:s28+$0xFFFFFE40] =	vst @!p2 v29;
	s14 =	simm.s32 @!p5 $0x4A80;
	p1 =	sge.s32 s17, s19;
	s17 =	sld [smem:$0x7F5]  }
0x196: {  	v29 =	vshll.u32 @!p3 v30, $0x3;
	[smem:$0x7FA] =	sst s7;
	s7 =	sadd.s32 @!p2 $0xFFFFFE40, s28;
	[tilespmem:s3+$0x1EA80] =	vst @!p2 v20;
	s3 =	simm.s32 @!p2 $0x0  }
0x197: {  	v20 =	vand.u32 @!p3 $0xFFFFFC00, v29;
	[hbm4b:s6+s3] =	stream.linear.scatter @!p2 [tilespmem:s7], [sflag:$0x1], $0x20, $0x38;
	[tilespmem:$0x1FA80] =	vst v63  }
0x198: {  	v28 =	vand.u32 @!p3 $0x7F, v30;
	s21 =	sld [smem:$0x7FB];
	v30 =	vadd.s32 @!p3 v11, v20;
	v20 =	vadd.s32 @!p3 v12, v20;
	s3 =	sand.u32 @!p0 $0x1FFFFFFC, s12;
	s6 =	simm.s32 @!p4 $0x0;
	v46 =	vld.idx.msk @!p5 [tilespmem:v25+s14+$0x0], $0xffff  }
0x199: {  	v29 =	vshll.u32 @!p4 v15, $0x3;
	p2 =	seq.s32 s13, $0x1;
	s12 =	simm.s32 @!p1 $0x0;
	v31 =	vor.u32 @!p3 v28, v30;
	v30 =	vor.u32 @!p3 v28, v20;
	v28 =	vld.idx.msk @!p5 [tilespmem:v17+s14+$0x0], $0xffff;
	s14 =	sld [smem:$0x7FA]  }
0x19a: {  	(v2sf) =	vpush @!p3 v16, $0xA;
	v29 =	vand.u32 @!p4 $0xFFFFFC00, v29;
	s13 =	sld [smem:$0x7F0];
	s6 =	simm.s32 @p4 $0x1;
	s7 =	sadd.s32 @!p0 s4, s3  }
0x19b: {  	(v2sf) =	vpush @!p4 v16, $0xB;
	v25 =	vadd.s32 @!p4 v11, v29;
	v32 =	vadd.s32 @!p4 v12, v29;
	p0 =	seq.s32 s15, $0x1;
	s12 =	simm.s32 @p1 $0x1;
	p4 =	seq.s32 s17, $0x1  }
0x19c: {  	[smem:$0x7F2] =	sst s6;
	s6 =	spop @!p2 (v2sf);
	p3 =	seq.s32 s14, $0x1  }
0x19d: {  	s15 =	sadd.s32 @!p5 $0xFFFFFE60, s28;
	s3 =	sshll.u32 @!p2 s6, $0x2;
	s9 =	sadd.s32 @!p3 $0xFFFFFFC0, s26  }
0x19e: {  	s6 =	sand.u32 @!p2 $0x1FFFFFFC, s3;
	s3 =	sor.u32 @!p3 $0x30, s9;
	s9 =	sadd.s32 @!p0 $0xFFFFFFE0, s26  }
0x19f: {  	[smem:$0x7F3] =	sst s12;
	s30 =	sor.u32 @!p0 $0x50, s9;
	s9 =	spop @!p4 (v2sf)  }
0x1a0: {  	v20 =	vbroadcast @!p1 v13, $0xC;
	v17 =	vbroadcast @!p0 v13, $0xE;
	s12 =	sadd.s32 @!p5 $0xFFFFFE60, s26;
	p2 =	seq.s32 s16, $0x1;
	s9 =	sshll.u32 @!p4 s9, $0x2  }
0x1a1: {  	s12 =	sor.u32 @!p5 $0x50, s12;
	v29 =	vbroadcast @!p3 v13, $0xD;
	v13 =	vbroadcast @!p2 v13, $0xF;
	p2 =	seq.s32 s20, $0x1;
	[tilespmem:s28+$0xFFFFFE60] =	vst @!p5 v46;
	s9 =	sand.u32 @!p4 $0x1FFFFFFC, s9  }
0x1a2: {  	v23 =	vand.u32 @!p6 $0x7F, v23;
	v39 =	vshll.u32 @!p1 v20, $0x3;
	[tilespmem:s12+$0x1EA80] =	vst @!p5 v28;
	s14 =	spop @!p2 (v2sf);
	s17 =	sadd.s32 @!p4 s4, s9;
	s9 =	simm.s32 @!p5 $0x0  }
0x1a3: {  	v47 =	vor.u32 @!p6 v23, v27;
	v23 =	vor.u32 @!p6 v23, v26;
	v27 =	vand.u32 @!p1 $0xFFFFFC00, v39;
	[hbm4b:s2+s9] =	stream.linear.scatter @!p5 [tilespmem:s15], [sflag:$0x1], $0x20, $0x38;
	[tilespmem:$0x1FA80] =	vst v63  }
0x1a4: {  	v41 =	vadd.s32 @!p1 v11, v27;
	v39 =	vadd.s32 @!p1 v12, v27;
	v48 =	vshll.u32 @!p3 v29, $0x3;
	s2 =	sshll.u32 @!p2 s14, $0x2;
	s14 =	sld [smem:$0x7F7]  }
0x1a5: {  	s5 =	sadd.s32 @!p6 s4, s5;
	s16 =	sld [smem:$0x7F1];
	(v2sf) =	vpush @!p1 v16, $0xC;
	v26 =	vand.u32 @!p3 $0x7F, v29;
	v27 =	vand.u32 @!p3 $0xFFFFFC00, v48  }
0x1a6: {  	p0 =	por p3, p3;
	(v2sf) =	vpush @!p3 v16, $0xD;
	v28 =	vadd.s32 @!p3 v11, v27;
	v27 =	vadd.s32 @!p3 v12, v27;
	p3 =	seq.s32 s21, $0x1;
	s15 =	sld [smem:$0x7F8]  }
0x1a7: {  	s20 =	sld [smem:$0x7F9];
	s12 =	simm.s32 @!p6 $0x4A80;
	v46 =	vshll.u32 @!p3 v17, $0x3;
	v29 =	vor.u32 @!p0 v26, v28;
	v27 =	vor.u32 @!p0 v26, v27;
	p0 =	seq.s32 s14, $0x1  }
0x1a8: {  	p1 =	seq.s32 s13, $0x1;
	s21 =	sld [smem:$0x7F2];
	v26 =	vand.u32 @!p3 $0xFFFFFC00, v46;
	v46 =	vld.idx.msk @!p6 [tilespmem:v47+s12+$0x0], $0xffff;
	s9 =	spop @!p0 (v2sf)  }
0x1a9: {  	v47 =	vld.idx.msk @!p6 [tilespmem:v23+s12+$0x0], $0xffff;
	s12 =	sand.u32 @!p2 $0x1FFFFFFC, s2;
	p4 =	seq.s32 s15, $0x1;
	s2 =	sshll.u32 @!p0 s9, $0x2  }
0x1aa: {  	p2 =	seq.s32 s16, $0x1;
	s9 =	spop @!p4 (v2sf);
	s2 =	sand.u32 @!p0 $0x1FFFFFFC, s2  }
0x1ab: {  	p5 =	seq.s32 s20, $0x1;
	v49 =	vand.u32 @!p2 $0x7F, v21;
	s9 =	sshll.u32 @!p4 s9, $0x2;
	s15 =	sadd.s32 @!p0 s4, s2  }
0x1ac: {  	v43 =	vor.u32 @!p2 v49, v43;
	(v2sf) =	vpush @!p3 v16, $0xE;
	s2 =	sand.u32 @!p4 $0x1FFFFFFC, s9;
	s9 =	spop @!p5 (v2sf);
	p0 =	seq.s32 s21, $0x1  }
0x1ad: {  	s13 =	simm.s32 @!p2 $0x4A80;
	[tilespmem:s28+$0xFFFFFE80] =	vst @!p6 v46;
	s9 =	sshll.u32 @!p5 s9, $0x2;
	s14 =	spop @!p0 (v2sf);
	(v2sf) =	vpush @!p1 v16, $0xF;
	v16 =	vor.u32 @!p2 v49, v44  }
0x1ae: {  	[tilespmem:s11+$0x1EA80] =	vst @!p6 v47;
	s11 =	simm.s32 @!p6 $0x0;
	s9 =	sand.u32 @!p5 $0x1FFFFFFC, s9;
	s14 =	sshll.u32 @!p0 s14, $0x2  }
0x1af: {  	s16 =	sadd.s32 @!p5 s4, s9;
	s9 =	sand.u32 @!p0 $0x1FFFFFFC, s14;
	s14 =	sadd.s32 @!p6 $0xFFFFFE80, s28  }
0x1b0: {  	[hbm4b:s5+s11] =	stream.linear.scatter @!p6 [tilespmem:s14], [sflag:$0x1], $0x20, $0x38;
	[tilespmem:$0x1FA80] =	vst v63  }
0x1b1: {  	v43 =	vld.idx.msk @!p2 [tilespmem:v43+s13+$0x0], $0xffff  }
0x1b2: {  	v16 =	vld.idx.msk @!p2 [tilespmem:v16+s13+$0x0], $0xffff;
	s13 =	sld [smem:$0x7F4]  }
0x1b3: {  	v23 =	vshll.u32 @!p1 v13, $0x3  }
0x1b4: {  	v48 =	vand.u32 @!p1 $0xFFFFFC00, v23  }
0x1b5: {  	v23 =	vadd.s32 @!p1 v11, v48;
	v21 =	vadd.s32 @!p1 v12, v48;
	s2 =	sadd.s32 @!p4 s4, s2;
	p4 =	por p1, p1;
	p1 =	seq.s32 s13, $0x1  }
0x1b6: {  	s20 =	sld [smem:$0x7FA];
	v37 =	vand.u32 @!p1 $0x7F, v37  }
0x1b7: {  	v44 =	vor.u32 @!p1 v37, v45  }
0x1b8: {  	p5 =	por p0, p0;
	v37 =	vor.u32 @!p1 v37, v42  }
0x1b9: {  	s14 =	sadd.s32 @!p0 s4, s9;
	s11 =	sld [smem:$0x7F3];
	p0 =	seq.s32 s20, $0x1;
	[tilespmem:s28+$0xFFFFFEA0] =	vst @!p2 v43  }
0x1ba: {  	s20 =	simm.s32 @!p2 $0x0;
	s13 =	sadd.s32 @!p2 $0xFFFFFEA0, s28;
	s21 =	simm.s32 @!p1 $0x4A80;
	[tilespmem:s28+$0xFFFFFEB0] =	vst @!p2 v16  }
0x1bb: {  	[hbm4b:s7+s20] =	stream.linear.scatter @!p2 [tilespmem:s13], [sflag:$0x1], $0x20, $0x38;
	[tilespmem:$0x1FA80] =	vst v63  }
0x1bc: {  	v16 =	vld.idx.msk @!p1 [tilespmem:v44+s21+$0x0], $0xffff  }
0x1bd: {  	p6 =	seq.s32 s11, $0x1;
	v37 =	vld.idx.msk @!p1 [tilespmem:v37+s21+$0x0], $0xffff  }
0x1be: {  	s5 =	spop @!p6 (v2sf)  }
0x1bf: {  	s9 =	spop @!p0 (v2sf)  }
0x1c0: {  	s10 =	sor.u32 @!p1 $0x30, s10;
	s11 =	spop @!p3 (v2sf)  }
0x1c1: {  	s6 =	sadd.s32 @!p1 s4, s6;
	s7 =	sshll.u32 @!p3 s11, $0x2;
	s21 =	sld [smem:$0x7F5];
	[tilespmem:s28+$0xFFFFFEC0] =	vst @!p1 v16  }
0x1c2: {  	s20 =	sadd.s32 @!p1 $0xFFFFFEC0, s28;
	s7 =	sand.u32 @!p3 $0x1FFFFFFC, s7;
	[tilespmem:s10+$0x1EA80] =	vst @!p1 v37;
	s10 =	simm.s32 @!p1 $0x0  }
0x1c3: {  	[hbm4b:s6+s10] =	stream.linear.scatter @!p1 [tilespmem:s20], [sflag:$0x1], $0x20, $0x38;
	[tilespmem:$0x1FA80] =	vst v63  }
0x1c4: {  	v28 =	vadd.s32 @!p3 v11, v26;
	v26 =	vadd.s32 @!p3 v12, v26;
	s7 =	sadd.s32 @!p3 s4, s7;
	p3 =	seq.s32 s21, $0x1;
	s10 =	sld [smem:$0x7F6]  }
0x1c5: {  	s13 =	simm.s32 @!p3 $0x4A80  }
0x1c6: {  	v16 =	vld.idx.msk @!p3 [tilespmem:v36+s13+$0x0], $0xffff  }
0x1c7: {  	v33 =	vld.idx.msk @!p3 [tilespmem:v33+s13+$0x0], $0xffff;
	p2 =	seq.s32 s10, $0x1  }
0x1c8: {  	v18 =	vand.u32 @!p2 $0x7F, v18  }
0x1c9: {  	v36 =	vor.u32 @!p2 v18, v40  }
0x1ca: {  	v18 =	vor.u32 @!p2 v18, v38  }
0x1cb: {  	s9 =	sshll.u32 @!p0 s9, $0x2;
	s6 =	sadd.s32 @!p3 $0xFFFFFEE0, s28;
	[tilespmem:s28+$0xFFFFFEE0] =	vst @!p3 v16  }
0x1cc: {  	s13 =	sld [smem:$0x7F7];
	s10 =	simm.s32 @!p2 $0x4A80;
	[tilespmem:s1+$0x1EA80] =	vst @!p3 v33;
	s1 =	simm.s32 @!p3 $0x0  }
0x1cd: {  	[hbm4b:s17+s1] =	stream.linear.scatter @!p3 [tilespmem:s6], [sflag:$0x1], $0x20, $0x38;
	[tilespmem:$0x1FA80] =	vst v63  }
0x1ce: {  	s9 =	sand.u32 @!p0 $0x1FFFFFFC, s9;
	v16 =	vld.idx.msk @!p2 [tilespmem:v36+s10+$0x0], $0xffff  }
0x1cf: {  	s9 =	sadd.s32 @!p0 s4, s9;
	p0 =	seq.s32 s13, $0x1;
	v18 =	vld.idx.msk @!p2 [tilespmem:v18+s10+$0x0], $0xffff  }
0x1d0: {  	v14 =	vand.u32 @!p0 $0x7F, v14  }
0x1d1: {  	v24 =	vor.u32 @!p0 v14, v24  }
0x1d2: {  	v14 =	vor.u32 @!p0 v14, v22  }
0x1d3: {  	s1 =	simm.s32 @!p0 $0x4A80;
	s6 =	sadd.s32 @!p2 $0xFFFFFF00, s28;
	[tilespmem:s28+$0xFFFFFF00] =	vst @!p2 v16  }
0x1d4: {  	s17 =	sld [smem:$0x7F8];
	s10 =	sadd.s32 @!p2 s4, s12;
	s12 =	simm.s32 @!p2 $0x0;
	[tilespmem:s31+$0x1EA80] =	vst @!p2 v18  }
0x1d5: {  	[hbm4b:s10+s12] =	stream.linear.scatter @!p2 [tilespmem:s6], [sflag:$0x1], $0x20, $0x38;
	[tilespmem:$0x1FA80] =	vst v63  }
0x1d6: {  	v16 =	vld.idx.msk @!p0 [tilespmem:v24+s1+$0x0], $0xffff  }
0x1d7: {  	p2 =	seq.s32 s17, $0x1;
	v14 =	vld.idx.msk @!p0 [tilespmem:v14+s1+$0x0], $0xffff  }
0x1d8: {  	v18 =	vand.u32 @!p2 $0x7F, v19  }
0x1d9: {  	v19 =	vor.u32 @!p2 v18, v34  }
0x1da: {  	v18 =	vor.u32 @!p2 v18, v35  }
0x1db: {  	[tilespmem:s28+$0xFFFFFF20] =	vst @!p0 v16  }
0x1dc: {  	s6 =	simm.s32 @!p0 $0x0;
	s1 =	sadd.s32 @!p0 $0xFFFFFF20, s28;
	s10 =	simm.s32 @!p2 $0x4A80;
	[tilespmem:s28+$0xFFFFFF30] =	vst @!p0 v14  }
0x1dd: {  	[hbm4b:s15+s6] =	stream.linear.scatter @!p0 [tilespmem:s1], [sflag:$0x1], $0x20, $0x38;
	[tilespmem:$0x1FA80] =	vst v63  }
0x1de: {  	v14 =	vld.idx.msk @!p2 [tilespmem:v19+s10+$0x0], $0xffff  }
0x1df: {  	v16 =	vld.idx.msk @!p2 [tilespmem:v18+s10+$0x0], $0xffff;
	_ =	sdelay $0x1  }
0x1e0: {  	s20 =	sld [smem:$0x7F9];
	_ =	sdelay $0x1  }
0x1e1: {  	s1 =	sadd.s32 @!p2 $0xFFFFFF40, s28;
	[tilespmem:s28+$0xFFFFFF40] =	vst @!p2 v14  }
0x1e2: {  	s6 =	simm.s32 @!p2 $0x0;
	p0 =	por p2, p2;
	[tilespmem:s8+$0x1EA80] =	vst @!p2 v16;
	p2 =	seq.s32 s20, $0x1  }
0x1e3: {  	s8 =	simm.s32 @!p2 $0x4A80  }
0x1e4: {  	[hbm4b:s2+s6] =	stream.linear.scatter @!p0 [tilespmem:s1], [sflag:$0x1], $0x20, $0x38;
	[tilespmem:$0x1FA80] =	vst v63  }
0x1e5: {  	v14 =	vld.idx.msk @!p2 [tilespmem:v31+s8+$0x0], $0xffff  }
0x1e6: {  	v16 =	vld.idx.msk @!p2 [tilespmem:v30+s8+$0x0], $0xffff  }
0x1e7: {  	v15 =	vand.u32 @!p5 $0x7F, v15  }
0x1e8: {  	v18 =	vor.u32 @!p5 v15, v25  }
0x1e9: {  	v15 =	vor.u32 @!p5 v15, v32  }
0x1ea: {  	[tilespmem:s28+$0xFFFFFF60] =	vst @!p2 v14  }
0x1eb: {  	s1 =	sadd.s32 @!p2 $0xFFFFFF60, s28;
	s2 =	simm.s32 @!p5 $0x4A80;
	[tilespmem:s0+$0x1EA80] =	vst @!p2 v16;
	s0 =	simm.s32 @!p2 $0x0  }
0x1ec: {  	[hbm4b:s16+s0] =	stream.linear.scatter @!p2 [tilespmem:s1], [sflag:$0x1], $0x20, $0x38;
	[tilespmem:$0x1FA80] =	vst v63  }
0x1ed: {  	v14 =	vld.idx.msk @!p5 [tilespmem:v18+s2+$0x0], $0xffff  }
0x1ee: {  	v15 =	vld.idx.msk @!p5 [tilespmem:v15+s2+$0x0], $0xffff  }
0x1ef: {  	v16 =	vand.u32 @!p6 $0x7F, v20  }
0x1f0: {  	v18 =	vor.u32 @!p6 v16, v41  }
0x1f1: {  	v16 =	vor.u32 @!p6 v16, v39  }
0x1f2: {  	[tilespmem:s28+$0xFFFFFF80] =	vst @!p5 v14  }
0x1f3: {  	s0 =	sadd.s32 @!p5 $0xFFFFFF80, s28;
	s1 =	simm.s32 @!p5 $0x0;
	s2 =	simm.s32 @!p6 $0x4A80;
	[tilespmem:s29+$0x1EA80] =	vst @!p5 v15  }
0x1f4: {  	[hbm4b:s14+s1] =	stream.linear.scatter @!p5 [tilespmem:s0], [sflag:$0x1], $0x20, $0x38;
	[tilespmem:$0x1FA80] =	vst v63  }
0x1f5: {  	v14 =	vld.idx.msk @!p6 [tilespmem:v18+s2+$0x0], $0xffff  }
0x1f6: {  	s21 =	sld [smem:$0x7FA];
	v15 =	vld.idx.msk @!p6 [tilespmem:v16+s2+$0x0], $0xffff;
	_ =	sdelay $0x2  }
0x1f7: {  	s5 =	sshll.u32 @!p6 s5, $0x2;
	p2 =	seq.s32 s21, $0x1  }
0x1f8: {  	s5 =	sand.u32 @!p6 $0x1FFFFFFC, s5;
	s29 =	sld [smem:$0x7FB];
	s0 =	simm.s32 @!p2 $0x4A80;
	[tilespmem:s28+$0xFFFFFFA0] =	vst @!p6 v14  }
0x1f9: {  	s1 =	sadd.s32 @!p6 $0xFFFFFFA0, s28;
	s2 =	sadd.s32 @!p6 s4, s5;
	s5 =	simm.s32 @!p6 $0x0;
	[tilespmem:s28+$0xFFFFFFB0] =	vst @!p6 v15  }
0x1fa: {  	[hbm4b:s2+s5] =	stream.linear.scatter @!p6 [tilespmem:s1], [sflag:$0x1], $0x20, $0x38;
	[tilespmem:$0x1FA80] =	vst v63  }
0x1fb: {  	v14 =	vld.idx.msk @!p2 [tilespmem:v29+s0+$0x0], $0xffff  }
0x1fc: {  	p0 =	seq.s32 s29, $0x1;
	v15 =	vld.idx.msk @!p2 [tilespmem:v27+s0+$0x0], $0xffff  }
0x1fd: {  	v16 =	vand.u32 @!p0 $0x7F, v17  }
0x1fe: {  	v17 =	vor.u32 @!p0 v16, v28  }
0x1ff: {  	v16 =	vor.u32 @!p0 v16, v26  }
0x200: {  	[tilespmem:s28+$0xFFFFFFC0] =	vst @!p2 v14  }
0x201: {  	s1 =	simm.s32 @!p2 $0x0;
	s2 =	simm.s32 @!p0 $0x4A80;
	s0 =	sadd.s32 @!p2 $0xFFFFFFC0, s28;
	[tilespmem:s3+$0x1EA80] =	vst @!p2 v15  }
0x202: {  	[hbm4b:s9+s1] =	stream.linear.scatter @!p2 [tilespmem:s0], [sflag:$0x1], $0x20, $0x38;
	[tilespmem:$0x1FA80] =	vst v63  }
0x203: {  	v14 =	vld.idx.msk @!p0 [tilespmem:v17+s2+$0x0], $0xffff  }
0x204: {  	v15 =	vld.idx.msk @!p0 [tilespmem:v16+s2+$0x0], $0xffff;
	_ =	sdelay $0x3  }
0x205: {  	s31 =	sld [smem:$0x7FC];
	[tilespmem:s28+$0xFFFFFFE0] =	vst @!p0 v14  }
0x206: {  	v13 =	vand.u32 @!p4 $0x7F, v13;
	s0 =	sadd.s32 @!p0 $0xFFFFFFE0, s28;
	s1 =	simm.s32 @!p0 $0x0;
	[tilespmem:s30+$0x1EA80] =	vst @!p0 v15  }
0x207: {  	v16 =	vor.u32 @!p4 v13, v23;
	[hbm4b:s7+s1] =	stream.linear.scatter @!p0 [tilespmem:s0], [sflag:$0x1], $0x20, $0x38;
	[tilespmem:$0x1FA80] =	vst v63  }
0x208: {  	v13 =	vor.u32 @!p4 v13, v21;
	p0 =	seq.s32 s31, $0x1  }
.Ltmp10:
0x209: {  	_ = 	snop;
	(pc) =	sbr.rel @!p0 .LBB2_11-.Ltmp10, $4  }
0x20a: {  	s24 =	sadd.s32 $0x10, s24;
	s11 =	spop @!p4 (v2sf)  }
0x20b: {  	s25 =	sadd.s32 $0x10, s25;
	s11 =	sshll.u32 @!p4 s11, $0x2;
	s2 =	simm.s32 @!p4 $0x4A80  }
0x20c: {  	s23 =	sadd.s32 $0x10, s23;
	s11 =	sand.u32 @!p4 $0x1FFFFFFC, s11;
	s6 =	rddreg [dreg:$0x5];
	v14 =	vld.idx.msk @!p4 [tilespmem:v16+s2+$0x0], $0xffff  }
0x20d: {  	s11 =	sadd.s32 @!p4 s4, s11;
	s5 =	rddreg [dreg:$0x4];
	p2 =	por p4, p4;
	v13 =	vld.idx.msk @!p4 [tilespmem:v13+s2+$0x0], $0xffff  }
.LBB2_12:
0x20e: {  	_ =	sdelay $0x2  }
0x20f: {  	s0 =	sor.u32 @!p2 $0x70, s5;
	[tilespmem:s6+$0x0] =	vst @!p2 v14  }
0x210: {  	[tilespmem:s0+$0x1EA80] =	vst @!p2 v13;
	s0 =	simm.s32 @!p2 $0x0  }
0x211: {  	[hbm4b:s11+s0] =	stream.linear.scatter @!p2 [tilespmem:s6], [sflag:$0x1], $0x20, $0x38;
	[tilespmem:$0x1FA80] =	vst v63  }
0x212: {  	s10 =	simm.s32 $0x1;
	s12 =	rddreg [dreg:$0xb];
	s11 =	simm.s32 $0x4A00  }
.LBB2_13:
0x213: {  	p0 =	sgt.s32 s18, $0x0  }
.Ltmp11:
0x214: {  	_ = 	snop;
	(pc) =	sbr.rel @!p0 .LBB2_4-.Ltmp11, $1  }
0x215: {  	_ =	sdelay $0x3  }
0x216: {  	p0 =	seq.s32 s19, $0x1  }
.Ltmp12:
0x217: {  	_ = 	snop;
	(pc) =	sbr.rel @p0 .LBB2_16-.Ltmp12, $3  }
0x218: {  	_ =	sdelay $0x1  }
0x219: {  	_ =	swait.ge [sflag:s10], $0x20  }
0x21a: {  	s0 =	sadd.s32 $0xFFFFFFFF, s19;
	[sflag:s10] =	ssyncset.done $0x0  }
.LBB2_15:
0x21b: {  	p0 =	seq.s32 s0, $0x1;
	s0 =	sadd.s32 $0xFFFFFFFF, s0;
	[sflag:s10] =	ssyncadd.s32 $0xFFFFFFE0  }
.Ltmp13:
0x21c: {  	(pc) =	sbr.rel @!p0 .LBB2_15-.Ltmp13, $3  }
0x21d: {  	_ =	sdelay $0x1  }
0x21e: {  	_ =	swait.ge [sflag:s10], $0x20  }
0x21f: {  	[sflag:s10] =	ssyncset.done $0x0  }
.Ltmp14:
0x220: {  	_ = 	snop;
	(pc) =	sbr.rel .LBB2_16-.Ltmp14, $1  }
0x221: {  	_ =	sdelay $0x3  }
.LBB2_18:
0x222: {  	_ =	sfence.sel $0x180000  }
0x223: {  	[bflag:$0x0] =	sbarrier.arrive $0xFFFF  }
0x224: {  	_ =	strace $0x90000047  }
0x225: {  	s0 =	stileid.u32;
	[bflag:$0x2] =	sbarrier.arrive $0xFFFF  }
0x226: {  	p0 =	sne.s32 s0, $0x0;
	s0 =	rddreg [dreg:$0x3]  }
0x227: {  	s0 =	sadd.s32 @!p0 $0x100000, s0  }
0x228: {  	[sflag:s0] =	ssyncadd.tile.s32 @!p0 $0x1;
	_ =	shalt  }
.Lfunc_end2:
_tile_overlayer_lowered:
.L_overlay_start_2:
0x229: {  	(tag) =	ssettag $0x2  }
0x22a: {  	s0 =	rddreg [dreg:$0x0];
	s2 =	stileid.u32  }
0x22b: {  	s1 =	rddreg [dreg:$0x1];
	p0 =	sne.s32 s2, $0x0  }
0x22c: {  	s3 =	rddreg [dreg:$0x2];
	[bflag:$0x3] =	sbarrier.arrive $0xFFFF;
	s2 =	simm.s32 @!p0 $0x1C03  }
0x22d: {  	[timem:s3], [sflag:s2] =	dma.local @!p0 [hbm:s0], s1  }
0x22e: {  	s0 =	simm.s32 @!p0 $0x3  }
0x22f: {  	_ =	swait.ge @!p0 [sflag:s0], s1  }
0x230: {  	s1 =	ssub.s32 @!p0 $0x0, s1;
	[sflag:s0] =	ssyncset.done @!p0 $0x0  }
0x231: {  	[sflag:s0] =	ssyncadd.s32 @!p0 s1  }
0x232: {  	[bflag:$0x3] =	sbarrier.arrive $0xFFFF  }
0x233: {  	_ =	shalt  }

</sc_bundles>
